<compile_context>
chip_gen: v7x
topology: tpu7x:2x2x1
jax: 0.10.2.dev20260603
libtpu: 0.0.44.dev20260713+nightly
codegen_flags: <defaults>
</compile_context>

<pallas_src>
import functools

import jax
import jax.numpy as jnp
from jax import lax
from jax.experimental import pallas as pl
from jax.experimental.pallas import tpu as pltpu
from jax.experimental.pallas import tpu_sc as plsc

_SATELLITE_SPACER_LEN = 17
_NUM_GSPS = 360


def _pad_table_tc(table_t, width):
    E, V = table_t.shape

    def body(t_ref, out_ref):
        shifted = t_ref[:, _NUM_GSPS:].T
        padded = jnp.concatenate(
            [shifted, jnp.zeros((V - _NUM_GSPS, width - E), jnp.float32)],
            axis=1)
        out_ref[...] = jnp.concatenate(
            [padded, jnp.zeros((_NUM_GSPS, width), jnp.float32)], axis=0)

    return pl.pallas_call(
        body,
        out_shape=jax.ShapeDtypeStruct((V, width), jnp.float32),
    )(table_t)


def _sc_embedding_gather(table, idx):
    B, N = idx.shape
    V, Ep = table.shape
    info = plsc.get_sparse_core_info()
    L = info.num_lanes
    num_workers = info.num_cores * info.num_subcores
    rows_per_w = max(1, B // num_workers)

    mesh = plsc.VectorSubcoreMesh(core_axis_name="c", subcore_axis_name="s")

    @functools.partial(
        pl.kernel,
        mesh=mesh,
        out_type=jax.ShapeDtypeStruct((B, N, Ep), jnp.float32),
        scratch_types=[
            pltpu.VMEM((N,), jnp.int32),
            pltpu.VMEM((N, Ep), jnp.float32),
            pltpu.SemaphoreType.DMA,
        ],
    )
    def gather_kernel(table_hbm, idx_hbm, out_hbm, idx_v, rows_v, sem):
        wid = lax.axis_index("s") * info.num_cores + lax.axis_index("c")

        @pl.when(wid * rows_per_w < B)
        def _():
            for r in range(rows_per_w):
                row = wid * rows_per_w + r
                pltpu.sync_copy(idx_hbm.at[row], idx_v)
                pltpu.async_copy(table_hbm.at[idx_v], rows_v, sem).wait()
                pltpu.sync_copy(rows_v, out_hbm.at[row])

    return gather_kernel(table, idx)


def _assemble(t0s, tf_t, tft0, az, el, yf_t, xf_t, emb, pv, e_dim,
              interpret=False):
    B, Ft, T = tf_t.shape
    _, Fp, N = yf_t.shape
    Ep = emb.shape[-1]
    E = e_dim
    D = Ft + Ft + 2 + Fp + Fp + _SATELLITE_SPACER_LEN + 1 + E + 1

    BB = 4 if B % 4 == 0 else 1

    def body(t0_ref, tf_ref, tft0_ref, az_ref, el_ref, y_ref, x_ref,
             emb_ref, pv_ref, out_ref):
        for r in range(BB):
            b = pl.program_id(0) * BB + r
            rows = slice(r * T, (r + 1) * T)
            t_f = tf_ref[r].T
            t0 = tft0_ref[b]
            az_ = az_ref[b]
            el_ = el_ref[b]
            base = jnp.concatenate([
                t_f,
                jnp.broadcast_to(t0[None, :], (T, Ft)),
                az_[:, None],
                el_[:, None],
            ], axis=1)
            for d in range(2 * Ft + 2):
                out_ref[d, rows] = jnp.broadcast_to(base[:, d:d + 1], (T, N))
            for d in range(Fp):
                out_ref[2 * Ft + 2 + d, rows] = jnp.broadcast_to(
                    y_ref[r, d:d + 1, :], (T, N))
                out_ref[2 * Ft + 2 + Fp + d, rows] = jnp.broadcast_to(
                    x_ref[r, d:d + 1, :], (T, N))
            e_t = emb_ref[r][:, :E].T
            for d in range(E):
                out_ref[D - 1 - E + d, rows] = jnp.broadcast_to(
                    e_t[d:d + 1, :], (T, N))
            z0 = 2 * Ft + 2 + 2 * Fp
            out_ref[z0:z0 + _SATELLITE_SPACER_LEN + 1, rows] = jnp.zeros(
                (_SATELLITE_SPACER_LEN + 1, T, N), jnp.float32)
            t_ids = lax.broadcasted_iota(jnp.int32, (T, N), 0)
            out_ref[D - 1, rows] = jnp.where(
                t_ids <= t0_ref[0], pv_ref[r], 0.0)

    return pl.pallas_call(
        body,
        grid=(B // BB,),
        in_specs=[
            pl.BlockSpec(memory_space=pltpu.SMEM),
            pl.BlockSpec((BB, Ft, T), lambda b: (b, 0, 0)),
            pl.BlockSpec((B, Ft), lambda b: (0, 0)),
            pl.BlockSpec((B, T), lambda b: (0, 0)),
            pl.BlockSpec((B, T), lambda b: (0, 0)),
            pl.BlockSpec((BB, Fp, N), lambda b: (b, 0, 0)),
            pl.BlockSpec((BB, Fp, N), lambda b: (b, 0, 0)),
            pl.BlockSpec((BB, N, Ep), lambda b: (b, 0, 0)),
            pl.BlockSpec((BB, T, N), lambda b: (b, 0, 0)),
        ],
        out_specs=pl.BlockSpec((D, BB * T, N), lambda b: (0, b, 0)),
        out_shape=jax.ShapeDtypeStruct((D, B * T, N), jnp.float32),
        interpret=interpret,
    )(t0s, tf_t, tft0, az, el, yf_t, xf_t, emb, pv)


def kernel(pv, pv_solar_azimuth, pv_solar_elevation, pv_time_utc_fourier,
           pv_time_utc_fourier_t0, pv_y_osgb_fourier, pv_x_osgb_fourier,
           pv_system_row_number, pv_t0_idx, embedding_table):
    B, T, N = pv.shape
    E = embedding_table.shape[-1]
    table_p = _pad_table_tc(jnp.transpose(embedding_table, (1, 0)), 128)
    emb = _sc_embedding_gather(table_p,
                               pv_system_row_number.astype(jnp.int32))
    t0s = jnp.asarray(pv_t0_idx, jnp.int32).reshape(1)
    out = _assemble(
        t0s,
        jnp.transpose(pv_time_utc_fourier, (0, 2, 1)),
        pv_time_utc_fourier_t0,
        pv_solar_azimuth,
        pv_solar_elevation,
        jnp.transpose(pv_y_osgb_fourier, (0, 2, 1)),
        jnp.transpose(pv_x_osgb_fourier, (0, 2, 1)),
        emb,
        pv,
        e_dim=E,
    )
    return jnp.transpose(out, (1, 2, 0))

# --- scband reference (transcript-rebuilt; emitter-appended) ---
"""Pipeline reference for scband-pvquery-generator-23871428231219 (READ-ONLY COPY).

The authoritative reference and input builder live on the scoring server;
editing this copy changes nothing except your own understanding.
"""

import jax, jax.numpy as jnp
import numpy as np

SATELLITE_SPACER_LEN = 17
NUM_GSPS = 360

def setup_inputs(seed: int = 0) -> dict:
    key = jax.random.key(seed)
    ks = jax.random.split(key, 10)
    B, T, N, Ft, Fp, E, V = 32, 32, 256, 8, 8, 16, 2048
    return {
        "pv": jax.random.uniform(ks[0], (B, T, N), dtype=jnp.float32),
        "pv_solar_azimuth": jax.random.uniform(ks[1], (B, T), dtype=jnp.float32),
        "pv_solar_elevation": jax.random.uniform(ks[2], (B, T), dtype=jnp.float32),
        "pv_time_utc_fourier": jax.random.normal(ks[3], (B, T, Ft), dtype=jnp.float32),
        "pv_time_utc_fourier_t0": jax.random.normal(ks[4], (B, Ft), dtype=jnp.float32),
        "pv_y_osgb_fourier": jax.random.normal(ks[5], (B, N, Fp), dtype=jnp.float32),
        "pv_x_osgb_fourier": jax.random.normal(ks[6], (B, N, Fp), dtype=jnp.float32),
        "pv_system_row_number": jax.random.randint(ks[7], (B, N), 0, 1688, dtype=jnp.int64) if jax.config.jax_enable_x64 else jax.random.randint(ks[7], (B, N), 0, 1688, dtype=jnp.int32),
        "pv_t0_idx": 15,
        "embedding_table": jax.random.normal(ks[8], (V, E), dtype=jnp.float32) * 0.02,
    }

def reference(pv, pv_solar_azimuth, pv_solar_elevation, pv_time_utc_fourier,
              pv_time_utc_fourier_t0, pv_y_osgb_fourier, pv_x_osgb_fourier,
              pv_system_row_number, pv_t0_idx, embedding_table):
    B, T, N = pv.shape
    # reshape_time_as_batch with pv zeroed after t0 (pv was detach().clone() in torch)
    t_mask = (jnp.arange(T) <= pv_t0_idx).astype(pv.dtype)[None, :, None]
    pv_zeroed = jax.lax.stop_gradient(pv) * t_mask
    pv_flat = pv_zeroed.reshape(B * T, N)
    az = pv_solar_azimuth.reshape(B * T)
    el = pv_solar_elevation.reshape(B * T)
    time_fourier = pv_time_utc_fourier.reshape(B * T, pv_time_utc_fourier.shape[-1])
    # embedding lookup with GSP offset
    row = (pv_system_row_number + NUM_GSPS).astype(jnp.int32)
    pv_system_embedding = jnp.take(embedding_table, row, axis=0)  # [B, N, E]
    # repeat_interleave over dim 0 by n_timesteps
    y_fourier = jnp.repeat(pv_y_osgb_fourier, T, axis=0)          # [B*T, N, Fp]
    x_fourier = jnp.repeat(pv_x_osgb_fourier, T, axis=0)          # [B*T, N, Fp]
    pv_system_embedding = jnp.repeat(pv_system_embedding, T, axis=0)  # [B*T, N, E]
    time_fourier_t0 = jnp.repeat(pv_time_utc_fourier_t0, T, axis=0)   # [B*T, Ft]
    # broadcast over pv systems
    tf_b = jnp.broadcast_to(time_fourier[:, None, :], (B * T, N, time_fourier.shape[-1]))
    tft0_b = jnp.broadcast_to(time_fourier_t0[:, None, :], (B * T, N, time_fourier_t0.shape[-1]))
    az_b = jnp.broadcast_to(az[:, None, None], (B * T, N, 1))
    el_b = jnp.broadcast_to(el[:, None, None], (B * T, N, 1))
    pv_power = pv_flat[..., None]
    pv_marker = jnp.zeros_like(az_b)
    satellite_spacer = jnp.zeros((B * T, N, SATELLITE_SPACER_LEN), dtype=tf_b.dtype)
    return jnp.concatenate((tf_b, tft0_b, az_b, el_b, y_fourier, x_fourier,
                            satellite_spacer, pv_marker, pv_system_embedding, pv_power), axis=2)

if __name__ == "__main__":
    import jax
    _d = setup_inputs()
    print(jax.jit(kernel)(*tuple(_d.values())))

</pallas_src>

<mosaic_0001>
#map = affine_map<(d0, d1) -> (0, 0)>
#map1 = affine_map<(d0, d1) -> (0, 0, 0)>
module attributes {stable_mosaic.version = 14 : i64} {
  func.func @gather_kernel(%arg0: i32, %arg1: i32, %arg2: memref<2048x128xf32, #tpu.memory_space<hbm>>, %arg3: memref<32x256xi32, #tpu.memory_space<hbm>>, %arg4: memref<32x256x128xf32, #tpu.memory_space<hbm>>, %arg5: memref<256xi32, #tpu.memory_space<vmem>>, %arg6: memref<256x128xf32, #tpu.memory_space<vmem>>, %arg7: memref<!tpu.dma_semaphore, #tpu.memory_space<semaphore_mem>>) attributes {dimension_semantics = [#tpu.dimension_semantics<core_parallel>, #tpu.dimension_semantics<subcore_parallel>], iteration_bounds = array<i64: 2, 16>, scalar_prefetch = 0 : i64, scratch_operands = 3 : i64, tpu.core_type = #tpu.core_type<sc_vector_subcore>, window_params = [{transform_indices = #map}, {transform_indices = #map}, {transform_indices = #map1}]} {
    %mul3A = arith.constant 2 : i32
    %mul3A_0 = arith.muli %arg1, %mul3A : i32
    %add3A = arith.addi %mul3A_0, %arg0 : i32
    %mul3A_1 = arith.constant 1 : i32
    %mul3A_2 = arith.muli %add3A, %mul3A_1 : i32
    %lt3A = arith.constant 32 : i32
    %lt3A_3 = arith.cmpi slt, %mul3A_2, %lt3A : i32
    %convert_element_type3A = arith.extui %lt3A_3 : i1 to i32
    %cond3A = arith.constant 0 : i32
    %cond3A_4 = arith.cmpi ne, %convert_element_type3A, %cond3A : i32
    scf.if %cond3A_4 {
      %mul3A_5 = arith.constant 1 : i32
      %mul3A_6 = arith.muli %add3A, %mul3A_5 : i32
      %add3A_7 = arith.constant 0 : i32
      %add3A_8 = arith.addi %mul3A_6, %add3A_7 : i32
      "tpu.region"() ({
        %run_scoped3A = tpu.sem_alloc : memref<!tpu.dma_semaphore, #tpu.memory_space<semaphore_mem>>
        %dma_start3A_13 = arith.constant 0 : i32
        %dma_start3A_14 = tpu.memref_slice %arg3[%add3A_8, %dma_start3A_13] : memref<32x256xi32, #tpu.memory_space<hbm>> -> memref<1x256xi32, #tpu.memory_space<hbm>>
        %dma_start3A_15 = tpu.memref_squeeze %dma_start3A_14 : memref<1x256xi32, #tpu.memory_space<hbm>> -> memref<256xi32, #tpu.memory_space<hbm>>
        %dma_start3A_16 = arith.constant 0 : i32
        %dma_start3A_17 = tpu.memref_slice %arg3[%add3A_8, %dma_start3A_16] : memref<32x256xi32, #tpu.memory_space<hbm>> -> memref<1x256xi32, #tpu.memory_space<hbm>>
        %dma_start3A_18 = tpu.memref_squeeze %dma_start3A_17 : memref<1x256xi32, #tpu.memory_space<hbm>> -> memref<256xi32, #tpu.memory_space<hbm>>
        tpu.enqueue_dma source(%dma_start3A_18 : memref<256xi32, #tpu.memory_space<hbm>>) target(%arg5 : memref<256xi32, #tpu.memory_space<vmem>>) target_semaphore(%run_scoped3A : memref<!tpu.dma_semaphore, #tpu.memory_space<semaphore_mem>>)
        %dma_wait3A_19 = arith.constant 0 : i32
        %dma_wait3A_20 = tpu.memref_slice %arg3[%add3A_8, %dma_wait3A_19] : memref<32x256xi32, #tpu.memory_space<hbm>> -> memref<1x256xi32, #tpu.memory_space<hbm>>
        %dma_wait3A_21 = tpu.memref_squeeze %dma_wait3A_20 : memref<1x256xi32, #tpu.memory_space<hbm>> -> memref<256xi32, #tpu.memory_space<hbm>>
        %dma_wait3A_22 = arith.constant 0 : i32
        %dma_wait3A_23 = tpu.memref_slice %arg3[%add3A_8, %dma_wait3A_22] : memref<32x256xi32, #tpu.memory_space<hbm>> -> memref<1x256xi32, #tpu.memory_space<hbm>>
        %dma_wait3A_24 = tpu.memref_squeeze %dma_wait3A_23 : memref<1x256xi32, #tpu.memory_space<hbm>> -> memref<256xi32, #tpu.memory_space<hbm>>
        tpu.wait_dma2 semaphore(%run_scoped3A : memref<!tpu.dma_semaphore, #tpu.memory_space<semaphore_mem>>) src(%dma_wait3A_24 : memref<256xi32, #tpu.memory_space<hbm>>) dst(%arg5 : memref<256xi32, #tpu.memory_space<vmem>>)
        tpu.yield
      }) : () -> ()
      %dma_start3A = arith.constant 0 : i32
      %dma_start3A_9 = arith.constant 0 : i32
      %dma_start3A_10 = tpu.memref_slice %arg2[%dma_start3A, %dma_start3A_9] : memref<2048x128xf32, #tpu.memory_space<hbm>> -> memref<2048x128xf32, #tpu.memory_space<hbm>>
      tpu.enqueue_indirect_dma source(%dma_start3A_10 : memref<2048x128xf32, #tpu.memory_space<hbm>>) target(%arg6 : memref<256x128xf32, #tpu.memory_space<vmem>>) offsets(%arg5 : memref<256xi32, #tpu.memory_space<vmem>>) semaphore(%arg7 : memref<!tpu.dma_semaphore, #tpu.memory_space<semaphore_mem>>)
      %dma_wait3A = arith.constant 0 : i32
      %dma_wait3A_11 = arith.constant 0 : i32
      %dma_wait3A_12 = tpu.memref_slice %arg2[%dma_wait3A, %dma_wait3A_11] : memref<2048x128xf32, #tpu.memory_space<hbm>> -> memref<2048x128xf32, #tpu.memory_space<hbm>>
      tpu.wait_indirect_dma semaphore(%arg7 : memref<!tpu.dma_semaphore, #tpu.memory_space<semaphore_mem>>) src(%dma_wait3A_12 : memref<2048x128xf32, #tpu.memory_space<hbm>>) dst(%arg6 : memref<256x128xf32, #tpu.memory_space<vmem>>)
      "tpu.region"() ({
        %run_scoped3A = tpu.sem_alloc : memref<!tpu.dma_semaphore, #tpu.memory_space<semaphore_mem>>
        %dma_start3A_13 = arith.constant 0 : i32
        %dma_start3A_14 = arith.constant 0 : i32
        %dma_start3A_15 = tpu.memref_slice %arg4[%add3A_8, %dma_start3A_13, %dma_start3A_14] : memref<32x256x128xf32, #tpu.memory_space<hbm>> -> memref<1x256x128xf32, #tpu.memory_space<hbm>>
        %dma_start3A_16 = tpu.memref_squeeze %dma_start3A_15 : memref<1x256x128xf32, #tpu.memory_space<hbm>> -> memref<256x128xf32, #tpu.memory_space<hbm>>
        %dma_start3A_17 = arith.constant 0 : i32
        %dma_start3A_18 = arith.constant 0 : i32
        %dma_start3A_19 = tpu.memref_slice %arg4[%add3A_8, %dma_start3A_17, %dma_start3A_18] : memref<32x256x128xf32, #tpu.memory_space<hbm>> -> memref<1x256x128xf32, #tpu.memory_space<hbm>>
        %dma_start3A_20 = tpu.memref_squeeze %dma_start3A_19 : memref<1x256x128xf32, #tpu.memory_space<hbm>> -> memref<256x128xf32, #tpu.memory_space<hbm>>
        tpu.enqueue_dma source(%arg6 : memref<256x128xf32, #tpu.memory_space<vmem>>) target(%dma_start3A_20 : memref<256x128xf32, #tpu.memory_space<hbm>>) target_semaphore(%run_scoped3A : memref<!tpu.dma_semaphore, #tpu.memory_space<semaphore_mem>>)
        %dma_wait3A_21 = arith.constant 0 : i32
        %dma_wait3A_22 = arith.constant 0 : i32
        %dma_wait3A_23 = tpu.memref_slice %arg4[%add3A_8, %dma_wait3A_21, %dma_wait3A_22] : memref<32x256x128xf32, #tpu.memory_space<hbm>> -> memref<1x256x128xf32, #tpu.memory_space<hbm>>
        %dma_wait3A_24 = tpu.memref_squeeze %dma_wait3A_23 : memref<1x256x128xf32, #tpu.memory_space<hbm>> -> memref<256x128xf32, #tpu.memory_space<hbm>>
        %dma_wait3A_25 = arith.constant 0 : i32
        %dma_wait3A_26 = arith.constant 0 : i32
        %dma_wait3A_27 = tpu.memref_slice %arg4[%add3A_8, %dma_wait3A_25, %dma_wait3A_26] : memref<32x256x128xf32, #tpu.memory_space<hbm>> -> memref<1x256x128xf32, #tpu.memory_space<hbm>>
        %dma_wait3A_28 = tpu.memref_squeeze %dma_wait3A_27 : memref<1x256x128xf32, #tpu.memory_space<hbm>> -> memref<256x128xf32, #tpu.memory_space<hbm>>
        tpu.wait_dma2 semaphore(%run_scoped3A : memref<!tpu.dma_semaphore, #tpu.memory_space<semaphore_mem>>) src(%arg6 : memref<256x128xf32, #tpu.memory_space<vmem>>) dst(%dma_wait3A_28 : memref<256x128xf32, #tpu.memory_space<hbm>>)
        tpu.yield
      }) : () -> ()
    } else {
    }
    return
  }
}

module attributes {stable_mosaic.version = 14 : i64} {
  func.func @body(%arg0: memref<16x2048xf32, #tpu.memory_space<vmem>>, %arg1: memref<2048x128xf32, #tpu.memory_space<vmem>>) attributes {dimension_semantics = [], scalar_prefetch = 0 : i64, scratch_operands = 0 : i64, tpu.core_type = #tpu.core_type<tc>} {
    %get3A = arith.constant 0 : index
    %get3A_0 = arith.constant 360 : index
    %get3A_1 = vector.load %arg0[%get3A, %get3A_0] : memref<16x2048xf32, #tpu.memory_space<vmem>>, vector<16x1688xf32>
    %transpose3A = tpu.transpose %get3A_1, [1, 0] : vector<16x1688xf32> -> vector<1688x16xf32>
    %broadcast_in_dim3A = arith.constant 0.000000e+00 : f32
    %broadcast_in_dim3A_2 = vector.broadcast %broadcast_in_dim3A : f32 to vector<1688x112xf32>
    %concatenate3A = tpu.concatenate %transpose3A, %broadcast_in_dim3A_2 in 1 : vector<1688x16xf32>, vector<1688x112xf32> -> vector<1688x128xf32>
    %broadcast_in_dim3A_3 = arith.constant 0.000000e+00 : f32
    %broadcast_in_dim3A_4 = vector.broadcast %broadcast_in_dim3A_3 : f32 to vector<360x128xf32>
    %concatenate3A_5 = tpu.concatenate %concatenate3A, %broadcast_in_dim3A_4 in 0 : vector<1688x128xf32>, vector<360x128xf32> -> vector<2048x128xf32>
    %swap3A = arith.constant 0 : index
    %swap3A_6 = arith.constant 0 : index
    %swap3A_7 = vector.load %arg1[%swap3A, %swap3A_6] : memref<2048x128xf32, #tpu.memory_space<vmem>>, vector<2048x128xf32>
    tpu.vector_store %arg1[%swap3A, %swap3A_6], %concatenate3A_5 {strides = array<i32>} : memref<2048x128xf32, #tpu.memory_space<vmem>>, vector<2048x128xf32>,
    return
  }
}

module attributes {stable_mosaic.version = 14 : i64} {
  func.func @body(%arg0: i32, %arg1: memref<1xi32, #tpu.memory_space<smem>>, %arg2: memref<4x8x32xf32, #tpu.memory_space<vmem>>, %arg3: memref<32x8xf32, #tpu.memory_space<vmem>>, %arg4: memref<32x32xf32, #tpu.memory_space<vmem>>, %arg5: memref<32x32xf32, #tpu.memory_space<vmem>>, %arg6: memref<4x8x256xf32, #tpu.memory_space<vmem>>, %arg7: memref<4x8x256xf32, #tpu.memory_space<vmem>>, %arg8: memref<4x256x128xf32, #tpu.memory_space<vmem>>, %arg9: memref<4x32x256xf32, #tpu.memory_space<vmem>>, %arg10: memref<69x128x256xf32, #tpu.memory_space<vmem>>) attributes {dimension_semantics = [#tpu.dimension_semantics<arbitrary>], iteration_bounds = array<i64: 8>, scalar_prefetch = 0 : i64, scratch_operands = 0 : i64, tpu.core_type = #tpu.core_type<tc>, window_params = [{transform_indices = @transform_0, window_bounds = array<i64: 1>}, {transform_indices = @transform_1, window_bounds = array<i64: 4, 8, 32>}, {pipeline_mode = #tpu.pipeline_mode<synchronous>, transform_indices = @transform_2, window_bounds = array<i64: 32, 8>}, {pipeline_mode = #tpu.pipeline_mode<synchronous>, transform_indices = @transform_3, window_bounds = array<i64: 32, 32>}, {pipeline_mode = #tpu.pipeline_mode<synchronous>, transform_indices = @transform_4, window_bounds = array<i64: 32, 32>}, {transform_indices = @transform_5, window_bounds = array<i64: 4, 8, 256>}, {transform_indices = @transform_6, window_bounds = array<i64: 4, 8, 256>}, {transform_indices = @transform_7, window_bounds = array<i64: 4, 256, 128>}, {transform_indices = @transform_8, window_bounds = array<i64: 4, 32, 256>}, {transform_indices = @transform_9, window_bounds = array<i64: 69, 128, 256>}]} {
    %mul3A = arith.constant 4 : i32
    %mul3A_0 = arith.muli %arg0, %mul3A : i32
    %add3A = arith.constant 0 : i32
    %add3A_1 = arith.addi %mul3A_0, %add3A : i32
    %get3A = arith.constant 0 : index
    %get3A_2 = arith.constant 0 : index
    %get3A_3 = arith.constant 0 : index
    %get3A_4 = vector.load %arg2[%get3A, %get3A_2, %get3A_3] : memref<4x8x32xf32, #tpu.memory_space<vmem>>, vector<1x8x32xf32>
    %get3A_5 = vector.shape_cast %get3A_4 : vector<1x8x32xf32> to vector<8x32xf32>
    %transpose3A = tpu.transpose %get3A_5, [1, 0] : vector<8x32xf32> -> vector<32x8xf32>
    %get3A_6 = arith.index_cast %add3A_1 : i32 to index
    %get3A_7 = arith.constant 0 : index
    %get3A_8 = vector.load %arg3[%get3A_6, %get3A_7] : memref<32x8xf32, #tpu.memory_space<vmem>>, vector<1x8xf32>
    %get3A_9 = vector.shape_cast %get3A_8 : vector<1x8xf32> to vector<8xf32>
    %get3A_10 = arith.index_cast %add3A_1 : i32 to index
    %get3A_11 = arith.constant 0 : index
    %get3A_12 = vector.load %arg4[%get3A_10, %get3A_11] : memref<32x32xf32, #tpu.memory_space<vmem>>, vector<1x32xf32>
    %get3A_13 = vector.shape_cast %get3A_12 : vector<1x32xf32> to vector<32xf32>
    %get3A_14 = arith.index_cast %add3A_1 : i32 to index
    %get3A_15 = arith.constant 0 : index
    %get3A_16 = vector.load %arg5[%get3A_14, %get3A_15] : memref<32x32xf32, #tpu.memory_space<vmem>>, vector<1x32xf32>
    %get3A_17 = vector.shape_cast %get3A_16 : vector<1x32xf32> to vector<32xf32>
    %broadcast_in_dim3A = vector.shape_cast %get3A_9 : vector<8xf32> to vector<1x8xf32>
    %broadcast_in_dim3A_18 = vector.shape_cast %broadcast_in_dim3A : vector<1x8xf32> to vector<1x8xf32>
    %broadcast_in_dim3A_19 = vector.broadcast %broadcast_in_dim3A_18 : vector<1x8xf32> to vector<32x8xf32>
    %broadcast_in_dim3A_20 = vector.shape_cast %get3A_13 : vector<32xf32> to vector<32x1xf32>
    %broadcast_in_dim3A_21 = vector.shape_cast %get3A_17 : vector<32xf32> to vector<32x1xf32>
    %concatenate3A = tpu.concatenate %transpose3A, %broadcast_in_dim3A_19, %broadcast_in_dim3A_20, %broadcast_in_dim3A_21 in 1 : vector<32x8xf32>, vector<32x8xf32>, vector<32x1xf32>, vector<32x1xf32> -> vector<32x18xf32>
    %slice3A = vector.extract_strided_slice %concatenate3A {offsets = [0, 0], sizes = [32, 1], strides = [1, 1]} : vector<32x18xf32> to vector<32x1xf32>
    %broadcast_in_dim3A_22 = vector.shape_cast %slice3A : vector<32x1xf32> to vector<32x1xf32>
    %broadcast_in_dim3A_23 = vector.broadcast %broadcast_in_dim3A_22 : vector<32x1xf32> to vector<32x256xf32>
    %swap3A = arith.constant 0 : index
    %swap3A_24 = arith.constant 0 : index
    %swap3A_25 = arith.constant 0 : index
    %swap3A_26 = vector.load %arg10[%swap3A, %swap3A_24, %swap3A_25] : memref<69x128x256xf32, #tpu.memory_space<vmem>>, vector<1x32x256xf32>
    %swap3A_27 = vector.shape_cast %swap3A_26 : vector<1x32x256xf32> to vector<32x256xf32>
    %swap3A_28 = vector.shape_cast %broadcast_in_dim3A_23 : vector<32x256xf32> to vector<1x32x256xf32>
    tpu.vector_store %arg10[%swap3A, %swap3A_24, %swap3A_25], %swap3A_28 {strides = array<i32>} : memref<69x128x256xf32, #tpu.memory_space<vmem>>, vector<1x32x256xf32>,
    %slice3A_29 = vector.extract_strided_slice %concatenate3A {offsets = [0, 1], sizes = [32, 1], strides = [1, 1]} : vector<32x18xf32> to vector<32x1xf32>
    %broadcast_in_dim3A_30 = vector.shape_cast %slice3A_29 : vector<32x1xf32> to vector<32x1xf32>
    %broadcast_in_dim3A_31 = vector.broadcast %broadcast_in_dim3A_30 : vector<32x1xf32> to vector<32x256xf32>
    %swap3A_32 = arith.constant 1 : index
    %swap3A_33 = arith.constant 0 : index
    %swap3A_34 = arith.constant 0 : index
    %swap3A_35 = vector.load %arg10[%swap3A_32, %swap3A_33, %swap3A_34] : memref<69x128x256xf32, #tpu.memory_space<vmem>>, vector<1x32x256xf32>
    %swap3A_36 = vector.shape_cast %swap3A_35 : vector<1x32x256xf32> to vector<32x256xf32>
    %swap3A_37 = vector.shape_cast %broadcast_in_dim3A_31 : vector<32x256xf32> to vector<1x32x256xf32>
    tpu.vector_store %arg10[%swap3A_32, %swap3A_33, %swap3A_34], %swap3A_37 {strides = array<i32>} : memref<69x128x256xf32, #tpu.memory_space<vmem>>, vector<1x32x256xf32>,
    %slice3A_38 = vector.extract_strided_slice %concatenate3A {offsets = [0, 2], sizes = [32, 1], strides = [1, 1]} : vector<32x18xf32> to vector<32x1xf32>
    %broadcast_in_dim3A_39 = vector.shape_cast %slice3A_38 : vector<32x1xf32> to vector<32x1xf32>
    %broadcast_in_dim3A_40 = vector.broadcast %broadcast_in_dim3A_39 : vector<32x1xf32> to vector<32x256xf32>
    %swap3A_41 = arith.constant 2 : index
    %swap3A_42 = arith.constant 0 : index
    %swap3A_43 = arith.constant 0 : index
    %swap3A_44 = vector.load %arg10[%swap3A_41, %swap3A_42, %swap3A_43] : memref<69x128x256xf32, #tpu.memory_space<vmem>>, vector<1x32x256xf32>
    %swap3A_45 = vector.shape_cast %swap3A_44 : vector<1x32x256xf32> to vector<32x256xf32>
    %swap3A_46 = vector.shape_cast %broadcast_in_dim3A_40 : vector<32x256xf32> to vector<1x32x256xf32>
    tpu.vector_store %arg10[%swap3A_41, %swap3A_42, %swap3A_43], %swap3A_46 {strides = array<i32>} : memref<69x128x256xf32, #tpu.memory_space<vmem>>, vector<1x32x256xf32>,
    %slice3A_47 = vector.extract_strided_slice %concatenate3A {offsets = [0, 3], sizes = [32, 1], strides = [1, 1]} : vector<32x18xf32> to vector<32x1xf32>
    %broadcast_in_dim3A_48 = vector.shape_cast %slice3A_47 : vector<32x1xf32> to vector<32x1xf32>
    %broadcast_in_dim3A_49 = vector.broadcast %broadcast_in_dim3A_48 : vector<32x1xf32> to vector<32x256xf32>
    %swap3A_50 = arith.constant 3 : index
    %swap3A_51 = arith.constant 0 : index
    %swap3A_52 = arith.constant 0 : index
    %swap3A_53 = vector.load %arg10[%swap3A_50, %swap3A_51, %swap3A_52] : memref<69x128x256xf32, #tpu.memory_space<vmem>>, vector<1x32x256xf32>
    %swap3A_54 = vector.shape_cast %swap3A_53 : vector<1x32x256xf32> to vector<32x256xf32>
    %swap3A_55 = vector.shape_cast %broadcast_in_dim3A_49 : vector<32x256xf32> to vector<1x32x256xf32>
    tpu.vector_store %arg10[%swap3A_50, %swap3A_51, %swap3A_52], %swap3A_55 {strides = array<i32>} : memref<69x128x256xf32, #tpu.memory_space<vmem>>, vector<1x32x256xf32>,
    %slice3A_56 = vector.extract_strided_slice %concatenate3A {offsets = [0, 4], sizes = [32, 1], strides = [1, 1]} : vector<32x18xf32> to vector<32x1xf32>
    %broadcast_in_dim3A_57 = vector.shape_cast %slice3A_56 : vector<32x1xf32> to vector<32x1xf32>
    %broadcast_in_dim3A_58 = vector.broadcast %broadcast_in_dim3A_57 : vector<32x1xf32> to vector<32x256xf32>
    %swap3A_59 = arith.constant 4 : index
    %swap3A_60 = arith.constant 0 : index
    %swap3A_61 = arith.constant 0 : index
    %swap3A_62 = vector.load %arg10[%swap3A_59, %swap3A_60, %swap3A_61] : memref<69x128x256xf32, #tpu.memory_space<vmem>>, vector<1x32x256xf32>
    %swap3A_63 = vector.shape_cast %swap3A_62 : vector<1x32x256xf32> to vector<32x256xf32>
    %swap3A_64 = vector.shape_cast %broadcast_in_dim3A_58 : vector<32x256xf32> to vector<1x32x256xf32>
    tpu.vector_store %arg10[%swap3A_59, %swap3A_60, %swap3A_61], %swap3A_64 {strides = array<i32>} : memref<69x128x256xf32, #tpu.memory_space<vmem>>, vector<1x32x256xf32>,
    %slice3A_65 = vector.extract_strided_slice %concatenate3A {offsets = [0, 5], sizes = [32, 1], strides = [1, 1]} : vector<32x18xf32> to vector<32x1xf32>
    %broadcast_in_dim3A_66 = vector.shape_cast %slice3A_65 : vector<32x1xf32> to vector<32x1xf32>
    %broadcast_in_dim3A_67 = vector.broadcast %broadcast_in_dim3A_66 : vector<32x1xf32> to vector<32x256xf32>
    %swap3A_68 = arith.constant 5 : index
    %swap3A_69 = arith.constant 0 : index
    %swap3A_70 = arith.constant 0 : index
    %swap3A_71 = vector.load %arg10[%swap3A_68, %swap3A_69, %swap3A_70] : memref<69x128x256xf32, #tpu.memory_space<vmem>>, vector<1x32x256xf32>
    %swap3A_72 = vector.shape_cast %swap3A_71 : vector<1x32x256xf32> to vector<32x256xf32>
    %swap3A_73 = vector.shape_cast %broadcast_in_dim3A_67 : vector<32x256xf32> to vector<1x32x256xf32>
    tpu.vector_store %arg10[%swap3A_68, %swap3A_69, %swap3A_70], %swap3A_73 {strides = array<i32>} : memref<69x128x256xf32, #tpu.memory_space<vmem>>, vector<1x32x256xf32>,
    %slice3A_74 = vector.extract_strided_slice %concatenate3A {offsets = [0, 6], sizes = [32, 1], strides = [1, 1]} : vector<32x18xf32> to vector<32x1xf32>
    %broadcast_in_dim3A_75 = vector.shape_cast %slice3A_74 : vector<32x1xf32> to vector<32x1xf32>
    %broadcast_in_dim3A_76 = vector.broadcast %broadcast_in_dim3A_75 : vector<32x1xf32> to vector<32x256xf32>
    %swap3A_77 = arith.constant 6 : index
    %swap3A_78 = arith.constant 0 : index
    %swap3A_79 = arith.constant 0 : index
    %swap3A_80 = vector.load %arg10[%swap3A_77, %swap3A_78, %swap3A_79] : memref<69x128x256xf32, #tpu.memory_space<vmem>>, vector<1x32x256xf32>
    %swap3A_81 = vector.shape_cast %swap3A_80 : vector<1x32x256xf32> to vector<32x256xf32>
    %swap3A_82 = vector.shape_cast %broadcast_in_dim3A_76 : vector<32x256xf32> to vector<1x32x256xf32>
    tpu.vector_store %arg10[%swap3A_77, %swap3A_78, %swap3A_79], %swap3A_82 {strides = array<i32>} : memref<69x128x256xf32, #tpu.memory_space<vmem>>, vector<1x32x256xf32>,
    %slice3A_83 = vector.extract_strided_slice %concatenate3A {offsets = [0, 7], sizes = [32, 1], strides = [1, 1]} : vector<32x18xf32> to vector<32x1xf32>
    %broadcast_in_dim3A_84 = vector.shape_cast %slice3A_83 : vector<32x1xf32> to vector<32x1xf32>
    %broadcast_in_dim3A_85 = vector.broadcast %broadcast_in_dim3A_84 : vector<32x1xf32> to vector<32x256xf32>
    %swap3A_86 = arith.constant 7 : index
    %swap3A_87 = arith.constant 0 : index
    %swap3A_88 = arith.constant 0 : index
    %swap3A_89 = vector.load %arg10[%swap3A_86, %swap3A_87, %swap3A_88] : memref<69x128x256xf32, #tpu.memory_space<vmem>>, vector<1x32x256xf32>
    %swap3A_90 = vector.shape_cast %swap3A_89 : vector<1x32x256xf32> to vector<32x256xf32>
    %swap3A_91 = vector.shape_cast %broadcast_in_dim3A_85 : vector<32x256xf32> to vector<1x32x256xf32>
    tpu.vector_store %arg10[%swap3A_86, %swap3A_87, %swap3A_88], %swap3A_91 {strides = array<i32>} : memref<69x128x256xf32, #tpu.memory_space<vmem>>, vector<1x32x256xf32>,
    %slice3A_92 = vector.extract_strided_slice %concatenate3A {offsets = [0, 8], sizes = [32, 1], strides = [1, 1]} : vector<32x18xf32> to vector<32x1xf32>
    %broadcast_in_dim3A_93 = vector.shape_cast %slice3A_92 : vector<32x1xf32> to vector<32x1xf32>
    %broadcast_in_dim3A_94 = vector.broadcast %broadcast_in_dim3A_93 : vector<32x1xf32> to vector<32x256xf32>
    %swap3A_95 = arith.constant 8 : index
    %swap3A_96 = arith.constant 0 : index
    %swap3A_97 = arith.constant 0 : index
    %swap3A_98 = vector.load %arg10[%swap3A_95, %swap3A_96, %swap3A_97] : memref<69x128x256xf32, #tpu.memory_space<vmem>>, vector<1x32x256xf32>
    %swap3A_99 = vector.shape_cast %swap3A_98 : vector<1x32x256xf32> to vector<32x256xf32>
    %swap3A_100 = vector.shape_cast %broadcast_in_dim3A_94 : vector<32x256xf32> to vector<1x32x256xf32>
    tpu.vector_store %arg10[%swap3A_95, %swap3A_96, %swap3A_97], %swap3A_100 {strides = array<i32>} : memref<69x128x256xf32, #tpu.memory_space<vmem>>, vector<1x32x256xf32>,
    %slice3A_101 = vector.extract_strided_slice %concatenate3A {offsets = [0, 9], sizes = [32, 1], strides = [1, 1]} : vector<32x18xf32> to vector<32x1xf32>
    %broadcast_in_dim3A_102 = vector.shape_cast %slice3A_101 : vector<32x1xf32> to vector<32x1xf32>
    %broadcast_in_dim3A_103 = vector.broadcast %broadcast_in_dim3A_102 : vector<32x1xf32> to vector<32x256xf32>
    %swap3A_104 = arith.constant 9 : index
    %swap3A_105 = arith.constant 0 : index
    %swap3A_106 = arith.constant 0 : index
    %swap3A_107 = vector.load %arg10[%swap3A_104, %swap3A_105, %swap3A_106] : memref<69x128x256xf32, #tpu.memory_space<vmem>>, vector<1x32x256xf32>
    %swap3A_108 = vector.shape_cast %swap3A_107 : vector<1x32x256xf32> to vector<32x256xf32>
    %swap3A_109 = vector.shape_cast %broadcast_in_dim3A_103 : vector<32x256xf32> to vector<1x32x256xf32>
    tpu.vector_store %arg10[%swap3A_104, %swap3A_105, %swap3A_106], %swap3A_109 {strides = array<i32>} : memref<69x128x256xf32, #tpu.memory_space<vmem>>, vector<1x32x256xf32>,
    %slice3A_110 = vector.extract_strided_slice %concatenate3A {offsets = [0, 10], sizes = [32, 1], strides = [1, 1]} : vector<32x18xf32> to vector<32x1xf32>
    %broadcast_in_dim3A_111 = vector.shape_cast %slice3A_110 : vector<32x1xf32> to vector<32x1xf32>
    %broadcast_in_dim3A_112 = vector.broadcast %broadcast_in_dim3A_111 : vector<32x1xf32> to vector<32x256xf32>
    %swap3A_113 = arith.constant 10 : index
    %swap3A_114 = arith.constant 0 : index
    %swap3A_115 = arith.constant 0 : index
    %swap3A_116 = vector.load %arg10[%swap3A_113, %swap3A_114, %swap3A_115] : memref<69x128x256xf32, #tpu.memory_space<vmem>>, vector<1x32x256xf32>
    %swap3A_117 = vector.shape_cast %swap3A_116 : vector<1x32x256xf32> to vector<32x256xf32>
    %swap3A_118 = vector.shape_cast %broadcast_in_dim3A_112 : vector<32x256xf32> to vector<1x32x256xf32>
    tpu.vector_store %arg10[%swap3A_113, %swap3A_114, %swap3A_115], %swap3A_118 {strides = array<i32>} : memref<69x128x256xf32, #tpu.memory_space<vmem>>, vector<1x32x256xf32>,
    %slice3A_119 = vector.extract_strided_slice %concatenate3A {offsets = [0, 11], sizes = [32, 1], strides = [1, 1]} : vector<32x18xf32> to vector<32x1xf32>
    %broadcast_in_dim3A_120 = vector.shape_cast %slice3A_119 : vector<32x1xf32> to vector<32x1xf32>
    %broadcast_in_dim3A_121 = vector.broadcast %broadcast_in_dim3A_120 : vector<32x1xf32> to vector<32x256xf32>
    %swap3A_122 = arith.constant 11 : index
    %swap3A_123 = arith.constant 0 : index
    %swap3A_124 = arith.constant 0 : index
    %swap3A_125 = vector.load %arg10[%swap3A_122, %swap3A_123, %swap3A_124] : memref<69x128x256xf32, #tpu.memory_space<vmem>>, vector<1x32x256xf32>
    %swap3A_126 = vector.shape_cast %swap3A_125 : vector<1x32x256xf32> to vector<32x256xf32>
    %swap3A_127 = vector.shape_cast %broadcast_in_dim3A_121 : vector<32x256xf32> to vector<1x32x256xf32>
    tpu.vector_store %arg10[%swap3A_122, %swap3A_123, %swap3A_124], %swap3A_127 {strides = array<i32>} : memref<69x128x256xf32, #tpu.memory_space<vmem>>, vector<1x32x256xf32>,
    %slice3A_128 = vector.extract_strided_slice %concatenate3A {offsets = [0, 12], sizes = [32, 1], strides = [1, 1]} : vector<32x18xf32> to vector<32x1xf32>
    %broadcast_in_dim3A_129 = vector.shape_cast %slice3A_128 : vector<32x1xf32> to vector<32x1xf32>
    %broadcast_in_dim3A_130 = vector.broadcast %broadcast_in_dim3A_129 : vector<32x1xf32> to vector<32x256xf32>
    %swap3A_131 = arith.constant 12 : index
    %swap3A_132 = arith.constant 0 : index
    %swap3A_133 = arith.constant 0 : index
    %swap3A_134 = vector.load %arg10[%swap3A_131, %swap3A_132, %swap3A_133] : memref<69x128x256xf32, #tpu.memory_space<vmem>>, vector<1x32x256xf32>
    %swap3A_135 = vector.shape_cast %swap3A_134 : vector<1x32x256xf32> to vector<32x256xf32>
    %swap3A_136 = vector.shape_cast %broadcast_in_dim3A_130 : vector<32x256xf32> to vector<1x32x256xf32>
    tpu.vector_store %arg10[%swap3A_131, %swap3A_132, %swap3A_133], %swap3A_136 {strides = array<i32>} : memref<69x128x256xf32, #tpu.memory_space<vmem>>, vector<1x32x256xf32>,
    %slice3A_137 = vector.extract_strided_slice %concatenate3A {offsets = [0, 13], sizes = [32, 1], strides = [1, 1]} : vector<32x18xf32> to vector<32x1xf32>
    %broadcast_in_dim3A_138 = vector.shape_cast %slice3A_137 : vector<32x1xf32> to vector<32x1xf32>
    %broadcast_in_dim3A_139 = vector.broadcast %broadcast_in_dim3A_138 : vector<32x1xf32> to vector<32x256xf32>
    %swap3A_140 = arith.constant 13 : index
    %swap3A_141 = arith.constant 0 : index
    %swap3A_142 = arith.constant 0 : index
    %swap3A_143 = vector.load %arg10[%swap3A_140, %swap3A_141, %swap3A_142] : memref<69x128x256xf32, #tpu.memory_space<vmem>>, vector<1x32x256xf32>
    %swap3A_144 = vector.shape_cast %swap3A_143 : vector<1x32x256xf32> to vector<32x256xf32>
    %swap3A_145 = vector.shape_cast %broadcast_in_dim3A_139 : vector<32x256xf32> to vector<1x32x256xf32>
    tpu.vector_store %arg10[%swap3A_140, %swap3A_141, %swap3A_142], %swap3A_145 {strides = array<i32>} : memref<69x128x256xf32, #tpu.memory_space<vmem>>, vector<1x32x256xf32>,
    %slice3A_146 = vector.extract_strided_slice %concatenate3A {offsets = [0, 14], sizes = [32, 1], strides = [1, 1]} : vector<32x18xf32> to vector<32x1xf32>
    %broadcast_in_dim3A_147 = vector.shape_cast %slice3A_146 : vector<32x1xf32> to vector<32x1xf32>
    %broadcast_in_dim3A_148 = vector.broadcast %broadcast_in_dim3A_147 : vector<32x1xf32> to vector<32x256xf32>
    %swap3A_149 = arith.constant 14 : index
    %swap3A_150 = arith.constant 0 : index
    %swap3A_151 = arith.constant 0 : index
    %swap3A_152 = vector.load %arg10[%swap3A_149, %swap3A_150, %swap3A_151] : memref<69x128x256xf32, #tpu.memory_space<vmem>>, vector<1x32x256xf32>
    %swap3A_153 = vector.shape_cast %swap3A_152 : vector<1x32x256xf32> to vector<32x256xf32>
    %swap3A_154 = vector.shape_cast %broadcast_in_dim3A_148 : vector<32x256xf32> to vector<1x32x256xf32>
    tpu.vector_store %arg10[%swap3A_149, %swap3A_150, %swap3A_151], %swap3A_154 {strides = array<i32>} : memref<69x128x256xf32, #tpu.memory_space<vmem>>, vector<1x32x256xf32>,
    %slice3A_155 = vector.extract_strided_slice %concatenate3A {offsets = [0, 15], sizes = [32, 1], strides = [1, 1]} : vector<32x18xf32> to vector<32x1xf32>
    %broadcast_in_dim3A_156 = vector.shape_cast %slice3A_155 : vector<32x1xf32> to vector<32x1xf32>
    %broadcast_in_dim3A_157 = vector.broadcast %broadcast_in_dim3A_156 : vector<32x1xf32> to vector<32x256xf32>
    %swap3A_158 = arith.constant 15 : index
    %swap3A_159 = arith.constant 0 : index
    %swap3A_160 = arith.constant 0 : index
    %swap3A_161 = vector.load %arg10[%swap3A_158, %swap3A_159, %swap3A_160] : memref<69x128x256xf32, #tpu.memory_space<vmem>>, vector<1x32x256xf32>
    %swap3A_162 = vector.shape_cast %swap3A_161 : vector<1x32x256xf32> to vector<32x256xf32>
    %swap3A_163 = vector.shape_cast %broadcast_in_dim3A_157 : vector<32x256xf32> to vector<1x32x256xf32>
    tpu.vector_store %arg10[%swap3A_158, %swap3A_159, %swap3A_160], %swap3A_163 {strides = array<i32>} : memref<69x128x256xf32, #tpu.memory_space<vmem>>, vector<1x32x256xf32>,
    %slice3A_164 = vector.extract_strided_slice %concatenate3A {offsets = [0, 16], sizes = [32, 1], strides = [1, 1]} : vector<32x18xf32> to vector<32x1xf32>
    %broadcast_in_dim3A_165 = vector.shape_cast %slice3A_164 : vector<32x1xf32> to vector<32x1xf32>
    %broadcast_in_dim3A_166 = vector.broadcast %broadcast_in_dim3A_165 : vector<32x1xf32> to vector<32x256xf32>
    %swap3A_167 = arith.constant 16 : index
    %swap3A_168 = arith.constant 0 : index
    %swap3A_169 = arith.constant 0 : index
    %swap3A_170 = vector.load %arg10[%swap3A_167, %swap3A_168, %swap3A_169] : memref<69x128x256xf32, #tpu.memory_space<vmem>>, vector<1x32x256xf32>
    %swap3A_171 = vector.shape_cast %swap3A_170 : vector<1x32x256xf32> to vector<32x256xf32>
    %swap3A_172 = vector.shape_cast %broadcast_in_dim3A_166 : vector<32x256xf32> to vector<1x32x256xf32>
    tpu.vector_store %arg10[%swap3A_167, %swap3A_168, %swap3A_169], %swap3A_172 {strides = array<i32>} : memref<69x128x256xf32, #tpu.memory_space<vmem>>, vector<1x32x256xf32>,
    %slice3A_173 = vector.extract_strided_slice %concatenate3A {offsets = [0, 17], sizes = [32, 1], strides = [1, 1]} : vector<32x18xf32> to vector<32x1xf32>
    %broadcast_in_dim3A_174 = vector.shape_cast %slice3A_173 : vector<32x1xf32> to vector<32x1xf32>
    %broadcast_in_dim3A_175 = vector.broadcast %broadcast_in_dim3A_174 : vector<32x1xf32> to vector<32x256xf32>
    %swap3A_176 = arith.constant 17 : index
    %swap3A_177 = arith.constant 0 : index
    %swap3A_178 = arith.constant 0 : index
    %swap3A_179 = vector.load %arg10[%swap3A_176, %swap3A_177, %swap3A_178] : memref<69x128x256xf32, #tpu.memory_space<vmem>>, vector<1x32x256xf32>
    %swap3A_180 = vector.shape_cast %swap3A_179 : vector<1x32x256xf32> to vector<32x256xf32>
    %swap3A_181 = vector.shape_cast %broadcast_in_dim3A_175 : vector<32x256xf32> to vector<1x32x256xf32>
    tpu.vector_store %arg10[%swap3A_176, %swap3A_177, %swap3A_178], %swap3A_181 {strides = array<i32>} : memref<69x128x256xf32, #tpu.memory_space<vmem>>, vector<1x32x256xf32>,
    %get3A_182 = arith.constant 0 : index
    %get3A_183 = arith.constant 0 : index
    %get3A_184 = arith.constant 0 : index
    %get3A_185 = vector.load %arg6[%get3A_182, %get3A_183, %get3A_184] : memref<4x8x256xf32, #tpu.memory_space<vmem>>, vector<1x1x256xf32>
    %get3A_186 = vector.shape_cast %get3A_185 : vector<1x1x256xf32> to vector<1x256xf32>
    %broadcast_in_dim3A_187 = vector.shape_cast %get3A_186 : vector<1x256xf32> to vector<1x256xf32>
    %broadcast_in_dim3A_188 = vector.broadcast %broadcast_in_dim3A_187 : vector<1x256xf32> to vector<32x256xf32>
    %swap3A_189 = arith.constant 18 : index
    %swap3A_190 = arith.constant 0 : index
    %swap3A_191 = arith.constant 0 : index
    %swap3A_192 = vector.load %arg10[%swap3A_189, %swap3A_190, %swap3A_191] : memref<69x128x256xf32, #tpu.memory_space<vmem>>, vector<1x32x256xf32>
    %swap3A_193 = vector.shape_cast %swap3A_192 : vector<1x32x256xf32> to vector<32x256xf32>
    %swap3A_194 = vector.shape_cast %broadcast_in_dim3A_188 : vector<32x256xf32> to vector<1x32x256xf32>
    tpu.vector_store %arg10[%swap3A_189, %swap3A_190, %swap3A_191], %swap3A_194 {strides = array<i32>} : memref<69x128x256xf32, #tpu.memory_space<vmem>>, vector<1x32x256xf32>,
    %get3A_195 = arith.constant 0 : index
    %get3A_196 = arith.constant 0 : index
    %get3A_197 = arith.constant 0 : index
    %get3A_198 = vector.load %arg7[%get3A_195, %get3A_196, %get3A_197] : memref<4x8x256xf32, #tpu.memory_space<vmem>>, vector<1x1x256xf32>
    %get3A_199 = vector.shape_cast %get3A_198 : vector<1x1x256xf32> to vector<1x256xf32>
    %broadcast_in_dim3A_200 = vector.shape_cast %get3A_199 : vector<1x256xf32> to vector<1x256xf32>
    %broadcast_in_dim3A_201 = vector.broadcast %broadcast_in_dim3A_200 : vector<1x256xf32> to vector<32x256xf32>
    %swap3A_202 = arith.constant 26 : index
    %swap3A_203 = arith.constant 0 : index
    %swap3A_204 = arith.constant 0 : index
    %swap3A_205 = vector.load %arg10[%swap3A_202, %swap3A_203, %swap3A_204] : memref<69x128x256xf32, #tpu.memory_space<vmem>>, vector<1x32x256xf32>
    %swap3A_206 = vector.shape_cast %swap3A_205 : vector<1x32x256xf32> to vector<32x256xf32>
    %swap3A_207 = vector.shape_cast %broadcast_in_dim3A_201 : vector<32x256xf32> to vector<1x32x256xf32>
    tpu.vector_store %arg10[%swap3A_202, %swap3A_203, %swap3A_204], %swap3A_207 {strides = array<i32>} : memref<69x128x256xf32, #tpu.memory_space<vmem>>, vector<1x32x256xf32>,
    %get3A_208 = arith.constant 0 : index
    %get3A_209 = arith.constant 1 : index
    %get3A_210 = arith.constant 0 : index
    %get3A_211 = vector.load %arg6[%get3A_208, %get3A_209, %get3A_210] : memref<4x8x256xf32, #tpu.memory_space<vmem>>, vector<1x1x256xf32>
    %get3A_212 = vector.shape_cast %get3A_211 : vector<1x1x256xf32> to vector<1x256xf32>
    %broadcast_in_dim3A_213 = vector.shape_cast %get3A_212 : vector<1x256xf32> to vector<1x256xf32>
    %broadcast_in_dim3A_214 = vector.broadcast %broadcast_in_dim3A_213 : vector<1x256xf32> to vector<32x256xf32>
    %swap3A_215 = arith.constant 19 : index
    %swap3A_216 = arith.constant 0 : index
    %swap3A_217 = arith.constant 0 : index
    %swap3A_218 = vector.load %arg10[%swap3A_215, %swap3A_216, %swap3A_217] : memref<69x128x256xf32, #tpu.memory_space<vmem>>, vector<1x32x256xf32>
    %swap3A_219 = vector.shape_cast %swap3A_218 : vector<1x32x256xf32> to vector<32x256xf32>
    %swap3A_220 = vector.shape_cast %broadcast_in_dim3A_214 : vector<32x256xf32> to vector<1x32x256xf32>
    tpu.vector_store %arg10[%swap3A_215, %swap3A_216, %swap3A_217], %swap3A_220 {strides = array<i32>} : memref<69x128x256xf32, #tpu.memory_space<vmem>>, vector<1x32x256xf32>,
    %get3A_221 = arith.constant 0 : index
    %get3A_222 = arith.constant 1 : index
    %get3A_223 = arith.constant 0 : index
    %get3A_224 = vector.load %arg7[%get3A_221, %get3A_222, %get3A_223] : memref<4x8x256xf32, #tpu.memory_space<vmem>>, vector<1x1x256xf32>
    %get3A_225 = vector.shape_cast %get3A_224 : vector<1x1x256xf32> to vector<1x256xf32>
    %broadcast_in_dim3A_226 = vector.shape_cast %get3A_225 : vector<1x256xf32> to vector<1x256xf32>
    %broadcast_in_dim3A_227 = vector.broadcast %broadcast_in_dim3A_226 : vector<1x256xf32> to vector<32x256xf32>
    %swap3A_228 = arith.constant 27 : index
    %swap3A_229 = arith.constant 0 : index
    %swap3A_230 = arith.constant 0 : index
    %swap3A_231 = vector.load %arg10[%swap3A_228, %swap3A_229, %swap3A_230] : memref<69x128x256xf32, #tpu.memory_space<vmem>>, vector<1x32x256xf32>
    %swap3A_232 = vector.shape_cast %swap3A_231 : vector<1x32x256xf32> to vector<32x256xf32>
    %swap3A_233 = vector.shape_cast %broadcast_in_dim3A_227 : vector<32x256xf32> to vector<1x32x256xf32>
    tpu.vector_store %arg10[%swap3A_228, %swap3A_229, %swap3A_230], %swap3A_233 {strides = array<i32>} : memref<69x128x256xf32, #tpu.memory_space<vmem>>, vector<1x32x256xf32>,
    %get3A_234 = arith.constant 0 : index
    %get3A_235 = arith.constant 2 : index
    %get3A_236 = arith.constant 0 : index
    %get3A_237 = vector.load %arg6[%get3A_234, %get3A_235, %get3A_236] : memref<4x8x256xf32, #tpu.memory_space<vmem>>, vector<1x1x256xf32>
    %get3A_238 = vector.shape_cast %get3A_237 : vector<1x1x256xf32> to vector<1x256xf32>
    %broadcast_in_dim3A_239 = vector.shape_cast %get3A_238 : vector<1x256xf32> to vector<1x256xf32>
    %broadcast_in_dim3A_240 = vector.broadcast %broadcast_in_dim3A_239 : vector<1x256xf32> to vector<32x256xf32>
    %swap3A_241 = arith.constant 20 : index
    %swap3A_242 = arith.constant 0 : index
    %swap3A_243 = arith.constant 0 : index
    %swap3A_244 = vector.load %arg10[%swap3A_241, %swap3A_242, %swap3A_243] : memref<69x128x256xf32, #tpu.memory_space<vmem>>, vector<1x32x256xf32>
    %swap3A_245 = vector.shape_cast %swap3A_244 : vector<1x32x256xf32> to vector<32x256xf32>
    %swap3A_246 = vector.shape_cast %broadcast_in_dim3A_240 : vector<32x256xf32> to vector<1x32x256xf32>
    tpu.vector_store %arg10[%swap3A_241, %swap3A_242, %swap3A_243], %swap3A_246 {strides = array<i32>} : memref<69x128x256xf32, #tpu.memory_space<vmem>>, vector<1x32x256xf32>,
    %get3A_247 = arith.constant 0 : index
    %get3A_248 = arith.constant 2 : index
    %get3A_249 = arith.constant 0 : index
    %get3A_250 = vector.load %arg7[%get3A_247, %get3A_248, %get3A_249] : memref<4x8x256xf32, #tpu.memory_space<vmem>>, vector<1x1x256xf32>
    %get3A_251 = vector.shape_cast %get3A_250 : vector<1x1x256xf32> to vector<1x256xf32>
    %broadcast_in_dim3A_252 = vector.shape_cast %get3A_251 : vector<1x256xf32> to vector<1x256xf32>
    %broadcast_in_dim3A_253 = vector.broadcast %broadcast_in_dim3A_252 : vector<1x256xf32> to vector<32x256xf32>
    %swap3A_254 = arith.constant 28 : index
    %swap3A_255 = arith.constant 0 : index
    %swap3A_256 = arith.constant 0 : index
    %swap3A_257 = vector.load %arg10[%swap3A_254, %swap3A_255, %swap3A_256] : memref<69x128x256xf32, #tpu.memory_space<vmem>>, vector<1x32x256xf32>
    %swap3A_258 = vector.shape_cast %swap3A_257 : vector<1x32x256xf32> to vector<32x256xf32>
    %swap3A_259 = vector.shape_cast %broadcast_in_dim3A_253 : vector<32x256xf32> to vector<1x32x256xf32>
    tpu.vector_store %arg10[%swap3A_254, %swap3A_255, %swap3A_256], %swap3A_259 {strides = array<i32>} : memref<69x128x256xf32, #tpu.memory_space<vmem>>, vector<1x32x256xf32>,
    %get3A_260 = arith.constant 0 : index
    %get3A_261 = arith.constant 3 : index
    %get3A_262 = arith.constant 0 : index
    %get3A_263 = vector.load %arg6[%get3A_260, %get3A_261, %get3A_262] : memref<4x8x256xf32, #tpu.memory_space<vmem>>, vector<1x1x256xf32>
    %get3A_264 = vector.shape_cast %get3A_263 : vector<1x1x256xf32> to vector<1x256xf32>
    %broadcast_in_dim3A_265 = vector.shape_cast %get3A_264 : vector<1x256xf32> to vector<1x256xf32>
    %broadcast_in_dim3A_266 = vector.broadcast %broadcast_in_dim3A_265 : vector<1x256xf32> to vector<32x256xf32>
    %swap3A_267 = arith.constant 21 : index
    %swap3A_268 = arith.constant 0 : index
    %swap3A_269 = arith.constant 0 : index
    %swap3A_270 = vector.load %arg10[%swap3A_267, %swap3A_268, %swap3A_269] : memref<69x128x256xf32, #tpu.memory_space<vmem>>, vector<1x32x256xf32>
    %swap3A_271 = vector.shape_cast %swap3A_270 : vector<1x32x256xf32> to vector<32x256xf32>
    %swap3A_272 = vector.shape_cast %broadcast_in_dim3A_266 : vector<32x256xf32> to vector<1x32x256xf32>
    tpu.vector_store %arg10[%swap3A_267, %swap3A_268, %swap3A_269], %swap3A_272 {strides = array<i32>} : memref<69x128x256xf32, #tpu.memory_space<vmem>>, vector<1x32x256xf32>,
    %get3A_273 = arith.constant 0 : index
    %get3A_274 = arith.constant 3 : index
    %get3A_275 = arith.constant 0 : index
    %get3A_276 = vector.load %arg7[%get3A_273, %get3A_274, %get3A_275] : memref<4x8x256xf32, #tpu.memory_space<vmem>>, vector<1x1x256xf32>
    %get3A_277 = vector.shape_cast %get3A_276 : vector<1x1x256xf32> to vector<1x256xf32>
    %broadcast_in_dim3A_278 = vector.shape_cast %get3A_277 : vector<1x256xf32> to vector<1x256xf32>
    %broadcast_in_dim3A_279 = vector.broadcast %broadcast_in_dim3A_278 : vector<1x256xf32> to vector<32x256xf32>
    %swap3A_280 = arith.constant 29 : index
    %swap3A_281 = arith.constant 0 : index
    %swap3A_282 = arith.constant 0 : index
    %swap3A_283 = vector.load %arg10[%swap3A_280, %swap3A_281, %swap3A_282] : memref<69x128x256xf32, #tpu.memory_space<vmem>>, vector<1x32x256xf32>
    %swap3A_284 = vector.shape_cast %swap3A_283 : vector<1x32x256xf32> to vector<32x256xf32>
    %swap3A_285 = vector.shape_cast %broadcast_in_dim3A_279 : vector<32x256xf32> to vector<1x32x256xf32>
    tpu.vector_store %arg10[%swap3A_280, %swap3A_281, %swap3A_282], %swap3A_285 {strides = array<i32>} : memref<69x128x256xf32, #tpu.memory_space<vmem>>, vector<1x32x256xf32>,
    %get3A_286 = arith.constant 0 : index
    %get3A_287 = arith.constant 4 : index
    %get3A_288 = arith.constant 0 : index
    %get3A_289 = vector.load %arg6[%get3A_286, %get3A_287, %get3A_288] : memref<4x8x256xf32, #tpu.memory_space<vmem>>, vector<1x1x256xf32>
    %get3A_290 = vector.shape_cast %get3A_289 : vector<1x1x256xf32> to vector<1x256xf32>
    %broadcast_in_dim3A_291 = vector.shape_cast %get3A_290 : vector<1x256xf32> to vector<1x256xf32>
    %broadcast_in_dim3A_292 = vector.broadcast %broadcast_in_dim3A_291 : vector<1x256xf32> to vector<32x256xf32>
    %swap3A_293 = arith.constant 22 : index
    %swap3A_294 = arith.constant 0 : index
    %swap3A_295 = arith.constant 0 : index
    %swap3A_296 = vector.load %arg10[%swap3A_293, %swap3A_294, %swap3A_295] : memref<69x128x256xf32, #tpu.memory_space<vmem>>, vector<1x32x256xf32>
    %swap3A_297 = vector.shape_cast %swap3A_296 : vector<1x32x256xf32> to vector<32x256xf32>
    %swap3A_298 = vector.shape_cast %broadcast_in_dim3A_292 : vector<32x256xf32> to vector<1x32x256xf32>
    tpu.vector_store %arg10[%swap3A_293, %swap3A_294, %swap3A_295], %swap3A_298 {strides = array<i32>} : memref<69x128x256xf32, #tpu.memory_space<vmem>>, vector<1x32x256xf32>,
    %get3A_299 = arith.constant 0 : index
    %get3A_300 = arith.constant 4 : index
    %get3A_301 = arith.constant 0 : index
    %get3A_302 = vector.load %arg7[%get3A_299, %get3A_300, %get3A_301] : memref<4x8x256xf32, #tpu.memory_space<vmem>>, vector<1x1x256xf32>
    %get3A_303 = vector.shape_cast %get3A_302 : vector<1x1x256xf32> to vector<1x256xf32>
    %broadcast_in_dim3A_304 = vector.shape_cast %get3A_303 : vector<1x256xf32> to vector<1x256xf32>
    %broadcast_in_dim3A_305 = vector.broadcast %broadcast_in_dim3A_304 : vector<1x256xf32> to vector<32x256xf32>
    %swap3A_306 = arith.constant 30 : index
    %swap3A_307 = arith.constant 0 : index
    %swap3A_308 = arith.constant 0 : index
    %swap3A_309 = vector.load %arg10[%swap3A_306, %swap3A_307, %swap3A_308] : memref<69x128x256xf32, #tpu.memory_space<vmem>>, vector<1x32x256xf32>
    %swap3A_310 = vector.shape_cast %swap3A_309 : vector<1x32x256xf32> to vector<32x256xf32>
    %swap3A_311 = vector.shape_cast %broadcast_in_dim3A_305 : vector<32x256xf32> to vector<1x32x256xf32>
    tpu.vector_store %arg10[%swap3A_306, %swap3A_307, %swap3A_308], %swap3A_311 {strides = array<i32>} : memref<69x128x256xf32, #tpu.memory_space<vmem>>, vector<1x32x256xf32>,
    %get3A_312 = arith.constant 0 : index
    %get3A_313 = arith.constant 5 : index
    %get3A_314 = arith.constant 0 : index
    %get3A_315 = vector.load %arg6[%get3A_312, %get3A_313, %get3A_314] : memref<4x8x256xf32, #tpu.memory_space<vmem>>, vector<1x1x256xf32>
    %get3A_316 = vector.shape_cast %get3A_315 : vector<1x1x256xf32> to vector<1x256xf32>
    %broadcast_in_dim3A_317 = vector.shape_cast %get3A_316 : vector<1x256xf32> to vector<1x256xf32>
    %broadcast_in_dim3A_318 = vector.broadcast %broadcast_in_dim3A_317 : vector<1x256xf32> to vector<32x256xf32>
    %swap3A_319 = arith.constant 23 : index
    %swap3A_320 = arith.constant 0 : index
    %swap3A_321 = arith.constant 0 : index
    %swap3A_322 = vector.load %arg10[%swap3A_319, %swap3A_320, %swap3A_321] : memref<69x128x256xf32, #tpu.memory_space<vmem>>, vector<1x32x256xf32>
    %swap3A_323 = vector.shape_cast %swap3A_322 : vector<1x32x256xf32> to vector<32x256xf32>
    %swap3A_324 = vector.shape_cast %broadcast_in_dim3A_318 : vector<32x256xf32> to vector<1x32x256xf32>
    tpu.vector_store %arg10[%swap3A_319, %swap3A_320, %swap3A_321], %swap3A_324 {strides = array<i32>} : memref<69x128x256xf32, #tpu.memory_space<vmem>>, vector<1x32x256xf32>,
    %get3A_325 = arith.constant 0 : index
    %get3A_326 = arith.constant 5 : index
    %get3A_327 = arith.constant 0 : index
    %get3A_328 = vector.load %arg7[%get3A_325, %get3A_326, %get3A_327] : memref<4x8x256xf32, #tpu.memory_space<vmem>>, vector<1x1x256xf32>
    %get3A_329 = vector.shape_cast %get3A_328 : vector<1x1x256xf32> to vector<1x256xf32>
    %broadcast_in_dim3A_330 = vector.shape_cast %get3A_329 : vector<1x256xf32> to vector<1x256xf32>
    %broadcast_in_dim3A_331 = vector.broadcast %broadcast_in_dim3A_330 : vector<1x256xf32> to vector<32x256xf32>
    %swap3A_332 = arith.constant 31 : index
    %swap3A_333 = arith.constant 0 : index
    %swap3A_334 = arith.constant 0 : index
    %swap3A_335 = vector.load %arg10[%swap3A_332, %swap3A_333, %swap3A_334] : memref<69x128x256xf32, #tpu.memory_space<vmem>>, vector<1x32x256xf32>
    %swap3A_336 = vector.shape_cast %swap3A_335 : vector<1x32x256xf32> to vector<32x256xf32>
    %swap3A_337 = vector.shape_cast %broadcast_in_dim3A_331 : vector<32x256xf32> to vector<1x32x256xf32>
    tpu.vector_store %arg10[%swap3A_332, %swap3A_333, %swap3A_334], %swap3A_337 {strides = array<i32>} : memref<69x128x256xf32, #tpu.memory_space<vmem>>, vector<1x32x256xf32>,
    %get3A_338 = arith.constant 0 : index
    %get3A_339 = arith.constant 6 : index
    %get3A_340 = arith.constant 0 : index
    %get3A_341 = vector.load %arg6[%get3A_338, %get3A_339, %get3A_340] : memref<4x8x256xf32, #tpu.memory_space<vmem>>, vector<1x1x256xf32>
    %get3A_342 = vector.shape_cast %get3A_341 : vector<1x1x256xf32> to vector<1x256xf32>
    %broadcast_in_dim3A_343 = vector.shape_cast %get3A_342 : vector<1x256xf32> to vector<1x256xf32>
    %broadcast_in_dim3A_344 = vector.broadcast %broadcast_in_dim3A_343 : vector<1x256xf32> to vector<32x256xf32>
    %swap3A_345 = arith.constant 24 : index
    %swap3A_346 = arith.constant 0 : index
    %swap3A_347 = arith.constant 0 : index
    %swap3A_348 = vector.load %arg10[%swap3A_345, %swap3A_346, %swap3A_347] : memref<69x128x256xf32, #tpu.memory_space<vmem>>, vector<1x32x256xf32>
    %swap3A_349 = vector.shape_cast %swap3A_348 : vector<1x32x256xf32> to vector<32x256xf32>
    %swap3A_350 = vector.shape_cast %broadcast_in_dim3A_344 : vector<32x256xf32> to vector<1x32x256xf32>
    tpu.vector_store %arg10[%swap3A_345, %swap3A_346, %swap3A_347], %swap3A_350 {strides = array<i32>} : memref<69x128x256xf32, #tpu.memory_space<vmem>>, vector<1x32x256xf32>,
    %get3A_351 = arith.constant 0 : index
    %get3A_352 = arith.constant 6 : index
    %get3A_353 = arith.constant 0 : index
    %get3A_354 = vector.load %arg7[%get3A_351, %get3A_352, %get3A_353] : memref<4x8x256xf32, #tpu.memory_space<vmem>>, vector<1x1x256xf32>
    %get3A_355 = vector.shape_cast %get3A_354 : vector<1x1x256xf32> to vector<1x256xf32>
    %broadcast_in_dim3A_356 = vector.shape_cast %get3A_355 : vector<1x256xf32> to vector<1x256xf32>
    %broadcast_in_dim3A_357 = vector.broadcast %broadcast_in_dim3A_356 : vector<1x256xf32> to vector<32x256xf32>
    %swap3A_358 = arith.constant 32 : index
    %swap3A_359 = arith.constant 0 : index
    %swap3A_360 = arith.constant 0 : index
    %swap3A_361 = vector.load %arg10[%swap3A_358, %swap3A_359, %swap3A_360] : memref<69x128x256xf32, #tpu.memory_space<vmem>>, vector<1x32x256xf32>
    %swap3A_362 = vector.shape_cast %swap3A_361 : vector<1x32x256xf32> to vector<32x256xf32>
    %swap3A_363 = vector.shape_cast %broadcast_in_dim3A_357 : vector<32x256xf32> to vector<1x32x256xf32>
    tpu.vector_store %arg10[%swap3A_358, %swap3A_359, %swap3A_360], %swap3A_363 {strides = array<i32>} : memref<69x128x256xf32, #tpu.memory_space<vmem>>, vector<1x32x256xf32>,
    %get3A_364 = arith.constant 0 : index
    %get3A_365 = arith.constant 7 : index
    %get3A_366 = arith.constant 0 : index
    %get3A_367 = vector.load %arg6[%get3A_364, %get3A_365, %get3A_366] : memref<4x8x256xf32, #tpu.memory_space<vmem>>, vector<1x1x256xf32>
    %get3A_368 = vector.shape_cast %get3A_367 : vector<1x1x256xf32> to vector<1x256xf32>
    %broadcast_in_dim3A_369 = vector.shape_cast %get3A_368 : vector<1x256xf32> to vector<1x256xf32>
    %broadcast_in_dim3A_370 = vector.broadcast %broadcast_in_dim3A_369 : vector<1x256xf32> to vector<32x256xf32>
    %swap3A_371 = arith.constant 25 : index
    %swap3A_372 = arith.constant 0 : index
    %swap3A_373 = arith.constant 0 : index
    %swap3A_374 = vector.load %arg10[%swap3A_371, %swap3A_372, %swap3A_373] : memref<69x128x256xf32, #tpu.memory_space<vmem>>, vector<1x32x256xf32>
    %swap3A_375 = vector.shape_cast %swap3A_374 : vector<1x32x256xf32> to vector<32x256xf32>
    %swap3A_376 = vector.shape_cast %broadcast_in_dim3A_370 : vector<32x256xf32> to vector<1x32x256xf32>
    tpu.vector_store %arg10[%swap3A_371, %swap3A_372, %swap3A_373], %swap3A_376 {strides = array<i32>} : memref<69x128x256xf32, #tpu.memory_space<vmem>>, vector<1x32x256xf32>,
    %get3A_377 = arith.constant 0 : index
    %get3A_378 = arith.constant 7 : index
    %get3A_379 = arith.constant 0 : index
    %get3A_380 = vector.load %arg7[%get3A_377, %get3A_378, %get3A_379] : memref<4x8x256xf32, #tpu.memory_space<vmem>>, vector<1x1x256xf32>
    %get3A_381 = vector.shape_cast %get3A_380 : vector<1x1x256xf32> to vector<1x256xf32>
    %broadcast_in_dim3A_382 = vector.shape_cast %get3A_381 : vector<1x256xf32> to vector<1x256xf32>
    %broadcast_in_dim3A_383 = vector.broadcast %broadcast_in_dim3A_382 : vector<1x256xf32> to vector<32x256xf32>
    %swap3A_384 = arith.constant 33 : index
    %swap3A_385 = arith.constant 0 : index
    %swap3A_386 = arith.constant 0 : index
    %swap3A_387 = vector.load %arg10[%swap3A_384, %swap3A_385, %swap3A_386] : memref<69x128x256xf32, #tpu.memory_space<vmem>>, vector<1x32x256xf32>
    %swap3A_388 = vector.shape_cast %swap3A_387 : vector<1x32x256xf32> to vector<32x256xf32>
    %swap3A_389 = vector.shape_cast %broadcast_in_dim3A_383 : vector<32x256xf32> to vector<1x32x256xf32>
    tpu.vector_store %arg10[%swap3A_384, %swap3A_385, %swap3A_386], %swap3A_389 {strides = array<i32>} : memref<69x128x256xf32, #tpu.memory_space<vmem>>, vector<1x32x256xf32>,
    %get3A_390 = arith.constant 0 : index
    %get3A_391 = arith.constant 0 : index
    %get3A_392 = arith.constant 0 : index
    %get3A_393 = vector.load %arg8[%get3A_390, %get3A_391, %get3A_392] : memref<4x256x128xf32, #tpu.memory_space<vmem>>, vector<1x256x128xf32>
    %get3A_394 = vector.shape_cast %get3A_393 : vector<1x256x128xf32> to vector<256x128xf32>
    %slice3A_395 = vector.extract_strided_slice %get3A_394 {offsets = [0, 0], sizes = [256, 16], strides = [1, 1]} : vector<256x128xf32> to vector<256x16xf32>
    %transpose3A_396 = tpu.transpose %slice3A_395, [1, 0] : vector<256x16xf32> -> vector<16x256xf32>
    %slice3A_397 = vector.extract_strided_slice %transpose3A_396 {offsets = [0, 0], sizes = [1, 256], strides = [1, 1]} : vector<16x256xf32> to vector<1x256xf32>
    %broadcast_in_dim3A_398 = vector.shape_cast %slice3A_397 : vector<1x256xf32> to vector<1x256xf32>
    %broadcast_in_dim3A_399 = vector.broadcast %broadcast_in_dim3A_398 : vector<1x256xf32> to vector<32x256xf32>
    %swap3A_400 = arith.constant 52 : index
    %swap3A_401 = arith.constant 0 : index
    %swap3A_402 = arith.constant 0 : index
    %swap3A_403 = vector.load %arg10[%swap3A_400, %swap3A_401, %swap3A_402] : memref<69x128x256xf32, #tpu.memory_space<vmem>>, vector<1x32x256xf32>
    %swap3A_404 = vector.shape_cast %swap3A_403 : vector<1x32x256xf32> to vector<32x256xf32>
    %swap3A_405 = vector.shape_cast %broadcast_in_dim3A_399 : vector<32x256xf32> to vector<1x32x256xf32>
    tpu.vector_store %arg10[%swap3A_400, %swap3A_401, %swap3A_402], %swap3A_405 {strides = array<i32>} : memref<69x128x256xf32, #tpu.memory_space<vmem>>, vector<1x32x256xf32>,
    %slice3A_406 = vector.extract_strided_slice %transpose3A_396 {offsets = [1, 0], sizes = [1, 256], strides = [1, 1]} : vector<16x256xf32> to vector<1x256xf32>
    %broadcast_in_dim3A_407 = vector.shape_cast %slice3A_406 : vector<1x256xf32> to vector<1x256xf32>
    %broadcast_in_dim3A_408 = vector.broadcast %broadcast_in_dim3A_407 : vector<1x256xf32> to vector<32x256xf32>
    %swap3A_409 = arith.constant 53 : index
    %swap3A_410 = arith.constant 0 : index
    %swap3A_411 = arith.constant 0 : index
    %swap3A_412 = vector.load %arg10[%swap3A_409, %swap3A_410, %swap3A_411] : memref<69x128x256xf32, #tpu.memory_space<vmem>>, vector<1x32x256xf32>
    %swap3A_413 = vector.shape_cast %swap3A_412 : vector<1x32x256xf32> to vector<32x256xf32>
    %swap3A_414 = vector.shape_cast %broadcast_in_dim3A_408 : vector<32x256xf32> to vector<1x32x256xf32>
    tpu.vector_store %arg10[%swap3A_409, %swap3A_410, %swap3A_411], %swap3A_414 {strides = array<i32>} : memref<69x128x256xf32, #tpu.memory_space<vmem>>, vector<1x32x256xf32>,
    %slice3A_415 = vector.extract_strided_slice %transpose3A_396 {offsets = [2, 0], sizes = [1, 256], strides = [1, 1]} : vector<16x256xf32> to vector<1x256xf32>
    %broadcast_in_dim3A_416 = vector.shape_cast %slice3A_415 : vector<1x256xf32> to vector<1x256xf32>
    %broadcast_in_dim3A_417 = vector.broadcast %broadcast_in_dim3A_416 : vector<1x256xf32> to vector<32x256xf32>
    %swap3A_418 = arith.constant 54 : index
    %swap3A_419 = arith.constant 0 : index
    %swap3A_420 = arith.constant 0 : index
    %swap3A_421 = vector.load %arg10[%swap3A_418, %swap3A_419, %swap3A_420] : memref<69x128x256xf32, #tpu.memory_space<vmem>>, vector<1x32x256xf32>
    %swap3A_422 = vector.shape_cast %swap3A_421 : vector<1x32x256xf32> to vector<32x256xf32>
    %swap3A_423 = vector.shape_cast %broadcast_in_dim3A_417 : vector<32x256xf32> to vector<1x32x256xf32>
    tpu.vector_store %arg10[%swap3A_418, %swap3A_419, %swap3A_420], %swap3A_423 {strides = array<i32>} : memref<69x128x256xf32, #tpu.memory_space<vmem>>, vector<1x32x256xf32>,
    %slice3A_424 = vector.extract_strided_slice %transpose3A_396 {offsets = [3, 0], sizes = [1, 256], strides = [1, 1]} : vector<16x256xf32> to vector<1x256xf32>
    %broadcast_in_dim3A_425 = vector.shape_cast %slice3A_424 : vector<1x256xf32> to vector<1x256xf32>
    %broadcast_in_dim3A_426 = vector.broadcast %broadcast_in_dim3A_425 : vector<1x256xf32> to vector<32x256xf32>
    %swap3A_427 = arith.constant 55 : index
    %swap3A_428 = arith.constant 0 : index
    %swap3A_429 = arith.constant 0 : index
    %swap3A_430 = vector.load %arg10[%swap3A_427, %swap3A_428, %swap3A_429] : memref<69x128x256xf32, #tpu.memory_space<vmem>>, vector<1x32x256xf32>
    %swap3A_431 = vector.shape_cast %swap3A_430 : vector<1x32x256xf32> to vector<32x256xf32>
    %swap3A_432 = vector.shape_cast %broadcast_in_dim3A_426 : vector<32x256xf32> to vector<1x32x256xf32>
    tpu.vector_store %arg10[%swap3A_427, %swap3A_428, %swap3A_429], %swap3A_432 {strides = array<i32>} : memref<69x128x256xf32, #tpu.memory_space<vmem>>, vector<1x32x256xf32>,
    %slice3A_433 = vector.extract_strided_slice %transpose3A_396 {offsets = [4, 0], sizes = [1, 256], strides = [1, 1]} : vector<16x256xf32> to vector<1x256xf32>
    %broadcast_in_dim3A_434 = vector.shape_cast %slice3A_433 : vector<1x256xf32> to vector<1x256xf32>
    %broadcast_in_dim3A_435 = vector.broadcast %broadcast_in_dim3A_434 : vector<1x256xf32> to vector<32x256xf32>
    %swap3A_436 = arith.constant 56 : index
    %swap3A_437 = arith.constant 0 : index
    %swap3A_438 = arith.constant 0 : index
    %swap3A_439 = vector.load %arg10[%swap3A_436, %swap3A_437, %swap3A_438] : memref<69x128x256xf32, #tpu.memory_space<vmem>>, vector<1x32x256xf32>
    %swap3A_440 = vector.shape_cast %swap3A_439 : vector<1x32x256xf32> to vector<32x256xf32>
    %swap3A_441 = vector.shape_cast %broadcast_in_dim3A_435 : vector<32x256xf32> to vector<1x32x256xf32>
    tpu.vector_store %arg10[%swap3A_436, %swap3A_437, %swap3A_438], %swap3A_441 {strides = array<i32>} : memref<69x128x256xf32, #tpu.memory_space<vmem>>, vector<1x32x256xf32>,
    %slice3A_442 = vector.extract_strided_slice %transpose3A_396 {offsets = [5, 0], sizes = [1, 256], strides = [1, 1]} : vector<16x256xf32> to vector<1x256xf32>
    %broadcast_in_dim3A_443 = vector.shape_cast %slice3A_442 : vector<1x256xf32> to vector<1x256xf32>
    %broadcast_in_dim3A_444 = vector.broadcast %broadcast_in_dim3A_443 : vector<1x256xf32> to vector<32x256xf32>
    %swap3A_445 = arith.constant 57 : index
    %swap3A_446 = arith.constant 0 : index
    %swap3A_447 = arith.constant 0 : index
    %swap3A_448 = vector.load %arg10[%swap3A_445, %swap3A_446, %swap3A_447] : memref<69x128x256xf32, #tpu.memory_space<vmem>>, vector<1x32x256xf32>
    %swap3A_449 = vector.shape_cast %swap3A_448 : vector<1x32x256xf32> to vector<32x256xf32>
    %swap3A_450 = vector.shape_cast %broadcast_in_dim3A_444 : vector<32x256xf32> to vector<1x32x256xf32>
    tpu.vector_store %arg10[%swap3A_445, %swap3A_446, %swap3A_447], %swap3A_450 {strides = array<i32>} : memref<69x128x256xf32, #tpu.memory_space<vmem>>, vector<1x32x256xf32>,
    %slice3A_451 = vector.extract_strided_slice %transpose3A_396 {offsets = [6, 0], sizes = [1, 256], strides = [1, 1]} : vector<16x256xf32> to vector<1x256xf32>
    %broadcast_in_dim3A_452 = vector.shape_cast %slice3A_451 : vector<1x256xf32> to vector<1x256xf32>
    %broadcast_in_dim3A_453 = vector.broadcast %broadcast_in_dim3A_452 : vector<1x256xf32> to vector<32x256xf32>
    %swap3A_454 = arith.constant 58 : index
    %swap3A_455 = arith.constant 0 : index
    %swap3A_456 = arith.constant 0 : index
    %swap3A_457 = vector.load %arg10[%swap3A_454, %swap3A_455, %swap3A_456] : memref<69x128x256xf32, #tpu.memory_space<vmem>>, vector<1x32x256xf32>
    %swap3A_458 = vector.shape_cast %swap3A_457 : vector<1x32x256xf32> to vector<32x256xf32>
    %swap3A_459 = vector.shape_cast %broadcast_in_dim3A_453 : vector<32x256xf32> to vector<1x32x256xf32>
    tpu.vector_store %arg10[%swap3A_454, %swap3A_455, %swap3A_456], %swap3A_459 {strides = array<i32>} : memref<69x128x256xf32, #tpu.memory_space<vmem>>, vector<1x32x256xf32>,
    %slice3A_460 = vector.extract_strided_slice %transpose3A_396 {offsets = [7, 0], sizes = [1, 256], strides = [1, 1]} : vector<16x256xf32> to vector<1x256xf32>
    %broadcast_in_dim3A_461 = vector.shape_cast %slice3A_460 : vector<1x256xf32> to vector<1x256xf32>
    %broadcast_in_dim3A_462 = vector.broadcast %broadcast_in_dim3A_461 : vector<1x256xf32> to vector<32x256xf32>
    %swap3A_463 = arith.constant 59 : index
    %swap3A_464 = arith.constant 0 : index
    %swap3A_465 = arith.constant 0 : index
    %swap3A_466 = vector.load %arg10[%swap3A_463, %swap3A_464, %swap3A_465] : memref<69x128x256xf32, #tpu.memory_space<vmem>>, vector<1x32x256xf32>
    %swap3A_467 = vector.shape_cast %swap3A_466 : vector<1x32x256xf32> to vector<32x256xf32>
    %swap3A_468 = vector.shape_cast %broadcast_in_dim3A_462 : vector<32x256xf32> to vector<1x32x256xf32>
    tpu.vector_store %arg10[%swap3A_463, %swap3A_464, %swap3A_465], %swap3A_468 {strides = array<i32>} : memref<69x128x256xf32, #tpu.memory_space<vmem>>, vector<1x32x256xf32>,
    %slice3A_469 = vector.extract_strided_slice %transpose3A_396 {offsets = [8, 0], sizes = [1, 256], strides = [1, 1]} : vector<16x256xf32> to vector<1x256xf32>
    %broadcast_in_dim3A_470 = vector.shape_cast %slice3A_469 : vector<1x256xf32> to vector<1x256xf32>
    %broadcast_in_dim3A_471 = vector.broadcast %broadcast_in_dim3A_470 : vector<1x256xf32> to vector<32x256xf32>
    %swap3A_472 = arith.constant 60 : index
    %swap3A_473 = arith.constant 0 : index
    %swap3A_474 = arith.constant 0 : index
    %swap3A_475 = vector.load %arg10[%swap3A_472, %swap3A_473, %swap3A_474] : memref<69x128x256xf32, #tpu.memory_space<vmem>>, vector<1x32x256xf32>
    %swap3A_476 = vector.shape_cast %swap3A_475 : vector<1x32x256xf32> to vector<32x256xf32>
    %swap3A_477 = vector.shape_cast %broadcast_in_dim3A_471 : vector<32x256xf32> to vector<1x32x256xf32>
    tpu.vector_store %arg10[%swap3A_472, %swap3A_473, %swap3A_474], %swap3A_477 {strides = array<i32>} : memref<69x128x256xf32, #tpu.memory_space<vmem>>, vector<1x32x256xf32>,
    %slice3A_478 = vector.extract_strided_slice %transpose3A_396 {offsets = [9, 0], sizes = [1, 256], strides = [1, 1]} : vector<16x256xf32> to vector<1x256xf32>
    %broadcast_in_dim3A_479 = vector.shape_cast %slice3A_478 : vector<1x256xf32> to vector<1x256xf32>
    %broadcast_in_dim3A_480 = vector.broadcast %broadcast_in_dim3A_479 : vector<1x256xf32> to vector<32x256xf32>
    %swap3A_481 = arith.constant 61 : index
    %swap3A_482 = arith.constant 0 : index
    %swap3A_483 = arith.constant 0 : index
    %swap3A_484 = vector.load %arg10[%swap3A_481, %swap3A_482, %swap3A_483] : memref<69x128x256xf32, #tpu.memory_space<vmem>>, vector<1x32x256xf32>
    %swap3A_485 = vector.shape_cast %swap3A_484 : vector<1x32x256xf32> to vector<32x256xf32>
    %swap3A_486 = vector.shape_cast %broadcast_in_dim3A_480 : vector<32x256xf32> to vector<1x32x256xf32>
    tpu.vector_store %arg10[%swap3A_481, %swap3A_482, %swap3A_483], %swap3A_486 {strides = array<i32>} : memref<69x128x256xf32, #tpu.memory_space<vmem>>, vector<1x32x256xf32>,
    %slice3A_487 = vector.extract_strided_slice %transpose3A_396 {offsets = [10, 0], sizes = [1, 256], strides = [1, 1]} : vector<16x256xf32> to vector<1x256xf32>
    %broadcast_in_dim3A_488 = vector.shape_cast %slice3A_487 : vector<1x256xf32> to vector<1x256xf32>
    %broadcast_in_dim3A_489 = vector.broadcast %broadcast_in_dim3A_488 : vector<1x256xf32> to vector<32x256xf32>
    %swap3A_490 = arith.constant 62 : index
    %swap3A_491 = arith.constant 0 : index
    %swap3A_492 = arith.constant 0 : index
    %swap3A_493 = vector.load %arg10[%swap3A_490, %swap3A_491, %swap3A_492] : memref<69x128x256xf32, #tpu.memory_space<vmem>>, vector<1x32x256xf32>
    %swap3A_494 = vector.shape_cast %swap3A_493 : vector<1x32x256xf32> to vector<32x256xf32>
    %swap3A_495 = vector.shape_cast %broadcast_in_dim3A_489 : vector<32x256xf32> to vector<1x32x256xf32>
    tpu.vector_store %arg10[%swap3A_490, %swap3A_491, %swap3A_492], %swap3A_495 {strides = array<i32>} : memref<69x128x256xf32, #tpu.memory_space<vmem>>, vector<1x32x256xf32>,
    %slice3A_496 = vector.extract_strided_slice %transpose3A_396 {offsets = [11, 0], sizes = [1, 256], strides = [1, 1]} : vector<16x256xf32> to vector<1x256xf32>
    %broadcast_in_dim3A_497 = vector.shape_cast %slice3A_496 : vector<1x256xf32> to vector<1x256xf32>
    %broadcast_in_dim3A_498 = vector.broadcast %broadcast_in_dim3A_497 : vector<1x256xf32> to vector<32x256xf32>
    %swap3A_499 = arith.constant 63 : index
    %swap3A_500 = arith.constant 0 : index
    %swap3A_501 = arith.constant 0 : index
    %swap3A_502 = vector.load %arg10[%swap3A_499, %swap3A_500, %swap3A_501] : memref<69x128x256xf32, #tpu.memory_space<vmem>>, vector<1x32x256xf32>
    %swap3A_503 = vector.shape_cast %swap3A_502 : vector<1x32x256xf32> to vector<32x256xf32>
    %swap3A_504 = vector.shape_cast %broadcast_in_dim3A_498 : vector<32x256xf32> to vector<1x32x256xf32>
    tpu.vector_store %arg10[%swap3A_499, %swap3A_500, %swap3A_501], %swap3A_504 {strides = array<i32>} : memref<69x128x256xf32, #tpu.memory_space<vmem>>, vector<1x32x256xf32>,
    %slice3A_505 = vector.extract_strided_slice %transpose3A_396 {offsets = [12, 0], sizes = [1, 256], strides = [1, 1]} : vector<16x256xf32> to vector<1x256xf32>
    %broadcast_in_dim3A_506 = vector.shape_cast %slice3A_505 : vector<1x256xf32> to vector<1x256xf32>
    %broadcast_in_dim3A_507 = vector.broadcast %broadcast_in_dim3A_506 : vector<1x256xf32> to vector<32x256xf32>
    %swap3A_508 = arith.constant 64 : index
    %swap3A_509 = arith.constant 0 : index
    %swap3A_510 = arith.constant 0 : index
    %swap3A_511 = vector.load %arg10[%swap3A_508, %swap3A_509, %swap3A_510] : memref<69x128x256xf32, #tpu.memory_space<vmem>>, vector<1x32x256xf32>
    %swap3A_512 = vector.shape_cast %swap3A_511 : vector<1x32x256xf32> to vector<32x256xf32>
    %swap3A_513 = vector.shape_cast %broadcast_in_dim3A_507 : vector<32x256xf32> to vector<1x32x256xf32>
    tpu.vector_store %arg10[%swap3A_508, %swap3A_509, %swap3A_510], %swap3A_513 {strides = array<i32>} : memref<69x128x256xf32, #tpu.memory_space<vmem>>, vector<1x32x256xf32>,
    %slice3A_514 = vector.extract_strided_slice %transpose3A_396 {offsets = [13, 0], sizes = [1, 256], strides = [1, 1]} : vector<16x256xf32> to vector<1x256xf32>
    %broadcast_in_dim3A_515 = vector.shape_cast %slice3A_514 : vector<1x256xf32> to vector<1x256xf32>
    %broadcast_in_dim3A_516 = vector.broadcast %broadcast_in_dim3A_515 : vector<1x256xf32> to vector<32x256xf32>
    %swap3A_517 = arith.constant 65 : index
    %swap3A_518 = arith.constant 0 : index
    %swap3A_519 = arith.constant 0 : index
    %swap3A_520 = vector.load %arg10[%swap3A_517, %swap3A_518, %swap3A_519] : memref<69x128x256xf32, #tpu.memory_space<vmem>>, vector<1x32x256xf32>
    %swap3A_521 = vector.shape_cast %swap3A_520 : vector<1x32x256xf32> to vector<32x256xf32>
    %swap3A_522 = vector.shape_cast %broadcast_in_dim3A_516 : vector<32x256xf32> to vector<1x32x256xf32>
    tpu.vector_store %arg10[%swap3A_517, %swap3A_518, %swap3A_519], %swap3A_522 {strides = array<i32>} : memref<69x128x256xf32, #tpu.memory_space<vmem>>, vector<1x32x256xf32>,
    %slice3A_523 = vector.extract_strided_slice %transpose3A_396 {offsets = [14, 0], sizes = [1, 256], strides = [1, 1]} : vector<16x256xf32> to vector<1x256xf32>
    %broadcast_in_dim3A_524 = vector.shape_cast %slice3A_523 : vector<1x256xf32> to vector<1x256xf32>
    %broadcast_in_dim3A_525 = vector.broadcast %broadcast_in_dim3A_524 : vector<1x256xf32> to vector<32x256xf32>
    %swap3A_526 = arith.constant 66 : index
    %swap3A_527 = arith.constant 0 : index
    %swap3A_528 = arith.constant 0 : index
    %swap3A_529 = vector.load %arg10[%swap3A_526, %swap3A_527, %swap3A_528] : memref<69x128x256xf32, #tpu.memory_space<vmem>>, vector<1x32x256xf32>
    %swap3A_530 = vector.shape_cast %swap3A_529 : vector<1x32x256xf32> to vector<32x256xf32>
    %swap3A_531 = vector.shape_cast %broadcast_in_dim3A_525 : vector<32x256xf32> to vector<1x32x256xf32>
    tpu.vector_store %arg10[%swap3A_526, %swap3A_527, %swap3A_528], %swap3A_531 {strides = array<i32>} : memref<69x128x256xf32, #tpu.memory_space<vmem>>, vector<1x32x256xf32>,
    %slice3A_532 = vector.extract_strided_slice %transpose3A_396 {offsets = [15, 0], sizes = [1, 256], strides = [1, 1]} : vector<16x256xf32> to vector<1x256xf32>
    %broadcast_in_dim3A_533 = vector.shape_cast %slice3A_532 : vector<1x256xf32> to vector<1x256xf32>
    %broadcast_in_dim3A_534 = vector.broadcast %broadcast_in_dim3A_533 : vector<1x256xf32> to vector<32x256xf32>
    %swap3A_535 = arith.constant 67 : index
    %swap3A_536 = arith.constant 0 : index
    %swap3A_537 = arith.constant 0 : index
    %swap3A_538 = vector.load %arg10[%swap3A_535, %swap3A_536, %swap3A_537] : memref<69x128x256xf32, #tpu.memory_space<vmem>>, vector<1x32x256xf32>
    %swap3A_539 = vector.shape_cast %swap3A_538 : vector<1x32x256xf32> to vector<32x256xf32>
    %swap3A_540 = vector.shape_cast %broadcast_in_dim3A_534 : vector<32x256xf32> to vector<1x32x256xf32>
    tpu.vector_store %arg10[%swap3A_535, %swap3A_536, %swap3A_537], %swap3A_540 {strides = array<i32>} : memref<69x128x256xf32, #tpu.memory_space<vmem>>, vector<1x32x256xf32>,
    %broadcast_in_dim3A_541 = arith.constant 0.000000e+00 : f32
    %broadcast_in_dim3A_542 = vector.broadcast %broadcast_in_dim3A_541 : f32 to vector<18x32x256xf32>
    %swap3A_543 = arith.constant 34 : index
    %swap3A_544 = arith.constant 0 : index
    %swap3A_545 = arith.constant 0 : index
    %swap3A_546 = vector.load %arg10[%swap3A_543, %swap3A_544, %swap3A_545] : memref<69x128x256xf32, #tpu.memory_space<vmem>>, vector<18x32x256xf32>
    tpu.vector_store %arg10[%swap3A_543, %swap3A_544, %swap3A_545], %broadcast_in_dim3A_542 {strides = array<i32>} : memref<69x128x256xf32, #tpu.memory_space<vmem>>, vector<18x32x256xf32>,
    %iota3A = tpu.iota {dimensions = array<i32: 0>} : vector<32x256xi32>
    %get3A_547 = arith.constant 0 : index
    %get3A_548 = memref.load %arg1[%get3A_547] : memref<1xi32, #tpu.memory_space<smem>>
    %le3A = vector.broadcast %get3A_548 : i32 to vector<32x256xi32>
    %le3A_549 = arith.cmpi sle, %iota3A, %le3A : vector<32x256xi32>
    %get3A_550 = arith.constant 0 : index
    %get3A_551 = arith.constant 0 : index
    %get3A_552 = arith.constant 0 : index
    %get3A_553 = vector.load %arg9[%get3A_550, %get3A_551, %get3A_552] : memref<4x32x256xf32, #tpu.memory_space<vmem>>, vector<1x32x256xf32>
    %get3A_554 = vector.shape_cast %get3A_553 : vector<1x32x256xf32> to vector<32x256xf32>
    %jit3A = arith.constant 0.000000e+00 : f32
    %broadcast_in_dim3A_555 = vector.broadcast %jit3A : f32 to vector<32x256xf32>
    %select_n3A = arith.select %le3A_549, %get3A_554, %broadcast_in_dim3A_555 : vector<32x256xi1>, vector<32x256xf32>
    %swap3A_556 = arith.constant 68 : index
    %swap3A_557 = arith.constant 0 : index
    %swap3A_558 = arith.constant 0 : index
    %swap3A_559 = vector.load %arg10[%swap3A_556, %swap3A_557, %swap3A_558] : memref<69x128x256xf32, #tpu.memory_space<vmem>>, vector<1x32x256xf32>
    %swap3A_560 = vector.shape_cast %swap3A_559 : vector<1x32x256xf32> to vector<32x256xf32>
    %swap3A_561 = vector.shape_cast %select_n3A : vector<32x256xf32> to vector<1x32x256xf32>
    tpu.vector_store %arg10[%swap3A_556, %swap3A_557, %swap3A_558], %swap3A_561 {strides = array<i32>} : memref<69x128x256xf32, #tpu.memory_space<vmem>>, vector<1x32x256xf32>,
    %mul3A_562 = arith.constant 4 : i32
    %mul3A_563 = arith.muli %arg0, %mul3A_562 : i32
    %add3A_564 = arith.constant 1 : i32
    %add3A_565 = arith.addi %mul3A_563, %add3A_564 : i32
    %get3A_566 = arith.constant 1 : index
    %get3A_567 = arith.constant 0 : index
    %get3A_568 = arith.constant 0 : index
    %get3A_569 = vector.load %arg2[%get3A_566, %get3A_567, %get3A_568] : memref<4x8x32xf32, #tpu.memory_space<vmem>>, vector<1x8x32xf32>
    %get3A_570 = vector.shape_cast %get3A_569 : vector<1x8x32xf32> to vector<8x32xf32>
    %transpose3A_571 = tpu.transpose %get3A_570, [1, 0] : vector<8x32xf32> -> vector<32x8xf32>
    %get3A_572 = arith.index_cast %add3A_565 : i32 to index
    %get3A_573 = arith.constant 0 : index
    %get3A_574 = vector.load %arg3[%get3A_572, %get3A_573] : memref<32x8xf32, #tpu.memory_space<vmem>>, vector<1x8xf32>
    %get3A_575 = vector.shape_cast %get3A_574 : vector<1x8xf32> to vector<8xf32>
    %get3A_576 = arith.index_cast %add3A_565 : i32 to index
    %get3A_577 = arith.constant 0 : index
    %get3A_578 = vector.load %arg4[%get3A_576, %get3A_577] : memref<32x32xf32, #tpu.memory_space<vmem>>, vector<1x32xf32>
    %get3A_579 = vector.shape_cast %get3A_578 : vector<1x32xf32> to vector<32xf32>
    %get3A_580 = arith.index_cast %add3A_565 : i32 to index
    %get3A_581 = arith.constant 0 : index
    %get3A_582 = vector.load %arg5[%get3A_580, %get3A_581] : memref<32x32xf32, #tpu.memory_space<vmem>>, vector<1x32xf32>
    %get3A_583 = vector.shape_cast %get3A_582 : vector<1x32xf32> to vector<32xf32>
    %broadcast_in_dim3A_584 = vector.shape_cast %get3A_575 : vector<8xf32> to vector<1x8xf32>
    %broadcast_in_dim3A_585 = vector.shape_cast %broadcast_in_dim3A_584 : vector<1x8xf32> to vector<1x8xf32>
    %broadcast_in_dim3A_586 = vector.broadcast %broadcast_in_dim3A_585 : vector<1x8xf32> to vector<32x8xf32>
    %broadcast_in_dim3A_587 = vector.shape_cast %get3A_579 : vector<32xf32> to vector<32x1xf32>
    %broadcast_in_dim3A_588 = vector.shape_cast %get3A_583 : vector<32xf32> to vector<32x1xf32>
    %concatenate3A_589 = tpu.concatenate %transpose3A_571, %broadcast_in_dim3A_586, %broadcast_in_dim3A_587, %broadcast_in_dim3A_588 in 1 : vector<32x8xf32>, vector<32x8xf32>, vector<32x1xf32>, vector<32x1xf32> -> vector<32x18xf32>
    %slice3A_590 = vector.extract_strided_slice %concatenate3A_589 {offsets = [0, 0], sizes = [32, 1], strides = [1, 1]} : vector<32x18xf32> to vector<32x1xf32>
    %broadcast_in_dim3A_591 = vector.shape_cast %slice3A_590 : vector<32x1xf32> to vector<32x1xf32>
    %broadcast_in_dim3A_592 = vector.broadcast %broadcast_in_dim3A_591 : vector<32x1xf32> to vector<32x256xf32>
    %swap3A_593 = arith.constant 0 : index
    %swap3A_594 = arith.constant 32 : index
    %swap3A_595 = arith.constant 0 : index
    %swap3A_596 = vector.load %arg10[%swap3A_593, %swap3A_594, %swap3A_595] : memref<69x128x256xf32, #tpu.memory_space<vmem>>, vector<1x32x256xf32>
    %swap3A_597 = vector.shape_cast %swap3A_596 : vector<1x32x256xf32> to vector<32x256xf32>
    %swap3A_598 = vector.shape_cast %broadcast_in_dim3A_592 : vector<32x256xf32> to vector<1x32x256xf32>
    tpu.vector_store %arg10[%swap3A_593, %swap3A_594, %swap3A_595], %swap3A_598 {strides = array<i32>} : memref<69x128x256xf32, #tpu.memory_space<vmem>>, vector<1x32x256xf32>,
    %slice3A_599 = vector.extract_strided_slice %concatenate3A_589 {offsets = [0, 1], sizes = [32, 1], strides = [1, 1]} : vector<32x18xf32> to vector<32x1xf32>
    %broadcast_in_dim3A_600 = vector.shape_cast %slice3A_599 : vector<32x1xf32> to vector<32x1xf32>
    %broadcast_in_dim3A_601 = vector.broadcast %broadcast_in_dim3A_600 : vector<32x1xf32> to vector<32x256xf32>
    %swap3A_602 = arith.constant 1 : index
    %swap3A_603 = arith.constant 32 : index
    %swap3A_604 = arith.constant 0 : index
    %swap3A_605 = vector.load %arg10[%swap3A_602, %swap3A_603, %swap3A_604] : memref<69x128x256xf32, #tpu.memory_space<vmem>>, vector<1x32x256xf32>
    %swap3A_606 = vector.shape_cast %swap3A_605 : vector<1x32x256xf32> to vector<32x256xf32>
    %swap3A_607 = vector.shape_cast %broadcast_in_dim3A_601 : vector<32x256xf32> to vector<1x32x256xf32>
    tpu.vector_store %arg10[%swap3A_602, %swap3A_603, %swap3A_604], %swap3A_607 {strides = array<i32>} : memref<69x128x256xf32, #tpu.memory_space<vmem>>, vector<1x32x256xf32>,
    %slice3A_608 = vector.extract_strided_slice %concatenate3A_589 {offsets = [0, 2], sizes = [32, 1], strides = [1, 1]} : vector<32x18xf32> to vector<32x1xf32>
    %broadcast_in_dim3A_609 = vector.shape_cast %slice3A_608 : vector<32x1xf32> to vector<32x1xf32>
    %broadcast_in_dim3A_610 = vector.broadcast %broadcast_in_dim3A_609 : vector<32x1xf32> to vector<32x256xf32>
    %swap3A_611 = arith.constant 2 : index
    %swap3A_612 = arith.constant 32 : index
    %swap3A_613 = arith.constant 0 : index
    %swap3A_614 = vector.load %arg10[%swap3A_611, %swap3A_612, %swap3A_613] : memref<69x128x256xf32, #tpu.memory_space<vmem>>, vector<1x32x256xf32>
    %swap3A_615 = vector.shape_cast %swap3A_614 : vector<1x32x256xf32> to vector<32x256xf32>
    %swap3A_616 = vector.shape_cast %broadcast_in_dim3A_610 : vector<32x256xf32> to vector<1x32x256xf32>
    tpu.vector_store %arg10[%swap3A_611, %swap3A_612, %swap3A_613], %swap3A_616 {strides = array<i32>} : memref<69x128x256xf32, #tpu.memory_space<vmem>>, vector<1x32x256xf32>,
    %slice3A_617 = vector.extract_strided_slice %concatenate3A_589 {offsets = [0, 3], sizes = [32, 1], strides = [1, 1]} : vector<32x18xf32> to vector<32x1xf32>
    %broadcast_in_dim3A_618 = vector.shape_cast %slice3A_617 : vector<32x1xf32> to vector<32x1xf32>
    %broadcast_in_dim3A_619 = vector.broadcast %broadcast_in_dim3A_618 : vector<32x1xf32> to vector<32x256xf32>
    %swap3A_620 = arith.constant 3 : index
    %swap3A_621 = arith.constant 32 : index
    %swap3A_622 = arith.constant 0 : index
    %swap3A_623 = vector.load %arg10[%swap3A_620, %swap3A_621, %swap3A_622] : memref<69x128x256xf32, #tpu.memory_space<vmem>>, vector<1x32x256xf32>
    %swap3A_624 = vector.shape_cast %swap3A_623 : vector<1x32x256xf32> to vector<32x256xf32>
    %swap3A_625 = vector.shape_cast %broadcast_in_dim3A_619 : vector<32x256xf32> to vector<1x32x256xf32>
    tpu.vector_store %arg10[%swap3A_620, %swap3A_621, %swap3A_622], %swap3A_625 {strides = array<i32>} : memref<69x128x256xf32, #tpu.memory_space<vmem>>, vector<1x32x256xf32>,
    %slice3A_626 = vector.extract_strided_slice %concatenate3A_589 {offsets = [0, 4], sizes = [32, 1], strides = [1, 1]} : vector<32x18xf32> to vector<32x1xf32>
    %broadcast_in_dim3A_627 = vector.shape_cast %slice3A_626 : vector<32x1xf32> to vector<32x1xf32>
    %broadcast_in_dim3A_628 = vector.broadcast %broadcast_in_dim3A_627 : vector<32x1xf32> to vector<32x256xf32>
    %swap3A_629 = arith.constant 4 : index
    %swap3A_630 = arith.constant 32 : index
    %swap3A_631 = arith.constant 0 : index
    %swap3A_632 = vector.load %arg10[%swap3A_629, %swap3A_630, %swap3A_631] : memref<69x128x256xf32, #tpu.memory_space<vmem>>, vector<1x32x256xf32>
    %swap3A_633 = vector.shape_cast %swap3A_632 : vector<1x32x256xf32> to vector<32x256xf32>
    %swap3A_634 = vector.shape_cast %broadcast_in_dim3A_628 : vector<32x256xf32> to vector<1x32x256xf32>
    tpu.vector_store %arg10[%swap3A_629, %swap3A_630, %swap3A_631], %swap3A_634 {strides = array<i32>} : memref<69x128x256xf32, #tpu.memory_space<vmem>>, vector<1x32x256xf32>,
    %slice3A_635 = vector.extract_strided_slice %concatenate3A_589 {offsets = [0, 5], sizes = [32, 1], strides = [1, 1]} : vector<32x18xf32> to vector<32x1xf32>
    %broadcast_in_dim3A_636 = vector.shape_cast %slice3A_635 : vector<32x1xf32> to vector<32x1xf32>
    %broadcast_in_dim3A_637 = vector.broadcast %broadcast_in_dim3A_636 : vector<32x1xf32> to vector<32x256xf32>
    %swap3A_638 = arith.constant 5 : index
    %swap3A_639 = arith.constant 32 : index
    %swap3A_640 = arith.constant 0 : index
    %swap3A_641 = vector.load %arg10[%swap3A_638, %swap3A_639, %swap3A_640] : memref<69x128x256xf32, #tpu.memory_space<vmem>>, vector<1x32x256xf32>
    %swap3A_642 = vector.shape_cast %swap3A_641 : vector<1x32x256xf32> to vector<32x256xf32>
    %swap3A_643 = vector.shape_cast %broadcast_in_dim3A_637 : vector<32x256xf32> to vector<1x32x256xf32>
    tpu.vector_store %arg10[%swap3A_638, %swap3A_639, %swap3A_640], %swap3A_643 {strides = array<i32>} : memref<69x128x256xf32, #tpu.memory_space<vmem>>, vector<1x32x256xf32>,
    %slice3A_644 = vector.extract_strided_slice %concatenate3A_589 {offsets = [0, 6], sizes = [32, 1], strides = [1, 1]} : vector<32x18xf32> to vector<32x1xf32>
    %broadcast_in_dim3A_645 = vector.shape_cast %slice3A_644 : vector<32x1xf32> to vector<32x1xf32>
    %broadcast_in_dim3A_646 = vector.broadcast %broadcast_in_dim3A_645 : vector<32x1xf32> to vector<32x256xf32>
    %swap3A_647 = arith.constant 6 : index
    %swap3A_648 = arith.constant 32 : index
    %swap3A_649 = arith.constant 0 : index
    %swap3A_650 = vector.load %arg10[%swap3A_647, %swap3A_648, %swap3A_649] : memref<69x128x256xf32, #tpu.memory_space<vmem>>, vector<1x32x256xf32>
    %swap3A_651 = vector.shape_cast %swap3A_650 : vector<1x32x256xf32> to vector<32x256xf32>
    %swap3A_652 = vector.shape_cast %broadcast_in_dim3A_646 : vector<32x256xf32> to vector<1x32x256xf32>
    tpu.vector_store %arg10[%swap3A_647, %swap3A_648, %swap3A_649], %swap3A_652 {strides = array<i32>} : memref<69x128x256xf32, #tpu.memory_space<vmem>>, vector<1x32x256xf32>,
    %slice3A_653 = vector.extract_strided_slice %concatenate3A_589 {offsets = [0, 7], sizes = [32, 1], strides = [1, 1]} : vector<32x18xf32> to vector<32x1xf32>
    %broadcast_in_dim3A_654 = vector.shape_cast %slice3A_653 : vector<32x1xf32> to vector<32x1xf32>
    %broadcast_in_dim3A_655 = vector.broadcast %broadcast_in_dim3A_654 : vector<32x1xf32> to vector<32x256xf32>
    %swap3A_656 = arith.constant 7 : index
    %swap3A_657 = arith.constant 32 : index
    %swap3A_658 = arith.constant 0 : index
    %swap3A_659 = vector.load %arg10[%swap3A_656, %swap3A_657, %swap3A_658] : memref<69x128x256xf32, #tpu.memory_space<vmem>>, vector<1x32x256xf32>
    %swap3A_660 = vector.shape_cast %swap3A_659 : vector<1x32x256xf32> to vector<32x256xf32>
    %swap3A_661 = vector.shape_cast %broadcast_in_dim3A_655 : vector<32x256xf32> to vector<1x32x256xf32>
    tpu.vector_store %arg10[%swap3A_656, %swap3A_657, %swap3A_658], %swap3A_661 {strides = array<i32>} : memref<69x128x256xf32, #tpu.memory_space<vmem>>, vector<1x32x256xf32>,
    %slice3A_662 = vector.extract_strided_slice %concatenate3A_589 {offsets = [0, 8], sizes = [32, 1], strides = [1, 1]} : vector<32x18xf32> to vector<32x1xf32>
    %broadcast_in_dim3A_663 = vector.shape_cast %slice3A_662 : vector<32x1xf32> to vector<32x1xf32>
    %broadcast_in_dim3A_664 = vector.broadcast %broadcast_in_dim3A_663 : vector<32x1xf32> to vector<32x256xf32>
    %swap3A_665 = arith.constant 8 : index
    %swap3A_666 = arith.constant 32 : index
    %swap3A_667 = arith.constant 0 : index
    %swap3A_668 = vector.load %arg10[%swap3A_665, %swap3A_666, %swap3A_667] : memref<69x128x256xf32, #tpu.memory_space<vmem>>, vector<1x32x256xf32>
    %swap3A_669 = vector.shape_cast %swap3A_668 : vector<1x32x256xf32> to vector<32x256xf32>
    %swap3A_670 = vector.shape_cast %broadcast_in_dim3A_664 : vector<32x256xf32> to vector<1x32x256xf32>
    tpu.vector_store %arg10[%swap3A_665, %swap3A_666, %swap3A_667], %swap3A_670 {strides = array<i32>} : memref<69x128x256xf32, #tpu.memory_space<vmem>>, vector<1x32x256xf32>,
    %slice3A_671 = vector.extract_strided_slice %concatenate3A_589 {offsets = [0, 9], sizes = [32, 1], strides = [1, 1]} : vector<32x18xf32> to vector<32x1xf32>
    %broadcast_in_dim3A_672 = vector.shape_cast %slice3A_671 : vector<32x1xf32> to vector<32x1xf32>
    %broadcast_in_dim3A_673 = vector.broadcast %broadcast_in_dim3A_672 : vector<32x1xf32> to vector<32x256xf32>
    %swap3A_674 = arith.constant 9 : index
    %swap3A_675 = arith.constant 32 : index
    %swap3A_676 = arith.constant 0 : index
    %swap3A_677 = vector.load %arg10[%swap3A_674, %swap3A_675, %swap3A_676] : memref<69x128x256xf32, #tpu.memory_space<vmem>>, vector<1x32x256xf32>
    %swap3A_678 = vector.shape_cast %swap3A_677 : vector<1x32x256xf32> to vector<32x256xf32>
    %swap3A_679 = vector.shape_cast %broadcast_in_dim3A_673 : vector<32x256xf32> to vector<1x32x256xf32>
    tpu.vector_store %arg10[%swap3A_674, %swap3A_675, %swap3A_676], %swap3A_679 {strides = array<i32>} : memref<69x128x256xf32, #tpu.memory_space<vmem>>, vector<1x32x256xf32>,
    %slice3A_680 = vector.extract_strided_slice %concatenate3A_589 {offsets = [0, 10], sizes = [32, 1], strides = [1, 1]} : vector<32x18xf32> to vector<32x1xf32>
    %broadcast_in_dim3A_681 = vector.shape_cast %slice3A_680 : vector<32x1xf32> to vector<32x1xf32>
    %broadcast_in_dim3A_682 = vector.broadcast %broadcast_in_dim3A_681 : vector<32x1xf32> to vector<32x256xf32>
    %swap3A_683 = arith.constant 10 : index
    %swap3A_684 = arith.constant 32 : index
    %swap3A_685 = arith.constant 0 : index
    %swap3A_686 = vector.load %arg10[%swap3A_683, %swap3A_684, %swap3A_685] : memref<69x128x256xf32, #tpu.memory_space<vmem>>, vector<1x32x256xf32>
    %swap3A_687 = vector.shape_cast %swap3A_686 : vector<1x32x256xf32> to vector<32x256xf32>
    %swap3A_688 = vector.shape_cast %broadcast_in_dim3A_682 : vector<32x256xf32> to vector<1x32x256xf32>
    tpu.vector_store %arg10[%swap3A_683, %swap3A_684, %swap3A_685], %swap3A_688 {strides = array<i32>} : memref<69x128x256xf32, #tpu.memory_space<vmem>>, vector<1x32x256xf32>,
    %slice3A_689 = vector.extract_strided_slice %concatenate3A_589 {offsets = [0, 11], sizes = [32, 1], strides = [1, 1]} : vector<32x18xf32> to vector<32x1xf32>
    %broadcast_in_dim3A_690 = vector.shape_cast %slice3A_689 : vector<32x1xf32> to vector<32x1xf32>
    %broadcast_in_dim3A_691 = vector.broadcast %broadcast_in_dim3A_690 : vector<32x1xf32> to vector<32x256xf32>
    %swap3A_692 = arith.constant 11 : index
    %swap3A_693 = arith.constant 32 : index
    %swap3A_694 = arith.constant 0 : index
    %swap3A_695 = vector.load %arg10[%swap3A_692, %swap3A_693, %swap3A_694] : memref<69x128x256xf32, #tpu.memory_space<vmem>>, vector<1x32x256xf32>
    %swap3A_696 = vector.shape_cast %swap3A_695 : vector<1x32x256xf32> to vector<32x256xf32>
    %swap3A_697 = vector.shape_cast %broadcast_in_dim3A_691 : vector<32x256xf32> to vector<1x32x256xf32>
    tpu.vector_store %arg10[%swap3A_692, %swap3A_693, %swap3A_694], %swap3A_697 {strides = array<i32>} : memref<69x128x256xf32, #tpu.memory_space<vmem>>, vector<1x32x256xf32>,
    %slice3A_698 = vector.extract_strided_slice %concatenate3A_589 {offsets = [0, 12], sizes = [32, 1], strides = [1, 1]} : vector<32x18xf32> to vector<32x1xf32>
    %broadcast_in_dim3A_699 = vector.shape_cast %slice3A_698 : vector<32x1xf32> to vector<32x1xf32>
    %broadcast_in_dim3A_700 = vector.broadcast %broadcast_in_dim3A_699 : vector<32x1xf32> to vector<32x256xf32>
    %swap3A_701 = arith.constant 12 : index
    %swap3A_702 = arith.constant 32 : index
    %swap3A_703 = arith.constant 0 : index
    %swap3A_704 = vector.load %arg10[%swap3A_701, %swap3A_702, %swap3A_703] : memref<69x128x256xf32, #tpu.memory_space<vmem>>, vector<1x32x256xf32>
    %swap3A_705 = vector.shape_cast %swap3A_704 : vector<1x32x256xf32> to vector<32x256xf32>
    %swap3A_706 = vector.shape_cast %broadcast_in_dim3A_700 : vector<32x256xf32> to vector<1x32x256xf32>
    tpu.vector_store %arg10[%swap3A_701, %swap3A_702, %swap3A_703], %swap3A_706 {strides = array<i32>} : memref<69x128x256xf32, #tpu.memory_space<vmem>>, vector<1x32x256xf32>,
    %slice3A_707 = vector.extract_strided_slice %concatenate3A_589 {offsets = [0, 13], sizes = [32, 1], strides = [1, 1]} : vector<32x18xf32> to vector<32x1xf32>
    %broadcast_in_dim3A_708 = vector.shape_cast %slice3A_707 : vector<32x1xf32> to vector<32x1xf32>
    %broadcast_in_dim3A_709 = vector.broadcast %broadcast_in_dim3A_708 : vector<32x1xf32> to vector<32x256xf32>
    %swap3A_710 = arith.constant 13 : index
    %swap3A_711 = arith.constant 32 : index
    %swap3A_712 = arith.constant 0 : index
    %swap3A_713 = vector.load %arg10[%swap3A_710, %swap3A_711, %swap3A_712] : memref<69x128x256xf32, #tpu.memory_space<vmem>>, vector<1x32x256xf32>
    %swap3A_714 = vector.shape_cast %swap3A_713 : vector<1x32x256xf32> to vector<32x256xf32>
    %swap3A_715 = vector.shape_cast %broadcast_in_dim3A_709 : vector<32x256xf32> to vector<1x32x256xf32>
    tpu.vector_store %arg10[%swap3A_710, %swap3A_711, %swap3A_712], %swap3A_715 {strides = array<i32>} : memref<69x128x256xf32, #tpu.memory_space<vmem>>, vector<1x32x256xf32>,
    %slice3A_716 = vector.extract_strided_slice %concatenate3A_589 {offsets = [0, 14], sizes = [32, 1], strides = [1, 1]} : vector<32x18xf32> to vector<32x1xf32>
    %broadcast_in_dim3A_717 = vector.shape_cast %slice3A_716 : vector<32x1xf32> to vector<32x1xf32>
    %broadcast_in_dim3A_718 = vector.broadcast %broadcast_in_dim3A_717 : vector<32x1xf32> to vector<32x256xf32>
    %swap3A_719 = arith.constant 14 : index
    %swap3A_720 = arith.constant 32 : index
    %swap3A_721 = arith.constant 0 : index
    %swap3A_722 = vector.load %arg10[%swap3A_719, %swap3A_720, %swap3A_721] : memref<69x128x256xf32, #tpu.memory_space<vmem>>, vector<1x32x256xf32>
    %swap3A_723 = vector.shape_cast %swap3A_722 : vector<1x32x256xf32> to vector<32x256xf32>
    %swap3A_724 = vector.shape_cast %broadcast_in_dim3A_718 : vector<32x256xf32> to vector<1x32x256xf32>
    tpu.vector_store %arg10[%swap3A_719, %swap3A_720, %swap3A_721], %swap3A_724 {strides = array<i32>} : memref<69x128x256xf32, #tpu.memory_space<vmem>>, vector<1x32x256xf32>,
    %slice3A_725 = vector.extract_strided_slice %concatenate3A_589 {offsets = [0, 15], sizes = [32, 1], strides = [1, 1]} : vector<32x18xf32> to vector<32x1xf32>
    %broadcast_in_dim3A_726 = vector.shape_cast %slice3A_725 : vector<32x1xf32> to vector<32x1xf32>
    %broadcast_in_dim3A_727 = vector.broadcast %broadcast_in_dim3A_726 : vector<32x1xf32> to vector<32x256xf32>
    %swap3A_728 = arith.constant 15 : index
    %swap3A_729 = arith.constant 32 : index
    %swap3A_730 = arith.constant 0 : index
    %swap3A_731 = vector.load %arg10[%swap3A_728, %swap3A_729, %swap3A_730] : memref<69x128x256xf32, #tpu.memory_space<vmem>>, vector<1x32x256xf32>
    %swap3A_732 = vector.shape_cast %swap3A_731 : vector<1x32x256xf32> to vector<32x256xf32>
    %swap3A_733 = vector.shape_cast %broadcast_in_dim3A_727 : vector<32x256xf32> to vector<1x32x256xf32>
    tpu.vector_store %arg10[%swap3A_728, %swap3A_729, %swap3A_730], %swap3A_733 {strides = array<i32>} : memref<69x128x256xf32, #tpu.memory_space<vmem>>, vector<1x32x256xf32>,
    %slice3A_734 = vector.extract_strided_slice %concatenate3A_589 {offsets = [0, 16], sizes = [32, 1], strides = [1, 1]} : vector<32x18xf32> to vector<32x1xf32>
    %broadcast_in_dim3A_735 = vector.shape_cast %slice3A_734 : vector<32x1xf32> to vector<32x1xf32>
    %broadcast_in_dim3A_736 = vector.broadcast %broadcast_in_dim3A_735 : vector<32x1xf32> to vector<32x256xf32>
    %swap3A_737 = arith.constant 16 : index
    %swap3A_738 = arith.constant 32 : index
    %swap3A_739 = arith.constant 0 : index
    %swap3A_740 = vector.load %arg10[%swap3A_737, %swap3A_738, %swap3A_739] : memref<69x128x256xf32, #tpu.memory_space<vmem>>, vector<1x32x256xf32>
    %swap3A_741 = vector.shape_cast %swap3A_740 : vector<1x32x256xf32> to vector<32x256xf32>
    %swap3A_742 = vector.shape_cast %broadcast_in_dim3A_736 : vector<32x256xf32> to vector<1x32x256xf32>
    tpu.vector_store %arg10[%swap3A_737, %swap3A_738, %swap3A_739], %swap3A_742 {strides = array<i32>} : memref<69x128x256xf32, #tpu.memory_space<vmem>>, vector<1x32x256xf32>,
    %slice3A_743 = vector.extract_strided_slice %concatenate3A_589 {offsets = [0, 17], sizes = [32, 1], strides = [1, 1]} : vector<32x18xf32> to vector<32x1xf32>
    %broadcast_in_dim3A_744 = vector.shape_cast %slice3A_743 : vector<32x1xf32> to vector<32x1xf32>
    %broadcast_in_dim3A_745 = vector.broadcast %broadcast_in_dim3A_744 : vector<32x1xf32> to vector<32x256xf32>
    %swap3A_746 = arith.constant 17 : index
    %swap3A_747 = arith.constant 32 : index
    %swap3A_748 = arith.constant 0 : index
    %swap3A_749 = vector.load %arg10[%swap3A_746, %swap3A_747, %swap3A_748] : memref<69x128x256xf32, #tpu.memory_space<vmem>>, vector<1x32x256xf32>
    %swap3A_750 = vector.shape_cast %swap3A_749 : vector<1x32x256xf32> to vector<32x256xf32>
    %swap3A_751 = vector.shape_cast %broadcast_in_dim3A_745 : vector<32x256xf32> to vector<1x32x256xf32>
    tpu.vector_store %arg10[%swap3A_746, %swap3A_747, %swap3A_748], %swap3A_751 {strides = array<i32>} : memref<69x128x256xf32, #tpu.memory_space<vmem>>, vector<1x32x256xf32>,
    %get3A_752 = arith.constant 1 : index
    %get3A_753 = arith.constant 0 : index
    %get3A_754 = arith.constant 0 : index
    %get3A_755 = vector.load %arg6[%get3A_752, %get3A_753, %get3A_754] : memref<4x8x256xf32, #tpu.memory_space<vmem>>, vector<1x1x256xf32>
    %get3A_756 = vector.shape_cast %get3A_755 : vector<1x1x256xf32> to vector<1x256xf32>
    %broadcast_in_dim3A_757 = vector.shape_cast %get3A_756 : vector<1x256xf32> to vector<1x256xf32>
    %broadcast_in_dim3A_758 = vector.broadcast %broadcast_in_dim3A_757 : vector<1x256xf32> to vector<32x256xf32>
    %swap3A_759 = arith.constant 18 : index
    %swap3A_760 = arith.constant 32 : index
    %swap3A_761 = arith.constant 0 : index
    %swap3A_762 = vector.load %arg10[%swap3A_759, %swap3A_760, %swap3A_761] : memref<69x128x256xf32, #tpu.memory_space<vmem>>, vector<1x32x256xf32>
    %swap3A_763 = vector.shape_cast %swap3A_762 : vector<1x32x256xf32> to vector<32x256xf32>
    %swap3A_764 = vector.shape_cast %broadcast_in_dim3A_758 : vector<32x256xf32> to vector<1x32x256xf32>
    tpu.vector_store %arg10[%swap3A_759, %swap3A_760, %swap3A_761], %swap3A_764 {strides = array<i32>} : memref<69x128x256xf32, #tpu.memory_space<vmem>>, vector<1x32x256xf32>,
    %get3A_765 = arith.constant 1 : index
    %get3A_766 = arith.constant 0 : index
    %get3A_767 = arith.constant 0 : index
    %get3A_768 = vector.load %arg7[%get3A_765, %get3A_766, %get3A_767] : memref<4x8x256xf32, #tpu.memory_space<vmem>>, vector<1x1x256xf32>
    %get3A_769 = vector.shape_cast %get3A_768 : vector<1x1x256xf32> to vector<1x256xf32>
    %broadcast_in_dim3A_770 = vector.shape_cast %get3A_769 : vector<1x256xf32> to vector<1x256xf32>
    %broadcast_in_dim3A_771 = vector.broadcast %broadcast_in_dim3A_770 : vector<1x256xf32> to vector<32x256xf32>
    %swap3A_772 = arith.constant 26 : index
    %swap3A_773 = arith.constant 32 : index
    %swap3A_774 = arith.constant 0 : index
    %swap3A_775 = vector.load %arg10[%swap3A_772, %swap3A_773, %swap3A_774] : memref<69x128x256xf32, #tpu.memory_space<vmem>>, vector<1x32x256xf32>
    %swap3A_776 = vector.shape_cast %swap3A_775 : vector<1x32x256xf32> to vector<32x256xf32>
    %swap3A_777 = vector.shape_cast %broadcast_in_dim3A_771 : vector<32x256xf32> to vector<1x32x256xf32>
    tpu.vector_store %arg10[%swap3A_772, %swap3A_773, %swap3A_774], %swap3A_777 {strides = array<i32>} : memref<69x128x256xf32, #tpu.memory_space<vmem>>, vector<1x32x256xf32>,
    %get3A_778 = arith.constant 1 : index
    %get3A_779 = arith.constant 1 : index
    %get3A_780 = arith.constant 0 : index
    %get3A_781 = vector.load %arg6[%get3A_778, %get3A_779, %get3A_780] : memref<4x8x256xf32, #tpu.memory_space<vmem>>, vector<1x1x256xf32>
    %get3A_782 = vector.shape_cast %get3A_781 : vector<1x1x256xf32> to vector<1x256xf32>
    %broadcast_in_dim3A_783 = vector.shape_cast %get3A_782 : vector<1x256xf32> to vector<1x256xf32>
    %broadcast_in_dim3A_784 = vector.broadcast %broadcast_in_dim3A_783 : vector<1x256xf32> to vector<32x256xf32>
    %swap3A_785 = arith.constant 19 : index
    %swap3A_786 = arith.constant 32 : index
    %swap3A_787 = arith.constant 0 : index
    %swap3A_788 = vector.load %arg10[%swap3A_785, %swap3A_786, %swap3A_787] : memref<69x128x256xf32, #tpu.memory_space<vmem>>, vector<1x32x256xf32>
    %swap3A_789 = vector.shape_cast %swap3A_788 : vector<1x32x256xf32> to vector<32x256xf32>
    %swap3A_790 = vector.shape_cast %broadcast_in_dim3A_784 : vector<32x256xf32> to vector<1x32x256xf32>
    tpu.vector_store %arg10[%swap3A_785, %swap3A_786, %swap3A_787], %swap3A_790 {strides = array<i32>} : memref<69x128x256xf32, #tpu.memory_space<vmem>>, vector<1x32x256xf32>,
    %get3A_791 = arith.constant 1 : index
    %get3A_792 = arith.constant 1 : index
    %get3A_793 = arith.constant 0 : index
    %get3A_794 = vector.load %arg7[%get3A_791, %get3A_792, %get3A_793] : memref<4x8x256xf32, #tpu.memory_space<vmem>>, vector<1x1x256xf32>
    %get3A_795 = vector.shape_cast %get3A_794 : vector<1x1x256xf32> to vector<1x256xf32>
    %broadcast_in_dim3A_796 = vector.shape_cast %get3A_795 : vector<1x256xf32> to vector<1x256xf32>
    %broadcast_in_dim3A_797 = vector.broadcast %broadcast_in_dim3A_796 : vector<1x256xf32> to vector<32x256xf32>
    %swap3A_798 = arith.constant 27 : index
    %swap3A_799 = arith.constant 32 : index
    %swap3A_800 = arith.constant 0 : index
    %swap3A_801 = vector.load %arg10[%swap3A_798, %swap3A_799, %swap3A_800] : memref<69x128x256xf32, #tpu.memory_space<vmem>>, vector<1x32x256xf32>
    %swap3A_802 = vector.shape_cast %swap3A_801 : vector<1x32x256xf32> to vector<32x256xf32>
    %swap3A_803 = vector.shape_cast %broadcast_in_dim3A_797 : vector<32x256xf32> to vector<1x32x256xf32>
    tpu.vector_store %arg10[%swap3A_798, %swap3A_799, %swap3A_800], %swap3A_803 {strides = array<i32>} : memref<69x128x256xf32, #tpu.memory_space<vmem>>, vector<1x32x256xf32>,
    %get3A_804 = arith.constant 1 : index
    %get3A_805 = arith.constant 2 : index
    %get3A_806 = arith.constant 0 : index
    %get3A_807 = vector.load %arg6[%get3A_804, %get3A_805, %get3A_806] : memref<4x8x256xf32, #tpu.memory_space<vmem>>, vector<1x1x256xf32>
    %get3A_808 = vector.shape_cast %get3A_807 : vector<1x1x256xf32> to vector<1x256xf32>
    %broadcast_in_dim3A_809 = vector.shape_cast %get3A_808 : vector<1x256xf32> to vector<1x256xf32>
    %broadcast_in_dim3A_810 = vector.broadcast %broadcast_in_dim3A_809 : vector<1x256xf32> to vector<32x256xf32>
    %swap3A_811 = arith.constant 20 : index
    %swap3A_812 = arith.constant 32 : index
    %swap3A_813 = arith.constant 0 : index
    %swap3A_814 = vector.load %arg10[%swap3A_811, %swap3A_812, %swap3A_813] : memref<69x128x256xf32, #tpu.memory_space<vmem>>, vector<1x32x256xf32>
    %swap3A_815 = vector.shape_cast %swap3A_814 : vector<1x32x256xf32> to vector<32x256xf32>
    %swap3A_816 = vector.shape_cast %broadcast_in_dim3A_810 : vector<32x256xf32> to vector<1x32x256xf32>
    tpu.vector_store %arg10[%swap3A_811, %swap3A_812, %swap3A_813], %swap3A_816 {strides = array<i32>} : memref<69x128x256xf32, #tpu.memory_space<vmem>>, vector<1x32x256xf32>,
    %get3A_817 = arith.constant 1 : index
    %get3A_818 = arith.constant 2 : index
    %get3A_819 = arith.constant 0 : index
    %get3A_820 = vector.load %arg7[%get3A_817, %get3A_818, %get3A_819] : memref<4x8x256xf32, #tpu.memory_space<vmem>>, vector<1x1x256xf32>
    %get3A_821 = vector.shape_cast %get3A_820 : vector<1x1x256xf32> to vector<1x256xf32>
    %broadcast_in_dim3A_822 = vector.shape_cast %get3A_821 : vector<1x256xf32> to vector<1x256xf32>
    %broadcast_in_dim3A_823 = vector.broadcast %broadcast_in_dim3A_822 : vector<1x256xf32> to vector<32x256xf32>
    %swap3A_824 = arith.constant 28 : index
    %swap3A_825 = arith.constant 32 : index
    %swap3A_826 = arith.constant 0 : index
    %swap3A_827 = vector.load %arg10[%swap3A_824, %swap3A_825, %swap3A_826] : memref<69x128x256xf32, #tpu.memory_space<vmem>>, vector<1x32x256xf32>
    %swap3A_828 = vector.shape_cast %swap3A_827 : vector<1x32x256xf32> to vector<32x256xf32>
    %swap3A_829 = vector.shape_cast %broadcast_in_dim3A_823 : vector<32x256xf32> to vector<1x32x256xf32>
    tpu.vector_store %arg10[%swap3A_824, %swap3A_825, %swap3A_826], %swap3A_829 {strides = array<i32>} : memref<69x128x256xf32, #tpu.memory_space<vmem>>, vector<1x32x256xf32>,
    %get3A_830 = arith.constant 1 : index
    %get3A_831 = arith.constant 3 : index
    %get3A_832 = arith.constant 0 : index
    %get3A_833 = vector.load %arg6[%get3A_830, %get3A_831, %get3A_832] : memref<4x8x256xf32, #tpu.memory_space<vmem>>, vector<1x1x256xf32>
    %get3A_834 = vector.shape_cast %get3A_833 : vector<1x1x256xf32> to vector<1x256xf32>
    %broadcast_in_dim3A_835 = vector.shape_cast %get3A_834 : vector<1x256xf32> to vector<1x256xf32>
    %broadcast_in_dim3A_836 = vector.broadcast %broadcast_in_dim3A_835 : vector<1x256xf32> to vector<32x256xf32>
    %swap3A_837 = arith.constant 21 : index
    %swap3A_838 = arith.constant 32 : index
    %swap3A_839 = arith.constant 0 : index
    %swap3A_840 = vector.load %arg10[%swap3A_837, %swap3A_838, %swap3A_839] : memref<69x128x256xf32, #tpu.memory_space<vmem>>, vector<1x32x256xf32>
    %swap3A_841 = vector.shape_cast %swap3A_840 : vector<1x32x256xf32> to vector<32x256xf32>
    %swap3A_842 = vector.shape_cast %broadcast_in_dim3A_836 : vector<32x256xf32> to vector<1x32x256xf32>
    tpu.vector_store %arg10[%swap3A_837, %swap3A_838, %swap3A_839], %swap3A_842 {strides = array<i32>} : memref<69x128x256xf32, #tpu.memory_space<vmem>>, vector<1x32x256xf32>,
    %get3A_843 = arith.constant 1 : index
    %get3A_844 = arith.constant 3 : index
    %get3A_845 = arith.constant 0 : index
    %get3A_846 = vector.load %arg7[%get3A_843, %get3A_844, %get3A_845] : memref<4x8x256xf32, #tpu.memory_space<vmem>>, vector<1x1x256xf32>
    %get3A_847 = vector.shape_cast %get3A_846 : vector<1x1x256xf32> to vector<1x256xf32>
    %broadcast_in_dim3A_848 = vector.shape_cast %get3A_847 : vector<1x256xf32> to vector<1x256xf32>
    %broadcast_in_dim3A_849 = vector.broadcast %broadcast_in_dim3A_848 : vector<1x256xf32> to vector<32x256xf32>
    %swap3A_850 = arith.constant 29 : index
    %swap3A_851 = arith.constant 32 : index
    %swap3A_852 = arith.constant 0 : index
    %swap3A_853 = vector.load %arg10[%swap3A_850, %swap3A_851, %swap3A_852] : memref<69x128x256xf32, #tpu.memory_space<vmem>>, vector<1x32x256xf32>
    %swap3A_854 = vector.shape_cast %swap3A_853 : vector<1x32x256xf32> to vector<32x256xf32>
    %swap3A_855 = vector.shape_cast %broadcast_in_dim3A_849 : vector<32x256xf32> to vector<1x32x256xf32>
    tpu.vector_store %arg10[%swap3A_850, %swap3A_851, %swap3A_852], %swap3A_855 {strides = array<i32>} : memref<69x128x256xf32, #tpu.memory_space<vmem>>, vector<1x32x256xf32>,
    %get3A_856 = arith.constant 1 : index
    %get3A_857 = arith.constant 4 : index
    %get3A_858 = arith.constant 0 : index
    %get3A_859 = vector.load %arg6[%get3A_856, %get3A_857, %get3A_858] : memref<4x8x256xf32, #tpu.memory_space<vmem>>, vector<1x1x256xf32>
    %get3A_860 = vector.shape_cast %get3A_859 : vector<1x1x256xf32> to vector<1x256xf32>
    %broadcast_in_dim3A_861 = vector.shape_cast %get3A_860 : vector<1x256xf32> to vector<1x256xf32>
    %broadcast_in_dim3A_862 = vector.broadcast %broadcast_in_dim3A_861 : vector<1x256xf32> to vector<32x256xf32>
    %swap3A_863 = arith.constant 22 : index
    %swap3A_864 = arith.constant 32 : index
    %swap3A_865 = arith.constant 0 : index
    %swap3A_866 = vector.load %arg10[%swap3A_863, %swap3A_864, %swap3A_865] : memref<69x128x256xf32, #tpu.memory_space<vmem>>, vector<1x32x256xf32>
    %swap3A_867 = vector.shape_cast %swap3A_866 : vector<1x32x256xf32> to vector<32x256xf32>
    %swap3A_868 = vector.shape_cast %broadcast_in_dim3A_862 : vector<32x256xf32> to vector<1x32x256xf32>
    tpu.vector_store %arg10[%swap3A_863, %swap3A_864, %swap3A_865], %swap3A_868 {strides = array<i32>} : memref<69x128x256xf32, #tpu.memory_space<vmem>>, vector<1x32x256xf32>,
    %get3A_869 = arith.constant 1 : index
    %get3A_870 = arith.constant 4 : index
    %get3A_871 = arith.constant 0 : index
    %get3A_872 = vector.load %arg7[%get3A_869, %get3A_870, %get3A_871] : memref<4x8x256xf32, #tpu.memory_space<vmem>>, vector<1x1x256xf32>
    %get3A_873 = vector.shape_cast %get3A_872 : vector<1x1x256xf32> to vector<1x256xf32>
    %broadcast_in_dim3A_874 = vector.shape_cast %get3A_873 : vector<1x256xf32> to vector<1x256xf32>
    %broadcast_in_dim3A_875 = vector.broadcast %broadcast_in_dim3A_874 : vector<1x256xf32> to vector<32x256xf32>
    %swap3A_876 = arith.constant 30 : index
    %swap3A_877 = arith.constant 32 : index
    %swap3A_878 = arith.constant 0 : index
    %swap3A_879 = vector.load %arg10[%swap3A_876, %swap3A_877, %swap3A_878] : memref<69x128x256xf32, #tpu.memory_space<vmem>>, vector<1x32x256xf32>
    %swap3A_880 = vector.shape_cast %swap3A_879 : vector<1x32x256xf32> to vector<32x256xf32>
    %swap3A_881 = vector.shape_cast %broadcast_in_dim3A_875 : vector<32x256xf32> to vector<1x32x256xf32>
    tpu.vector_store %arg10[%swap3A_876, %swap3A_877, %swap3A_878], %swap3A_881 {strides = array<i32>} : memref<69x128x256xf32, #tpu.memory_space<vmem>>, vector<1x32x256xf32>,
    %get3A_882 = arith.constant 1 : index
    %get3A_883 = arith.constant 5 : index
    %get3A_884 = arith.constant 0 : index
    %get3A_885 = vector.load %arg6[%get3A_882, %get3A_883, %get3A_884] : memref<4x8x256xf32, #tpu.memory_space<vmem>>, vector<1x1x256xf32>
    %get3A_886 = vector.shape_cast %get3A_885 : vector<1x1x256xf32> to vector<1x256xf32>
    %broadcast_in_dim3A_887 = vector.shape_cast %get3A_886 : vector<1x256xf32> to vector<1x256xf32>
    %broadcast_in_dim3A_888 = vector.broadcast %broadcast_in_dim3A_887 : vector<1x256xf32> to vector<32x256xf32>
    %swap3A_889 = arith.constant 23 : index
    %swap3A_890 = arith.constant 32 : index
    %swap3A_891 = arith.constant 0 : index
    %swap3A_892 = vector.load %arg10[%swap3A_889, %swap3A_890, %swap3A_891] : memref<69x128x256xf32, #tpu.memory_space<vmem>>, vector<1x32x256xf32>
    %swap3A_893 = vector.shape_cast %swap3A_892 : vector<1x32x256xf32> to vector<32x256xf32>
    %swap3A_894 = vector.shape_cast %broadcast_in_dim3A_888 : vector<32x256xf32> to vector<1x32x256xf32>
    tpu.vector_store %arg10[%swap3A_889, %swap3A_890, %swap3A_891], %swap3A_894 {strides = array<i32>} : memref<69x128x256xf32, #tpu.memory_space<vmem>>, vector<1x32x256xf32>,
    %get3A_895 = arith.constant 1 : index
    %get3A_896 = arith.constant 5 : index
    %get3A_897 = arith.constant 0 : index
    %get3A_898 = vector.load %arg7[%get3A_895, %get3A_896, %get3A_897] : memref<4x8x256xf32, #tpu.memory_space<vmem>>, vector<1x1x256xf32>
    %get3A_899 = vector.shape_cast %get3A_898 : vector<1x1x256xf32> to vector<1x256xf32>
    %broadcast_in_dim3A_900 = vector.shape_cast %get3A_899 : vector<1x256xf32> to vector<1x256xf32>
    %broadcast_in_dim3A_901 = vector.broadcast %broadcast_in_dim3A_900 : vector<1x256xf32> to vector<32x256xf32>
    %swap3A_902 = arith.constant 31 : index
    %swap3A_903 = arith.constant 32 : index
    %swap3A_904 = arith.constant 0 : index
    %swap3A_905 = vector.load %arg10[%swap3A_902, %swap3A_903, %swap3A_904] : memref<69x128x256xf32, #tpu.memory_space<vmem>>, vector<1x32x256xf32>
    %swap3A_906 = vector.shape_cast %swap3A_905 : vector<1x32x256xf32> to vector<32x256xf32>
    %swap3A_907 = vector.shape_cast %broadcast_in_dim3A_901 : vector<32x256xf32> to vector<1x32x256xf32>
    tpu.vector_store %arg10[%swap3A_902, %swap3A_903, %swap3A_904], %swap3A_907 {strides = array<i32>} : memref<69x128x256xf32, #tpu.memory_space<vmem>>, vector<1x32x256xf32>,
    %get3A_908 = arith.constant 1 : index
    %get3A_909 = arith.constant 6 : index
    %get3A_910 = arith.constant 0 : index
    %get3A_911 = vector.load %arg6[%get3A_908, %get3A_909, %get3A_910] : memref<4x8x256xf32, #tpu.memory_space<vmem>>, vector<1x1x256xf32>
    %get3A_912 = vector.shape_cast %get3A_911 : vector<1x1x256xf32> to vector<1x256xf32>
    %broadcast_in_dim3A_913 = vector.shape_cast %get3A_912 : vector<1x256xf32> to vector<1x256xf32>
    %broadcast_in_dim3A_914 = vector.broadcast %broadcast_in_dim3A_913 : vector<1x256xf32> to vector<32x256xf32>
    %swap3A_915 = arith.constant 24 : index
    %swap3A_916 = arith.constant 32 : index
    %swap3A_917 = arith.constant 0 : index
    %swap3A_918 = vector.load %arg10[%swap3A_915, %swap3A_916, %swap3A_917] : memref<69x128x256xf32, #tpu.memory_space<vmem>>, vector<1x32x256xf32>
    %swap3A_919 = vector.shape_cast %swap3A_918 : vector<1x32x256xf32> to vector<32x256xf32>
    %swap3A_920 = vector.shape_cast %broadcast_in_dim3A_914 : vector<32x256xf32> to vector<1x32x256xf32>
    tpu.vector_store %arg10[%swap3A_915, %swap3A_916, %swap3A_917], %swap3A_920 {strides = array<i32>} : memref<69x128x256xf32, #tpu.memory_space<vmem>>, vector<1x32x256xf32>,
    %get3A_921 = arith.constant 1 : index
    %get3A_922 = arith.constant 6 : index
    %get3A_923 = arith.constant 0 : index
    %get3A_924 = vector.load %arg7[%get3A_921, %get3A_922, %get3A_923] : memref<4x8x256xf32, #tpu.memory_space<vmem>>, vector<1x1x256xf32>
    %get3A_925 = vector.shape_cast %get3A_924 : vector<1x1x256xf32> to vector<1x256xf32>
    %broadcast_in_dim3A_926 = vector.shape_cast %get3A_925 : vector<1x256xf32> to vector<1x256xf32>
    %broadcast_in_dim3A_927 = vector.broadcast %broadcast_in_dim3A_926 : vector<1x256xf32> to vector<32x256xf32>
    %swap3A_928 = arith.constant 32 : index
    %swap3A_929 = arith.constant 32 : index
    %swap3A_930 = arith.constant 0 : index
    %swap3A_931 = vector.load %arg10[%swap3A_928, %swap3A_929, %swap3A_930] : memref<69x128x256xf32, #tpu.memory_space<vmem>>, vector<1x32x256xf32>
    %swap3A_932 = vector.shape_cast %swap3A_931 : vector<1x32x256xf32> to vector<32x256xf32>
    %swap3A_933 = vector.shape_cast %broadcast_in_dim3A_927 : vector<32x256xf32> to vector<1x32x256xf32>
    tpu.vector_store %arg10[%swap3A_928, %swap3A_929, %swap3A_930], %swap3A_933 {strides = array<i32>} : memref<69x128x256xf32, #tpu.memory_space<vmem>>, vector<1x32x256xf32>,
    %get3A_934 = arith.constant 1 : index
    %get3A_935 = arith.constant 7 : index
    %get3A_936 = arith.constant 0 : index
    %get3A_937 = vector.load %arg6[%get3A_934, %get3A_935, %get3A_936] : memref<4x8x256xf32, #tpu.memory_space<vmem>>, vector<1x1x256xf32>
    %get3A_938 = vector.shape_cast %get3A_937 : vector<1x1x256xf32> to vector<1x256xf32>
    %broadcast_in_dim3A_939 = vector.shape_cast %get3A_938 : vector<1x256xf32> to vector<1x256xf32>
    %broadcast_in_dim3A_940 = vector.broadcast %broadcast_in_dim3A_939 : vector<1x256xf32> to vector<32x256xf32>
    %swap3A_941 = arith.constant 25 : index
    %swap3A_942 = arith.constant 32 : index
    %swap3A_943 = arith.constant 0 : index
    %swap3A_944 = vector.load %arg10[%swap3A_941, %swap3A_942, %swap3A_943] : memref<69x128x256xf32, #tpu.memory_space<vmem>>, vector<1x32x256xf32>
    %swap3A_945 = vector.shape_cast %swap3A_944 : vector<1x32x256xf32> to vector<32x256xf32>
    %swap3A_946 = vector.shape_cast %broadcast_in_dim3A_940 : vector<32x256xf32> to vector<1x32x256xf32>
    tpu.vector_store %arg10[%swap3A_941, %swap3A_942, %swap3A_943], %swap3A_946 {strides = array<i32>} : memref<69x128x256xf32, #tpu.memory_space<vmem>>, vector<1x32x256xf32>,
    %get3A_947 = arith.constant 1 : index
    %get3A_948 = arith.constant 7 : index
    %get3A_949 = arith.constant 0 : index
    %get3A_950 = vector.load %arg7[%get3A_947, %get3A_948, %get3A_949] : memref<4x8x256xf32, #tpu.memory_space<vmem>>, vector<1x1x256xf32>
    %get3A_951 = vector.shape_cast %get3A_950 : vector<1x1x256xf32> to vector<1x256xf32>
    %broadcast_in_dim3A_952 = vector.shape_cast %get3A_951 : vector<1x256xf32> to vector<1x256xf32>
    %broadcast_in_dim3A_953 = vector.broadcast %broadcast_in_dim3A_952 : vector<1x256xf32> to vector<32x256xf32>
    %swap3A_954 = arith.constant 33 : index
    %swap3A_955 = arith.constant 32 : index
    %swap3A_956 = arith.constant 0 : index
    %swap3A_957 = vector.load %arg10[%swap3A_954, %swap3A_955, %swap3A_956] : memref<69x128x256xf32, #tpu.memory_space<vmem>>, vector<1x32x256xf32>
    %swap3A_958 = vector.shape_cast %swap3A_957 : vector<1x32x256xf32> to vector<32x256xf32>
    %swap3A_959 = vector.shape_cast %broadcast_in_dim3A_953 : vector<32x256xf32> to vector<1x32x256xf32>
    tpu.vector_store %arg10[%swap3A_954, %swap3A_955, %swap3A_956], %swap3A_959 {strides = array<i32>} : memref<69x128x256xf32, #tpu.memory_space<vmem>>, vector<1x32x256xf32>,
    %get3A_960 = arith.constant 1 : index
    %get3A_961 = arith.constant 0 : index
    %get3A_962 = arith.constant 0 : index
    %get3A_963 = vector.load %arg8[%get3A_960, %get3A_961, %get3A_962] : memref<4x256x128xf32, #tpu.memory_space<vmem>>, vector<1x256x128xf32>
    %get3A_964 = vector.shape_cast %get3A_963 : vector<1x256x128xf32> to vector<256x128xf32>
    %slice3A_965 = vector.extract_strided_slice %get3A_964 {offsets = [0, 0], sizes = [256, 16], strides = [1, 1]} : vector<256x128xf32> to vector<256x16xf32>
    %transpose3A_966 = tpu.transpose %slice3A_965, [1, 0] : vector<256x16xf32> -> vector<16x256xf32>
    %slice3A_967 = vector.extract_strided_slice %transpose3A_966 {offsets = [0, 0], sizes = [1, 256], strides = [1, 1]} : vector<16x256xf32> to vector<1x256xf32>
    %broadcast_in_dim3A_968 = vector.shape_cast %slice3A_967 : vector<1x256xf32> to vector<1x256xf32>
    %broadcast_in_dim3A_969 = vector.broadcast %broadcast_in_dim3A_968 : vector<1x256xf32> to vector<32x256xf32>
    %swap3A_970 = arith.constant 52 : index
    %swap3A_971 = arith.constant 32 : index
    %swap3A_972 = arith.constant 0 : index
    %swap3A_973 = vector.load %arg10[%swap3A_970, %swap3A_971, %swap3A_972] : memref<69x128x256xf32, #tpu.memory_space<vmem>>, vector<1x32x256xf32>
    %swap3A_974 = vector.shape_cast %swap3A_973 : vector<1x32x256xf32> to vector<32x256xf32>
    %swap3A_975 = vector.shape_cast %broadcast_in_dim3A_969 : vector<32x256xf32> to vector<1x32x256xf32>
    tpu.vector_store %arg10[%swap3A_970, %swap3A_971, %swap3A_972], %swap3A_975 {strides = array<i32>} : memref<69x128x256xf32, #tpu.memory_space<vmem>>, vector<1x32x256xf32>,
    %slice3A_976 = vector.extract_strided_slice %transpose3A_966 {offsets = [1, 0], sizes = [1, 256], strides = [1, 1]} : vector<16x256xf32> to vector<1x256xf32>
    %broadcast_in_dim3A_977 = vector.shape_cast %slice3A_976 : vector<1x256xf32> to vector<1x256xf32>
    %broadcast_in_dim3A_978 = vector.broadcast %broadcast_in_dim3A_977 : vector<1x256xf32> to vector<32x256xf32>
    %swap3A_979 = arith.constant 53 : index
    %swap3A_980 = arith.constant 32 : index
    %swap3A_981 = arith.constant 0 : index
    %swap3A_982 = vector.load %arg10[%swap3A_979, %swap3A_980, %swap3A_981] : memref<69x128x256xf32, #tpu.memory_space<vmem>>, vector<1x32x256xf32>
    %swap3A_983 = vector.shape_cast %swap3A_982 : vector<1x32x256xf32> to vector<32x256xf32>
    %swap3A_984 = vector.shape_cast %broadcast_in_dim3A_978 : vector<32x256xf32> to vector<1x32x256xf32>
    tpu.vector_store %arg10[%swap3A_979, %swap3A_980, %swap3A_981], %swap3A_984 {strides = array<i32>} : memref<69x128x256xf32, #tpu.memory_space<vmem>>, vector<1x32x256xf32>,
    %slice3A_985 = vector.extract_strided_slice %transpose3A_966 {offsets = [2, 0], sizes = [1, 256], strides = [1, 1]} : vector<16x256xf32> to vector<1x256xf32>
    %broadcast_in_dim3A_986 = vector.shape_cast %slice3A_985 : vector<1x256xf32> to vector<1x256xf32>
    %broadcast_in_dim3A_987 = vector.broadcast %broadcast_in_dim3A_986 : vector<1x256xf32> to vector<32x256xf32>
    %swap3A_988 = arith.constant 54 : index
    %swap3A_989 = arith.constant 32 : index
    %swap3A_990 = arith.constant 0 : index
    %swap3A_991 = vector.load %arg10[%swap3A_988, %swap3A_989, %swap3A_990] : memref<69x128x256xf32, #tpu.memory_space<vmem>>, vector<1x32x256xf32>
    %swap3A_992 = vector.shape_cast %swap3A_991 : vector<1x32x256xf32> to vector<32x256xf32>
    %swap3A_993 = vector.shape_cast %broadcast_in_dim3A_987 : vector<32x256xf32> to vector<1x32x256xf32>
    tpu.vector_store %arg10[%swap3A_988, %swap3A_989, %swap3A_990], %swap3A_993 {strides = array<i32>} : memref<69x128x256xf32, #tpu.memory_space<vmem>>, vector<1x32x256xf32>,
    %slice3A_994 = vector.extract_strided_slice %transpose3A_966 {offsets = [3, 0], sizes = [1, 256], strides = [1, 1]} : vector<16x256xf32> to vector<1x256xf32>
    %broadcast_in_dim3A_995 = vector.shape_cast %slice3A_994 : vector<1x256xf32> to vector<1x256xf32>
    %broadcast_in_dim3A_996 = vector.broadcast %broadcast_in_dim3A_995 : vector<1x256xf32> to vector<32x256xf32>
    %swap3A_997 = arith.constant 55 : index
    %swap3A_998 = arith.constant 32 : index
    %swap3A_999 = arith.constant 0 : index
    %swap3A_1000 = vector.load %arg10[%swap3A_997, %swap3A_998, %swap3A_999] : memref<69x128x256xf32, #tpu.memory_space<vmem>>, vector<1x32x256xf32>
    %swap3A_1001 = vector.shape_cast %swap3A_1000 : vector<1x32x256xf32> to vector<32x256xf32>
    %swap3A_1002 = vector.shape_cast %broadcast_in_dim3A_996 : vector<32x256xf32> to vector<1x32x256xf32>
    tpu.vector_store %arg10[%swap3A_997, %swap3A_998, %swap3A_999], %swap3A_1002 {strides = array<i32>} : memref<69x128x256xf32, #tpu.memory_space<vmem>>, vector<1x32x256xf32>,
    %slice3A_1003 = vector.extract_strided_slice %transpose3A_966 {offsets = [4, 0], sizes = [1, 256], strides = [1, 1]} : vector<16x256xf32> to vector<1x256xf32>
    %broadcast_in_dim3A_1004 = vector.shape_cast %slice3A_1003 : vector<1x256xf32> to vector<1x256xf32>
    %broadcast_in_dim3A_1005 = vector.broadcast %broadcast_in_dim3A_1004 : vector<1x256xf32> to vector<32x256xf32>
    %swap3A_1006 = arith.constant 56 : index
    %swap3A_1007 = arith.constant 32 : index
    %swap3A_1008 = arith.constant 0 : index
    %swap3A_1009 = vector.load %arg10[%swap3A_1006, %swap3A_1007, %swap3A_1008] : memref<69x128x256xf32, #tpu.memory_space<vmem>>, vector<1x32x256xf32>
    %swap3A_1010 = vector.shape_cast %swap3A_1009 : vector<1x32x256xf32> to vector<32x256xf32>
    %swap3A_1011 = vector.shape_cast %broadcast_in_dim3A_1005 : vector<32x256xf32> to vector<1x32x256xf32>
    tpu.vector_store %arg10[%swap3A_1006, %swap3A_1007, %swap3A_1008], %swap3A_1011 {strides = array<i32>} : memref<69x128x256xf32, #tpu.memory_space<vmem>>, vector<1x32x256xf32>,
    %slice3A_1012 = vector.extract_strided_slice %transpose3A_966 {offsets = [5, 0], sizes = [1, 256], strides = [1, 1]} : vector<16x256xf32> to vector<1x256xf32>
    %broadcast_in_dim3A_1013 = vector.shape_cast %slice3A_1012 : vector<1x256xf32> to vector<1x256xf32>
    %broadcast_in_dim3A_1014 = vector.broadcast %broadcast_in_dim3A_1013 : vector<1x256xf32> to vector<32x256xf32>
    %swap3A_1015 = arith.constant 57 : index
    %swap3A_1016 = arith.constant 32 : index
    %swap3A_1017 = arith.constant 0 : index
    %swap3A_1018 = vector.load %arg10[%swap3A_1015, %swap3A_1016, %swap3A_1017] : memref<69x128x256xf32, #tpu.memory_space<vmem>>, vector<1x32x256xf32>
    %swap3A_1019 = vector.shape_cast %swap3A_1018 : vector<1x32x256xf32> to vector<32x256xf32>
    %swap3A_1020 = vector.shape_cast %broadcast_in_dim3A_1014 : vector<32x256xf32> to vector<1x32x256xf32>
    tpu.vector_store %arg10[%swap3A_1015, %swap3A_1016, %swap3A_1017], %swap3A_1020 {strides = array<i32>} : memref<69x128x256xf32, #tpu.memory_space<vmem>>, vector<1x32x256xf32>,
    %slice3A_1021 = vector.extract_strided_slice %transpose3A_966 {offsets = [6, 0], sizes = [1, 256], strides = [1, 1]} : vector<16x256xf32> to vector<1x256xf32>
    %broadcast_in_dim3A_1022 = vector.shape_cast %slice3A_1021 : vector<1x256xf32> to vector<1x256xf32>
    %broadcast_in_dim3A_1023 = vector.broadcast %broadcast_in_dim3A_1022 : vector<1x256xf32> to vector<32x256xf32>
    %swap3A_1024 = arith.constant 58 : index
    %swap3A_1025 = arith.constant 32 : index
    %swap3A_1026 = arith.constant 0 : index
    %swap3A_1027 = vector.load %arg10[%swap3A_1024, %swap3A_1025, %swap3A_1026] : memref<69x128x256xf32, #tpu.memory_space<vmem>>, vector<1x32x256xf32>
    %swap3A_1028 = vector.shape_cast %swap3A_1027 : vector<1x32x256xf32> to vector<32x256xf32>
    %swap3A_1029 = vector.shape_cast %broadcast_in_dim3A_1023 : vector<32x256xf32> to vector<1x32x256xf32>
    tpu.vector_store %arg10[%swap3A_1024, %swap3A_1025, %swap3A_1026], %swap3A_1029 {strides = array<i32>} : memref<69x128x256xf32, #tpu.memory_space<vmem>>, vector<1x32x256xf32>,
    %slice3A_1030 = vector.extract_strided_slice %transpose3A_966 {offsets = [7, 0], sizes = [1, 256], strides = [1, 1]} : vector<16x256xf32> to vector<1x256xf32>
    %broadcast_in_dim3A_1031 = vector.shape_cast %slice3A_1030 : vector<1x256xf32> to vector<1x256xf32>
    %broadcast_in_dim3A_1032 = vector.broadcast %broadcast_in_dim3A_1031 : vector<1x256xf32> to vector<32x256xf32>
    %swap3A_1033 = arith.constant 59 : index
    %swap3A_1034 = arith.constant 32 : index
    %swap3A_1035 = arith.constant 0 : index
    %swap3A_1036 = vector.load %arg10[%swap3A_1033, %swap3A_1034, %swap3A_1035] : memref<69x128x256xf32, #tpu.memory_space<vmem>>, vector<1x32x256xf32>
    %swap3A_1037 = vector.shape_cast %swap3A_1036 : vector<1x32x256xf32> to vector<32x256xf32>
    %swap3A_1038 = vector.shape_cast %broadcast_in_dim3A_1032 : vector<32x256xf32> to vector<1x32x256xf32>
    tpu.vector_store %arg10[%swap3A_1033, %swap3A_1034, %swap3A_1035], %swap3A_1038 {strides = array<i32>} : memref<69x128x256xf32, #tpu.memory_space<vmem>>, vector<1x32x256xf32>,
    %slice3A_1039 = vector.extract_strided_slice %transpose3A_966 {offsets = [8, 0], sizes = [1, 256], strides = [1, 1]} : vector<16x256xf32> to vector<1x256xf32>
    %broadcast_in_dim3A_1040 = vector.shape_cast %slice3A_1039 : vector<1x256xf32> to vector<1x256xf32>
    %broadcast_in_dim3A_1041 = vector.broadcast %broadcast_in_dim3A_1040 : vector<1x256xf32> to vector<32x256xf32>
    %swap3A_1042 = arith.constant 60 : index
    %swap3A_1043 = arith.constant 32 : index
    %swap3A_1044 = arith.constant 0 : index
    %swap3A_1045 = vector.load %arg10[%swap3A_1042, %swap3A_1043, %swap3A_1044] : memref<69x128x256xf32, #tpu.memory_space<vmem>>, vector<1x32x256xf32>
    %swap3A_1046 = vector.shape_cast %swap3A_1045 : vector<1x32x256xf32> to vector<32x256xf32>
    %swap3A_1047 = vector.shape_cast %broadcast_in_dim3A_1041 : vector<32x256xf32> to vector<1x32x256xf32>
    tpu.vector_store %arg10[%swap3A_1042, %swap3A_1043, %swap3A_1044], %swap3A_1047 {strides = array<i32>} : memref<69x128x256xf32, #tpu.memory_space<vmem>>, vector<1x32x256xf32>,
    %slice3A_1048 = vector.extract_strided_slice %transpose3A_966 {offsets = [9, 0], sizes = [1, 256], strides = [1, 1]} : vector<16x256xf32> to vector<1x256xf32>
    %broadcast_in_dim3A_1049 = vector.shape_cast %slice3A_1048 : vector<1x256xf32> to vector<1x256xf32>
    %broadcast_in_dim3A_1050 = vector.broadcast %broadcast_in_dim3A_1049 : vector<1x256xf32> to vector<32x256xf32>
    %swap3A_1051 = arith.constant 61 : index
    %swap3A_1052 = arith.constant 32 : index
    %swap3A_1053 = arith.constant 0 : index
    %swap3A_1054 = vector.load %arg10[%swap3A_1051, %swap3A_1052, %swap3A_1053] : memref<69x128x256xf32, #tpu.memory_space<vmem>>, vector<1x32x256xf32>
    %swap3A_1055 = vector.shape_cast %swap3A_1054 : vector<1x32x256xf32> to vector<32x256xf32>
    %swap3A_1056 = vector.shape_cast %broadcast_in_dim3A_1050 : vector<32x256xf32> to vector<1x32x256xf32>
    tpu.vector_store %arg10[%swap3A_1051, %swap3A_1052, %swap3A_1053], %swap3A_1056 {strides = array<i32>} : memref<69x128x256xf32, #tpu.memory_space<vmem>>, vector<1x32x256xf32>,
    %slice3A_1057 = vector.extract_strided_slice %transpose3A_966 {offsets = [10, 0], sizes = [1, 256], strides = [1, 1]} : vector<16x256xf32> to vector<1x256xf32>
    %broadcast_in_dim3A_1058 = vector.shape_cast %slice3A_1057 : vector<1x256xf32> to vector<1x256xf32>
    %broadcast_in_dim3A_1059 = vector.broadcast %broadcast_in_dim3A_1058 : vector<1x256xf32> to vector<32x256xf32>
    %swap3A_1060 = arith.constant 62 : index
    %swap3A_1061 = arith.constant 32 : index
    %swap3A_1062 = arith.constant 0 : index
    %swap3A_1063 = vector.load %arg10[%swap3A_1060, %swap3A_1061, %swap3A_1062] : memref<69x128x256xf32, #tpu.memory_space<vmem>>, vector<1x32x256xf32>
    %swap3A_1064 = vector.shape_cast %swap3A_1063 : vector<1x32x256xf32> to vector<32x256xf32>
    %swap3A_1065 = vector.shape_cast %broadcast_in_dim3A_1059 : vector<32x256xf32> to vector<1x32x256xf32>
    tpu.vector_store %arg10[%swap3A_1060, %swap3A_1061, %swap3A_1062], %swap3A_1065 {strides = array<i32>} : memref<69x128x256xf32, #tpu.memory_space<vmem>>, vector<1x32x256xf32>,
    %slice3A_1066 = vector.extract_strided_slice %transpose3A_966 {offsets = [11, 0], sizes = [1, 256], strides = [1, 1]} : vector<16x256xf32> to vector<1x256xf32>
    %broadcast_in_dim3A_1067 = vector.shape_cast %slice3A_1066 : vector<1x256xf32> to vector<1x256xf32>
    %broadcast_in_dim3A_1068 = vector.broadcast %broadcast_in_dim3A_1067 : vector<1x256xf32> to vector<32x256xf32>
    %swap3A_1069 = arith.constant 63 : index
    %swap3A_1070 = arith.constant 32 : index
    %swap3A_1071 = arith.constant 0 : index
    %swap3A_1072 = vector.load %arg10[%swap3A_1069, %swap3A_1070, %swap3A_1071] : memref<69x128x256xf32, #tpu.memory_space<vmem>>, vector<1x32x256xf32>
    %swap3A_1073 = vector.shape_cast %swap3A_1072 : vector<1x32x256xf32> to vector<32x256xf32>
    %swap3A_1074 = vector.shape_cast %broadcast_in_dim3A_1068 : vector<32x256xf32> to vector<1x32x256xf32>
    tpu.vector_store %arg10[%swap3A_1069, %swap3A_1070, %swap3A_1071], %swap3A_1074 {strides = array<i32>} : memref<69x128x256xf32, #tpu.memory_space<vmem>>, vector<1x32x256xf32>,
    %slice3A_1075 = vector.extract_strided_slice %transpose3A_966 {offsets = [12, 0], sizes = [1, 256], strides = [1, 1]} : vector<16x256xf32> to vector<1x256xf32>
    %broadcast_in_dim3A_1076 = vector.shape_cast %slice3A_1075 : vector<1x256xf32> to vector<1x256xf32>
    %broadcast_in_dim3A_1077 = vector.broadcast %broadcast_in_dim3A_1076 : vector<1x256xf32> to vector<32x256xf32>
    %swap3A_1078 = arith.constant 64 : index
    %swap3A_1079 = arith.constant 32 : index
    %swap3A_1080 = arith.constant 0 : index
    %swap3A_1081 = vector.load %arg10[%swap3A_1078, %swap3A_1079, %swap3A_1080] : memref<69x128x256xf32, #tpu.memory_space<vmem>>, vector<1x32x256xf32>
    %swap3A_1082 = vector.shape_cast %swap3A_1081 : vector<1x32x256xf32> to vector<32x256xf32>
    %swap3A_1083 = vector.shape_cast %broadcast_in_dim3A_1077 : vector<32x256xf32> to vector<1x32x256xf32>
    tpu.vector_store %arg10[%swap3A_1078, %swap3A_1079, %swap3A_1080], %swap3A_1083 {strides = array<i32>} : memref<69x128x256xf32, #tpu.memory_space<vmem>>, vector<1x32x256xf32>,
    %slice3A_1084 = vector.extract_strided_slice %transpose3A_966 {offsets = [13, 0], sizes = [1, 256], strides = [1, 1]} : vector<16x256xf32> to vector<1x256xf32>
    %broadcast_in_dim3A_1085 = vector.shape_cast %slice3A_1084 : vector<1x256xf32> to vector<1x256xf32>
    %broadcast_in_dim3A_1086 = vector.broadcast %broadcast_in_dim3A_1085 : vector<1x256xf32> to vector<32x256xf32>
    %swap3A_1087 = arith.constant 65 : index
    %swap3A_1088 = arith.constant 32 : index
    %swap3A_1089 = arith.constant 0 : index
    %swap3A_1090 = vector.load %arg10[%swap3A_1087, %swap3A_1088, %swap3A_1089] : memref<69x128x256xf32, #tpu.memory_space<vmem>>, vector<1x32x256xf32>
    %swap3A_1091 = vector.shape_cast %swap3A_1090 : vector<1x32x256xf32> to vector<32x256xf32>
    %swap3A_1092 = vector.shape_cast %broadcast_in_dim3A_1086 : vector<32x256xf32> to vector<1x32x256xf32>
    tpu.vector_store %arg10[%swap3A_1087, %swap3A_1088, %swap3A_1089], %swap3A_1092 {strides = array<i32>} : memref<69x128x256xf32, #tpu.memory_space<vmem>>, vector<1x32x256xf32>,
    %slice3A_1093 = vector.extract_strided_slice %transpose3A_966 {offsets = [14, 0], sizes = [1, 256], strides = [1, 1]} : vector<16x256xf32> to vector<1x256xf32>
    %broadcast_in_dim3A_1094 = vector.shape_cast %slice3A_1093 : vector<1x256xf32> to vector<1x256xf32>
    %broadcast_in_dim3A_1095 = vector.broadcast %broadcast_in_dim3A_1094 : vector<1x256xf32> to vector<32x256xf32>
    %swap3A_1096 = arith.constant 66 : index
    %swap3A_1097 = arith.constant 32 : index
    %swap3A_1098 = arith.constant 0 : index
    %swap3A_1099 = vector.load %arg10[%swap3A_1096, %swap3A_1097, %swap3A_1098] : memref<69x128x256xf32, #tpu.memory_space<vmem>>, vector<1x32x256xf32>
    %swap3A_1100 = vector.shape_cast %swap3A_1099 : vector<1x32x256xf32> to vector<32x256xf32>
    %swap3A_1101 = vector.shape_cast %broadcast_in_dim3A_1095 : vector<32x256xf32> to vector<1x32x256xf32>
    tpu.vector_store %arg10[%swap3A_1096, %swap3A_1097, %swap3A_1098], %swap3A_1101 {strides = array<i32>} : memref<69x128x256xf32, #tpu.memory_space<vmem>>, vector<1x32x256xf32>,
    %slice3A_1102 = vector.extract_strided_slice %transpose3A_966 {offsets = [15, 0], sizes = [1, 256], strides = [1, 1]} : vector<16x256xf32> to vector<1x256xf32>
    %broadcast_in_dim3A_1103 = vector.shape_cast %slice3A_1102 : vector<1x256xf32> to vector<1x256xf32>
    %broadcast_in_dim3A_1104 = vector.broadcast %broadcast_in_dim3A_1103 : vector<1x256xf32> to vector<32x256xf32>
    %swap3A_1105 = arith.constant 67 : index
    %swap3A_1106 = arith.constant 32 : index
    %swap3A_1107 = arith.constant 0 : index
    %swap3A_1108 = vector.load %arg10[%swap3A_1105, %swap3A_1106, %swap3A_1107] : memref<69x128x256xf32, #tpu.memory_space<vmem>>, vector<1x32x256xf32>
    %swap3A_1109 = vector.shape_cast %swap3A_1108 : vector<1x32x256xf32> to vector<32x256xf32>
    %swap3A_1110 = vector.shape_cast %broadcast_in_dim3A_1104 : vector<32x256xf32> to vector<1x32x256xf32>
    tpu.vector_store %arg10[%swap3A_1105, %swap3A_1106, %swap3A_1107], %swap3A_1110 {strides = array<i32>} : memref<69x128x256xf32, #tpu.memory_space<vmem>>, vector<1x32x256xf32>,
    %broadcast_in_dim3A_1111 = arith.constant 0.000000e+00 : f32
    %broadcast_in_dim3A_1112 = vector.broadcast %broadcast_in_dim3A_1111 : f32 to vector<18x32x256xf32>
    %swap3A_1113 = arith.constant 34 : index
    %swap3A_1114 = arith.constant 32 : index
    %swap3A_1115 = arith.constant 0 : index
    %swap3A_1116 = vector.load %arg10[%swap3A_1113, %swap3A_1114, %swap3A_1115] : memref<69x128x256xf32, #tpu.memory_space<vmem>>, vector<18x32x256xf32>
    tpu.vector_store %arg10[%swap3A_1113, %swap3A_1114, %swap3A_1115], %broadcast_in_dim3A_1112 {strides = array<i32>} : memref<69x128x256xf32, #tpu.memory_space<vmem>>, vector<18x32x256xf32>,
    %iota3A_1117 = tpu.iota {dimensions = array<i32: 0>} : vector<32x256xi32>
    %get3A_1118 = arith.constant 0 : index
    %get3A_1119 = memref.load %arg1[%get3A_1118] : memref<1xi32, #tpu.memory_space<smem>>
    %le3A_1120 = vector.broadcast %get3A_1119 : i32 to vector<32x256xi32>
    %le3A_1121 = arith.cmpi sle, %iota3A_1117, %le3A_1120 : vector<32x256xi32>
    %get3A_1122 = arith.constant 1 : index
    %get3A_1123 = arith.constant 0 : index
    %get3A_1124 = arith.constant 0 : index
    %get3A_1125 = vector.load %arg9[%get3A_1122, %get3A_1123, %get3A_1124] : memref<4x32x256xf32, #tpu.memory_space<vmem>>, vector<1x32x256xf32>
    %get3A_1126 = vector.shape_cast %get3A_1125 : vector<1x32x256xf32> to vector<32x256xf32>
    %jit3A_1127 = arith.constant 0.000000e+00 : f32
    %broadcast_in_dim3A_1128 = vector.broadcast %jit3A_1127 : f32 to vector<32x256xf32>
    %select_n3A_1129 = arith.select %le3A_1121, %get3A_1126, %broadcast_in_dim3A_1128 : vector<32x256xi1>, vector<32x256xf32>
    %swap3A_1130 = arith.constant 68 : index
    %swap3A_1131 = arith.constant 32 : index
    %swap3A_1132 = arith.constant 0 : index
    %swap3A_1133 = vector.load %arg10[%swap3A_1130, %swap3A_1131, %swap3A_1132] : memref<69x128x256xf32, #tpu.memory_space<vmem>>, vector<1x32x256xf32>
    %swap3A_1134 = vector.shape_cast %swap3A_1133 : vector<1x32x256xf32> to vector<32x256xf32>
    %swap3A_1135 = vector.shape_cast %select_n3A_1129 : vector<32x256xf32> to vector<1x32x256xf32>
    tpu.vector_store %arg10[%swap3A_1130, %swap3A_1131, %swap3A_1132], %swap3A_1135 {strides = array<i32>} : memref<69x128x256xf32, #tpu.memory_space<vmem>>, vector<1x32x256xf32>,
    %mul3A_1136 = arith.constant 4 : i32
    %mul3A_1137 = arith.muli %arg0, %mul3A_1136 : i32
    %add3A_1138 = arith.constant 2 : i32
    %add3A_1139 = arith.addi %mul3A_1137, %add3A_1138 : i32
    %get3A_1140 = arith.constant 2 : index
    %get3A_1141 = arith.constant 0 : index
    %get3A_1142 = arith.constant 0 : index
    %get3A_1143 = vector.load %arg2[%get3A_1140, %get3A_1141, %get3A_1142] : memref<4x8x32xf32, #tpu.memory_space<vmem>>, vector<1x8x32xf32>
    %get3A_1144 = vector.shape_cast %get3A_1143 : vector<1x8x32xf32> to vector<8x32xf32>
    %transpose3A_1145 = tpu.transpose %get3A_1144, [1, 0] : vector<8x32xf32> -> vector<32x8xf32>
    %get3A_1146 = arith.index_cast %add3A_1139 : i32 to index
    %get3A_1147 = arith.constant 0 : index
    %get3A_1148 = vector.load %arg3[%get3A_1146, %get3A_1147] : memref<32x8xf32, #tpu.memory_space<vmem>>, vector<1x8xf32>
    %get3A_1149 = vector.shape_cast %get3A_1148 : vector<1x8xf32> to vector<8xf32>
    %get3A_1150 = arith.index_cast %add3A_1139 : i32 to index
    %get3A_1151 = arith.constant 0 : index
    %get3A_1152 = vector.load %arg4[%get3A_1150, %get3A_1151] : memref<32x32xf32, #tpu.memory_space<vmem>>, vector<1x32xf32>
    %get3A_1153 = vector.shape_cast %get3A_1152 : vector<1x32xf32> to vector<32xf32>
    %get3A_1154 = arith.index_cast %add3A_1139 : i32 to index
    %get3A_1155 = arith.constant 0 : index
    %get3A_1156 = vector.load %arg5[%get3A_1154, %get3A_1155] : memref<32x32xf32, #tpu.memory_space<vmem>>, vector<1x32xf32>
    %get3A_1157 = vector.shape_cast %get3A_1156 : vector<1x32xf32> to vector<32xf32>
    %broadcast_in_dim3A_1158 = vector.shape_cast %get3A_1149 : vector<8xf32> to vector<1x8xf32>
    %broadcast_in_dim3A_1159 = vector.shape_cast %broadcast_in_dim3A_1158 : vector<1x8xf32> to vector<1x8xf32>
    %broadcast_in_dim3A_1160 = vector.broadcast %broadcast_in_dim3A_1159 : vector<1x8xf32> to vector<32x8xf32>
    %broadcast_in_dim3A_1161 = vector.shape_cast %get3A_1153 : vector<32xf32> to vector<32x1xf32>
    %broadcast_in_dim3A_1162 = vector.shape_cast %get3A_1157 : vector<32xf32> to vector<32x1xf32>
    %concatenate3A_1163 = tpu.concatenate %transpose3A_1145, %broadcast_in_dim3A_1160, %broadcast_in_dim3A_1161, %broadcast_in_dim3A_1162 in 1 : vector<32x8xf32>, vector<32x8xf32>, vector<32x1xf32>, vector<32x1xf32> -> vector<32x18xf32>
    %slice3A_1164 = vector.extract_strided_slice %concatenate3A_1163 {offsets = [0, 0], sizes = [32, 1], strides = [1, 1]} : vector<32x18xf32> to vector<32x1xf32>
    %broadcast_in_dim3A_1165 = vector.shape_cast %slice3A_1164 : vector<32x1xf32> to vector<32x1xf32>
    %broadcast_in_dim3A_1166 = vector.broadcast %broadcast_in_dim3A_1165 : vector<32x1xf32> to vector<32x256xf32>
    %swap3A_1167 = arith.constant 0 : index
    %swap3A_1168 = arith.constant 64 : index
    %swap3A_1169 = arith.constant 0 : index
    %swap3A_1170 = vector.load %arg10[%swap3A_1167, %swap3A_1168, %swap3A_1169] : memref<69x128x256xf32, #tpu.memory_space<vmem>>, vector<1x32x256xf32>
    %swap3A_1171 = vector.shape_cast %swap3A_1170 : vector<1x32x256xf32> to vector<32x256xf32>
    %swap3A_1172 = vector.shape_cast %broadcast_in_dim3A_1166 : vector<32x256xf32> to vector<1x32x256xf32>
    tpu.vector_store %arg10[%swap3A_1167, %swap3A_1168, %swap3A_1169], %swap3A_1172 {strides = array<i32>} : memref<69x128x256xf32, #tpu.memory_space<vmem>>, vector<1x32x256xf32>,
    %slice3A_1173 = vector.extract_strided_slice %concatenate3A_1163 {offsets = [0, 1], sizes = [32, 1], strides = [1, 1]} : vector<32x18xf32> to vector<32x1xf32>
    %broadcast_in_dim3A_1174 = vector.shape_cast %slice3A_1173 : vector<32x1xf32> to vector<32x1xf32>
    %broadcast_in_dim3A_1175 = vector.broadcast %broadcast_in_dim3A_1174 : vector<32x1xf32> to vector<32x256xf32>
    %swap3A_1176 = arith.constant 1 : index
    %swap3A_1177 = arith.constant 64 : index
    %swap3A_1178 = arith.constant 0 : index
    %swap3A_1179 = vector.load %arg10[%swap3A_1176, %swap3A_1177, %swap3A_1178] : memref<69x128x256xf32, #tpu.memory_space<vmem>>, vector<1x32x256xf32>
    %swap3A_1180 = vector.shape_cast %swap3A_1179 : vector<1x32x256xf32> to vector<32x256xf32>
    %swap3A_1181 = vector.shape_cast %broadcast_in_dim3A_1175 : vector<32x256xf32> to vector<1x32x256xf32>
    tpu.vector_store %arg10[%swap3A_1176, %swap3A_1177, %swap3A_1178], %swap3A_1181 {strides = array<i32>} : memref<69x128x256xf32, #tpu.memory_space<vmem>>, vector<1x32x256xf32>,
    %slice3A_1182 = vector.extract_strided_slice %concatenate3A_1163 {offsets = [0, 2], sizes = [32, 1], strides = [1, 1]} : vector<32x18xf32> to vector<32x1xf32>
    %broadcast_in_dim3A_1183 = vector.shape_cast %slice3A_1182 : vector<32x1xf32> to vector<32x1xf32>
    %broadcast_in_dim3A_1184 = vector.broadcast %broadcast_in_dim3A_1183 : vector<32x1xf32> to vector<32x256xf32>
    %swap3A_1185 = arith.constant 2 : index
    %swap3A_1186 = arith.constant 64 : index
    %swap3A_1187 = arith.constant 0 : index
    %swap3A_1188 = vector.load %arg10[%swap3A_1185, %swap3A_1186, %swap3A_1187] : memref<69x128x256xf32, #tpu.memory_space<vmem>>, vector<1x32x256xf32>
    %swap3A_1189 = vector.shape_cast %swap3A_1188 : vector<1x32x256xf32> to vector<32x256xf32>
    %swap3A_1190 = vector.shape_cast %broadcast_in_dim3A_1184 : vector<32x256xf32> to vector<1x32x256xf32>
    tpu.vector_store %arg10[%swap3A_1185, %swap3A_1186, %swap3A_1187], %swap3A_1190 {strides = array<i32>} : memref<69x128x256xf32, #tpu.memory_space<vmem>>, vector<1x32x256xf32>,
    %slice3A_1191 = vector.extract_strided_slice %concatenate3A_1163 {offsets = [0, 3], sizes = [32, 1], strides = [1, 1]} : vector<32x18xf32> to vector<32x1xf32>
    %broadcast_in_dim3A_1192 = vector.shape_cast %slice3A_1191 : vector<32x1xf32> to vector<32x1xf32>
    %broadcast_in_dim3A_1193 = vector.broadcast %broadcast_in_dim3A_1192 : vector<32x1xf32> to vector<32x256xf32>
    %swap3A_1194 = arith.constant 3 : index
    %swap3A_1195 = arith.constant 64 : index
    %swap3A_1196 = arith.constant 0 : index
    %swap3A_1197 = vector.load %arg10[%swap3A_1194, %swap3A_1195, %swap3A_1196] : memref<69x128x256xf32, #tpu.memory_space<vmem>>, vector<1x32x256xf32>
    %swap3A_1198 = vector.shape_cast %swap3A_1197 : vector<1x32x256xf32> to vector<32x256xf32>
    %swap3A_1199 = vector.shape_cast %broadcast_in_dim3A_1193 : vector<32x256xf32> to vector<1x32x256xf32>
    tpu.vector_store %arg10[%swap3A_1194, %swap3A_1195, %swap3A_1196], %swap3A_1199 {strides = array<i32>} : memref<69x128x256xf32, #tpu.memory_space<vmem>>, vector<1x32x256xf32>,
    %slice3A_1200 = vector.extract_strided_slice %concatenate3A_1163 {offsets = [0, 4], sizes = [32, 1], strides = [1, 1]} : vector<32x18xf32> to vector<32x1xf32>
    %broadcast_in_dim3A_1201 = vector.shape_cast %slice3A_1200 : vector<32x1xf32> to vector<32x1xf32>
    %broadcast_in_dim3A_1202 = vector.broadcast %broadcast_in_dim3A_1201 : vector<32x1xf32> to vector<32x256xf32>
    %swap3A_1203 = arith.constant 4 : index
    %swap3A_1204 = arith.constant 64 : index
    %swap3A_1205 = arith.constant 0 : index
    %swap3A_1206 = vector.load %arg10[%swap3A_1203, %swap3A_1204, %swap3A_1205] : memref<69x128x256xf32, #tpu.memory_space<vmem>>, vector<1x32x256xf32>
    %swap3A_1207 = vector.shape_cast %swap3A_1206 : vector<1x32x256xf32> to vector<32x256xf32>
    %swap3A_1208 = vector.shape_cast %broadcast_in_dim3A_1202 : vector<32x256xf32> to vector<1x32x256xf32>
    tpu.vector_store %arg10[%swap3A_1203, %swap3A_1204, %swap3A_1205], %swap3A_1208 {strides = array<i32>} : memref<69x128x256xf32, #tpu.memory_space<vmem>>, vector<1x32x256xf32>,
    %slice3A_1209 = vector.extract_strided_slice %concatenate3A_1163 {offsets = [0, 5], sizes = [32, 1], strides = [1, 1]} : vector<32x18xf32> to vector<32x1xf32>
    %broadcast_in_dim3A_1210 = vector.shape_cast %slice3A_1209 : vector<32x1xf32> to vector<32x1xf32>
    %broadcast_in_dim3A_1211 = vector.broadcast %broadcast_in_dim3A_1210 : vector<32x1xf32> to vector<32x256xf32>
    %swap3A_1212 = arith.constant 5 : index
    %swap3A_1213 = arith.constant 64 : index
    %swap3A_1214 = arith.constant 0 : index
    %swap3A_1215 = vector.load %arg10[%swap3A_1212, %swap3A_1213, %swap3A_1214] : memref<69x128x256xf32, #tpu.memory_space<vmem>>, vector<1x32x256xf32>
    %swap3A_1216 = vector.shape_cast %swap3A_1215 : vector<1x32x256xf32> to vector<32x256xf32>
    %swap3A_1217 = vector.shape_cast %broadcast_in_dim3A_1211 : vector<32x256xf32> to vector<1x32x256xf32>
    tpu.vector_store %arg10[%swap3A_1212, %swap3A_1213, %swap3A_1214], %swap3A_1217 {strides = array<i32>} : memref<69x128x256xf32, #tpu.memory_space<vmem>>, vector<1x32x256xf32>,
    %slice3A_1218 = vector.extract_strided_slice %concatenate3A_1163 {offsets = [0, 6], sizes = [32, 1], strides = [1, 1]} : vector<32x18xf32> to vector<32x1xf32>
    %broadcast_in_dim3A_1219 = vector.shape_cast %slice3A_1218 : vector<32x1xf32> to vector<32x1xf32>
    %broadcast_in_dim3A_1220 = vector.broadcast %broadcast_in_dim3A_1219 : vector<32x1xf32> to vector<32x256xf32>
    %swap3A_1221 = arith.constant 6 : index
    %swap3A_1222 = arith.constant 64 : index
    %swap3A_1223 = arith.constant 0 : index
    %swap3A_1224 = vector.load %arg10[%swap3A_1221, %swap3A_1222, %swap3A_1223] : memref<69x128x256xf32, #tpu.memory_space<vmem>>, vector<1x32x256xf32>
    %swap3A_1225 = vector.shape_cast %swap3A_1224 : vector<1x32x256xf32> to vector<32x256xf32>
    %swap3A_1226 = vector.shape_cast %broadcast_in_dim3A_1220 : vector<32x256xf32> to vector<1x32x256xf32>
    tpu.vector_store %arg10[%swap3A_1221, %swap3A_1222, %swap3A_1223], %swap3A_1226 {strides = array<i32>} : memref<69x128x256xf32, #tpu.memory_space<vmem>>, vector<1x32x256xf32>,
    %slice3A_1227 = vector.extract_strided_slice %concatenate3A_1163 {offsets = [0, 7], sizes = [32, 1], strides = [1, 1]} : vector<32x18xf32> to vector<32x1xf32>
    %broadcast_in_dim3A_1228 = vector.shape_cast %slice3A_1227 : vector<32x1xf32> to vector<32x1xf32>
    %broadcast_in_dim3A_1229 = vector.broadcast %broadcast_in_dim3A_1228 : vector<32x1xf32> to vector<32x256xf32>
    %swap3A_1230 = arith.constant 7 : index
    %swap3A_1231 = arith.constant 64 : index
    %swap3A_1232 = arith.constant 0 : index
    %swap3A_1233 = vector.load %arg10[%swap3A_1230, %swap3A_1231, %swap3A_1232] : memref<69x128x256xf32, #tpu.memory_space<vmem>>, vector<1x32x256xf32>
    %swap3A_1234 = vector.shape_cast %swap3A_1233 : vector<1x32x256xf32> to vector<32x256xf32>
    %swap3A_1235 = vector.shape_cast %broadcast_in_dim3A_1229 : vector<32x256xf32> to vector<1x32x256xf32>
    tpu.vector_store %arg10[%swap3A_1230, %swap3A_1231, %swap3A_1232], %swap3A_1235 {strides = array<i32>} : memref<69x128x256xf32, #tpu.memory_space<vmem>>, vector<1x32x256xf32>,
    %slice3A_1236 = vector.extract_strided_slice %concatenate3A_1163 {offsets = [0, 8], sizes = [32, 1], strides = [1, 1]} : vector<32x18xf32> to vector<32x1xf32>
    %broadcast_in_dim3A_1237 = vector.shape_cast %slice3A_1236 : vector<32x1xf32> to vector<32x1xf32>
    %broadcast_in_dim3A_1238 = vector.broadcast %broadcast_in_dim3A_1237 : vector<32x1xf32> to vector<32x256xf32>
    %swap3A_1239 = arith.constant 8 : index
    %swap3A_1240 = arith.constant 64 : index
    %swap3A_1241 = arith.constant 0 : index
    %swap3A_1242 = vector.load %arg10[%swap3A_1239, %swap3A_1240, %swap3A_1241] : memref<69x128x256xf32, #tpu.memory_space<vmem>>, vector<1x32x256xf32>
    %swap3A_1243 = vector.shape_cast %swap3A_1242 : vector<1x32x256xf32> to vector<32x256xf32>
    %swap3A_1244 = vector.shape_cast %broadcast_in_dim3A_1238 : vector<32x256xf32> to vector<1x32x256xf32>
    tpu.vector_store %arg10[%swap3A_1239, %swap3A_1240, %swap3A_1241], %swap3A_1244 {strides = array<i32>} : memref<69x128x256xf32, #tpu.memory_space<vmem>>, vector<1x32x256xf32>,
    %slice3A_1245 = vector.extract_strided_slice %concatenate3A_1163 {offsets = [0, 9], sizes = [32, 1], strides = [1, 1]} : vector<32x18xf32> to vector<32x1xf32>
    %broadcast_in_dim3A_1246 = vector.shape_cast %slice3A_1245 : vector<32x1xf32> to vector<32x1xf32>
    %broadcast_in_dim3A_1247 = vector.broadcast %broadcast_in_dim3A_1246 : vector<32x1xf32> to vector<32x256xf32>
    %swap3A_1248 = arith.constant 9 : index
    %swap3A_1249 = arith.constant 64 : index
    %swap3A_1250 = arith.constant 0 : index
    %swap3A_1251 = vector.load %arg10[%swap3A_1248, %swap3A_1249, %swap3A_1250] : memref<69x128x256xf32, #tpu.memory_space<vmem>>, vector<1x32x256xf32>
    %swap3A_1252 = vector.shape_cast %swap3A_1251 : vector<1x32x256xf32> to vector<32x256xf32>
    %swap3A_1253 = vector.shape_cast %broadcast_in_dim3A_1247 : vector<32x256xf32> to vector<1x32x256xf32>
    tpu.vector_store %arg10[%swap3A_1248, %swap3A_1249, %swap3A_1250], %swap3A_1253 {strides = array<i32>} : memref<69x128x256xf32, #tpu.memory_space<vmem>>, vector<1x32x256xf32>,
    %slice3A_1254 = vector.extract_strided_slice %concatenate3A_1163 {offsets = [0, 10], sizes = [32, 1], strides = [1, 1]} : vector<32x18xf32> to vector<32x1xf32>
    %broadcast_in_dim3A_1255 = vector.shape_cast %slice3A_1254 : vector<32x1xf32> to vector<32x1xf32>
    %broadcast_in_dim3A_1256 = vector.broadcast %broadcast_in_dim3A_1255 : vector<32x1xf32> to vector<32x256xf32>
    %swap3A_1257 = arith.constant 10 : index
    %swap3A_1258 = arith.constant 64 : index
    %swap3A_1259 = arith.constant 0 : index
    %swap3A_1260 = vector.load %arg10[%swap3A_1257, %swap3A_1258, %swap3A_1259] : memref<69x128x256xf32, #tpu.memory_space<vmem>>, vector<1x32x256xf32>
    %swap3A_1261 = vector.shape_cast %swap3A_1260 : vector<1x32x256xf32> to vector<32x256xf32>
    %swap3A_1262 = vector.shape_cast %broadcast_in_dim3A_1256 : vector<32x256xf32> to vector<1x32x256xf32>
    tpu.vector_store %arg10[%swap3A_1257, %swap3A_1258, %swap3A_1259], %swap3A_1262 {strides = array<i32>} : memref<69x128x256xf32, #tpu.memory_space<vmem>>, vector<1x32x256xf32>,
    %slice3A_1263 = vector.extract_strided_slice %concatenate3A_1163 {offsets = [0, 11], sizes = [32, 1], strides = [1, 1]} : vector<32x18xf32> to vector<32x1xf32>
    %broadcast_in_dim3A_1264 = vector.shape_cast %slice3A_1263 : vector<32x1xf32> to vector<32x1xf32>
    %broadcast_in_dim3A_1265 = vector.broadcast %broadcast_in_dim3A_1264 : vector<32x1xf32> to vector<32x256xf32>
    %swap3A_1266 = arith.constant 11 : index
    %swap3A_1267 = arith.constant 64 : index
    %swap3A_1268 = arith.constant 0 : index
    %swap3A_1269 = vector.load %arg10[%swap3A_1266, %swap3A_1267, %swap3A_1268] : memref<69x128x256xf32, #tpu.memory_space<vmem>>, vector<1x32x256xf32>
    %swap3A_1270 = vector.shape_cast %swap3A_1269 : vector<1x32x256xf32> to vector<32x256xf32>
    %swap3A_1271 = vector.shape_cast %broadcast_in_dim3A_1265 : vector<32x256xf32> to vector<1x32x256xf32>
    tpu.vector_store %arg10[%swap3A_1266, %swap3A_1267, %swap3A_1268], %swap3A_1271 {strides = array<i32>} : memref<69x128x256xf32, #tpu.memory_space<vmem>>, vector<1x32x256xf32>,
    %slice3A_1272 = vector.extract_strided_slice %concatenate3A_1163 {offsets = [0, 12], sizes = [32, 1], strides = [1, 1]} : vector<32x18xf32> to vector<32x1xf32>
    %broadcast_in_dim3A_1273 = vector.shape_cast %slice3A_1272 : vector<32x1xf32> to vector<32x1xf32>
    %broadcast_in_dim3A_1274 = vector.broadcast %broadcast_in_dim3A_1273 : vector<32x1xf32> to vector<32x256xf32>
    %swap3A_1275 = arith.constant 12 : index
    %swap3A_1276 = arith.constant 64 : index
    %swap3A_1277 = arith.constant 0 : index
    %swap3A_1278 = vector.load %arg10[%swap3A_1275, %swap3A_1276, %swap3A_1277] : memref<69x128x256xf32, #tpu.memory_space<vmem>>, vector<1x32x256xf32>
    %swap3A_1279 = vector.shape_cast %swap3A_1278 : vector<1x32x256xf32> to vector<32x256xf32>
    %swap3A_1280 = vector.shape_cast %broadcast_in_dim3A_1274 : vector<32x256xf32> to vector<1x32x256xf32>
    tpu.vector_store %arg10[%swap3A_1275, %swap3A_1276, %swap3A_1277], %swap3A_1280 {strides = array<i32>} : memref<69x128x256xf32, #tpu.memory_space<vmem>>, vector<1x32x256xf32>,
    %slice3A_1281 = vector.extract_strided_slice %concatenate3A_1163 {offsets = [0, 13], sizes = [32, 1], strides = [1, 1]} : vector<32x18xf32> to vector<32x1xf32>
    %broadcast_in_dim3A_1282 = vector.shape_cast %slice3A_1281 : vector<32x1xf32> to vector<32x1xf32>
    %broadcast_in_dim3A_1283 = vector.broadcast %broadcast_in_dim3A_1282 : vector<32x1xf32> to vector<32x256xf32>
    %swap3A_1284 = arith.constant 13 : index
    %swap3A_1285 = arith.constant 64 : index
    %swap3A_1286 = arith.constant 0 : index
    %swap3A_1287 = vector.load %arg10[%swap3A_1284, %swap3A_1285, %swap3A_1286] : memref<69x128x256xf32, #tpu.memory_space<vmem>>, vector<1x32x256xf32>
    %swap3A_1288 = vector.shape_cast %swap3A_1287 : vector<1x32x256xf32> to vector<32x256xf32>
    %swap3A_1289 = vector.shape_cast %broadcast_in_dim3A_1283 : vector<32x256xf32> to vector<1x32x256xf32>
    tpu.vector_store %arg10[%swap3A_1284, %swap3A_1285, %swap3A_1286], %swap3A_1289 {strides = array<i32>} : memref<69x128x256xf32, #tpu.memory_space<vmem>>, vector<1x32x256xf32>,
    %slice3A_1290 = vector.extract_strided_slice %concatenate3A_1163 {offsets = [0, 14], sizes = [32, 1], strides = [1, 1]} : vector<32x18xf32> to vector<32x1xf32>
    %broadcast_in_dim3A_1291 = vector.shape_cast %slice3A_1290 : vector<32x1xf32> to vector<32x1xf32>
    %broadcast_in_dim3A_1292 = vector.broadcast %broadcast_in_dim3A_1291 : vector<32x1xf32> to vector<32x256xf32>
    %swap3A_1293 = arith.constant 14 : index
    %swap3A_1294 = arith.constant 64 : index
    %swap3A_1295 = arith.constant 0 : index
    %swap3A_1296 = vector.load %arg10[%swap3A_1293, %swap3A_1294, %swap3A_1295] : memref<69x128x256xf32, #tpu.memory_space<vmem>>, vector<1x32x256xf32>
    %swap3A_1297 = vector.shape_cast %swap3A_1296 : vector<1x32x256xf32> to vector<32x256xf32>
    %swap3A_1298 = vector.shape_cast %broadcast_in_dim3A_1292 : vector<32x256xf32> to vector<1x32x256xf32>
    tpu.vector_store %arg10[%swap3A_1293, %swap3A_1294, %swap3A_1295], %swap3A_1298 {strides = array<i32>} : memref<69x128x256xf32, #tpu.memory_space<vmem>>, vector<1x32x256xf32>,
    %slice3A_1299 = vector.extract_strided_slice %concatenate3A_1163 {offsets = [0, 15], sizes = [32, 1], strides = [1, 1]} : vector<32x18xf32> to vector<32x1xf32>
    %broadcast_in_dim3A_1300 = vector.shape_cast %slice3A_1299 : vector<32x1xf32> to vector<32x1xf32>
    %broadcast_in_dim3A_1301 = vector.broadcast %broadcast_in_dim3A_1300 : vector<32x1xf32> to vector<32x256xf32>
    %swap3A_1302 = arith.constant 15 : index
    %swap3A_1303 = arith.constant 64 : index
    %swap3A_1304 = arith.constant 0 : index
    %swap3A_1305 = vector.load %arg10[%swap3A_1302, %swap3A_1303, %swap3A_1304] : memref<69x128x256xf32, #tpu.memory_space<vmem>>, vector<1x32x256xf32>
    %swap3A_1306 = vector.shape_cast %swap3A_1305 : vector<1x32x256xf32> to vector<32x256xf32>
    %swap3A_1307 = vector.shape_cast %broadcast_in_dim3A_1301 : vector<32x256xf32> to vector<1x32x256xf32>
    tpu.vector_store %arg10[%swap3A_1302, %swap3A_1303, %swap3A_1304], %swap3A_1307 {strides = array<i32>} : memref<69x128x256xf32, #tpu.memory_space<vmem>>, vector<1x32x256xf32>,
    %slice3A_1308 = vector.extract_strided_slice %concatenate3A_1163 {offsets = [0, 16], sizes = [32, 1], strides = [1, 1]} : vector<32x18xf32> to vector<32x1xf32>
    %broadcast_in_dim3A_1309 = vector.shape_cast %slice3A_1308 : vector<32x1xf32> to vector<32x1xf32>
    %broadcast_in_dim3A_1310 = vector.broadcast %broadcast_in_dim3A_1309 : vector<32x1xf32> to vector<32x256xf32>
    %swap3A_1311 = arith.constant 16 : index
    %swap3A_1312 = arith.constant 64 : index
    %swap3A_1313 = arith.constant 0 : index
    %swap3A_1314 = vector.load %arg10[%swap3A_1311, %swap3A_1312, %swap3A_1313] : memref<69x128x256xf32, #tpu.memory_space<vmem>>, vector<1x32x256xf32>
    %swap3A_1315 = vector.shape_cast %swap3A_1314 : vector<1x32x256xf32> to vector<32x256xf32>
    %swap3A_1316 = vector.shape_cast %broadcast_in_dim3A_1310 : vector<32x256xf32> to vector<1x32x256xf32>
    tpu.vector_store %arg10[%swap3A_1311, %swap3A_1312, %swap3A_1313], %swap3A_1316 {strides = array<i32>} : memref<69x128x256xf32, #tpu.memory_space<vmem>>, vector<1x32x256xf32>,
    %slice3A_1317 = vector.extract_strided_slice %concatenate3A_1163 {offsets = [0, 17], sizes = [32, 1], strides = [1, 1]} : vector<32x18xf32> to vector<32x1xf32>
    %broadcast_in_dim3A_1318 = vector.shape_cast %slice3A_1317 : vector<32x1xf32> to vector<32x1xf32>
    %broadcast_in_dim3A_1319 = vector.broadcast %broadcast_in_dim3A_1318 : vector<32x1xf32> to vector<32x256xf32>
    %swap3A_1320 = arith.constant 17 : index
    %swap3A_1321 = arith.constant 64 : index
    %swap3A_1322 = arith.constant 0 : index
    %swap3A_1323 = vector.load %arg10[%swap3A_1320, %swap3A_1321, %swap3A_1322] : memref<69x128x256xf32, #tpu.memory_space<vmem>>, vector<1x32x256xf32>
    %swap3A_1324 = vector.shape_cast %swap3A_1323 : vector<1x32x256xf32> to vector<32x256xf32>
    %swap3A_1325 = vector.shape_cast %broadcast_in_dim3A_1319 : vector<32x256xf32> to vector<1x32x256xf32>
    tpu.vector_store %arg10[%swap3A_1320, %swap3A_1321, %swap3A_1322], %swap3A_1325 {strides = array<i32>} : memref<69x128x256xf32, #tpu.memory_space<vmem>>, vector<1x32x256xf32>,
    %get3A_1326 = arith.constant 2 : index
    %get3A_1327 = arith.constant 0 : index
    %get3A_1328 = arith.constant 0 : index
    %get3A_1329 = vector.load %arg6[%get3A_1326, %get3A_1327, %get3A_1328] : memref<4x8x256xf32, #tpu.memory_space<vmem>>, vector<1x1x256xf32>
    %get3A_1330 = vector.shape_cast %get3A_1329 : vector<1x1x256xf32> to vector<1x256xf32>
    %broadcast_in_dim3A_1331 = vector.shape_cast %get3A_1330 : vector<1x256xf32> to vector<1x256xf32>
    %broadcast_in_dim3A_1332 = vector.broadcast %broadcast_in_dim3A_1331 : vector<1x256xf32> to vector<32x256xf32>
    %swap3A_1333 = arith.constant 18 : index
    %swap3A_1334 = arith.constant 64 : index
    %swap3A_1335 = arith.constant 0 : index
    %swap3A_1336 = vector.load %arg10[%swap3A_1333, %swap3A_1334, %swap3A_1335] : memref<69x128x256xf32, #tpu.memory_space<vmem>>, vector<1x32x256xf32>
    %swap3A_1337 = vector.shape_cast %swap3A_1336 : vector<1x32x256xf32> to vector<32x256xf32>
    %swap3A_1338 = vector.shape_cast %broadcast_in_dim3A_1332 : vector<32x256xf32> to vector<1x32x256xf32>
    tpu.vector_store %arg10[%swap3A_1333, %swap3A_1334, %swap3A_1335], %swap3A_1338 {strides = array<i32>} : memref<69x128x256xf32, #tpu.memory_space<vmem>>, vector<1x32x256xf32>,
    %get3A_1339 = arith.constant 2 : index
    %get3A_1340 = arith.constant 0 : index
    %get3A_1341 = arith.constant 0 : index
    %get3A_1342 = vector.load %arg7[%get3A_1339, %get3A_1340, %get3A_1341] : memref<4x8x256xf32, #tpu.memory_space<vmem>>, vector<1x1x256xf32>
    %get3A_1343 = vector.shape_cast %get3A_1342 : vector<1x1x256xf32> to vector<1x256xf32>
    %broadcast_in_dim3A_1344 = vector.shape_cast %get3A_1343 : vector<1x256xf32> to vector<1x256xf32>
    %broadcast_in_dim3A_1345 = vector.broadcast %broadcast_in_dim3A_1344 : vector<1x256xf32> to vector<32x256xf32>
    %swap3A_1346 = arith.constant 26 : index
    %swap3A_1347 = arith.constant 64 : index
    %swap3A_1348 = arith.constant 0 : index
    %swap3A_1349 = vector.load %arg10[%swap3A_1346, %swap3A_1347, %swap3A_1348] : memref<69x128x256xf32, #tpu.memory_space<vmem>>, vector<1x32x256xf32>
    %swap3A_1350 = vector.shape_cast %swap3A_1349 : vector<1x32x256xf32> to vector<32x256xf32>
    %swap3A_1351 = vector.shape_cast %broadcast_in_dim3A_1345 : vector<32x256xf32> to vector<1x32x256xf32>
    tpu.vector_store %arg10[%swap3A_1346, %swap3A_1347, %swap3A_1348], %swap3A_1351 {strides = array<i32>} : memref<69x128x256xf32, #tpu.memory_space<vmem>>, vector<1x32x256xf32>,
    %get3A_1352 = arith.constant 2 : index
    %get3A_1353 = arith.constant 1 : index
    %get3A_1354 = arith.constant 0 : index
    %get3A_1355 = vector.load %arg6[%get3A_1352, %get3A_1353, %get3A_1354] : memref<4x8x256xf32, #tpu.memory_space<vmem>>, vector<1x1x256xf32>
    %get3A_1356 = vector.shape_cast %get3A_1355 : vector<1x1x256xf32> to vector<1x256xf32>
    %broadcast_in_dim3A_1357 = vector.shape_cast %get3A_1356 : vector<1x256xf32> to vector<1x256xf32>
    %broadcast_in_dim3A_1358 = vector.broadcast %broadcast_in_dim3A_1357 : vector<1x256xf32> to vector<32x256xf32>
    %swap3A_1359 = arith.constant 19 : index
    %swap3A_1360 = arith.constant 64 : index
    %swap3A_1361 = arith.constant 0 : index
    %swap3A_1362 = vector.load %arg10[%swap3A_1359, %swap3A_1360, %swap3A_1361] : memref<69x128x256xf32, #tpu.memory_space<vmem>>, vector<1x32x256xf32>
    %swap3A_1363 = vector.shape_cast %swap3A_1362 : vector<1x32x256xf32> to vector<32x256xf32>
    %swap3A_1364 = vector.shape_cast %broadcast_in_dim3A_1358 : vector<32x256xf32> to vector<1x32x256xf32>
    tpu.vector_store %arg10[%swap3A_1359, %swap3A_1360, %swap3A_1361], %swap3A_1364 {strides = array<i32>} : memref<69x128x256xf32, #tpu.memory_space<vmem>>, vector<1x32x256xf32>,
    %get3A_1365 = arith.constant 2 : index
    %get3A_1366 = arith.constant 1 : index
    %get3A_1367 = arith.constant 0 : index
    %get3A_1368 = vector.load %arg7[%get3A_1365, %get3A_1366, %get3A_1367] : memref<4x8x256xf32, #tpu.memory_space<vmem>>, vector<1x1x256xf32>
    %get3A_1369 = vector.shape_cast %get3A_1368 : vector<1x1x256xf32> to vector<1x256xf32>
    %broadcast_in_dim3A_1370 = vector.shape_cast %get3A_1369 : vector<1x256xf32> to vector<1x256xf32>
    %broadcast_in_dim3A_1371 = vector.broadcast %broadcast_in_dim3A_1370 : vector<1x256xf32> to vector<32x256xf32>
    %swap3A_1372 = arith.constant 27 : index
    %swap3A_1373 = arith.constant 64 : index
    %swap3A_1374 = arith.constant 0 : index
    %swap3A_1375 = vector.load %arg10[%swap3A_1372, %swap3A_1373, %swap3A_1374] : memref<69x128x256xf32, #tpu.memory_space<vmem>>, vector<1x32x256xf32>
    %swap3A_1376 = vector.shape_cast %swap3A_1375 : vector<1x32x256xf32> to vector<32x256xf32>
    %swap3A_1377 = vector.shape_cast %broadcast_in_dim3A_1371 : vector<32x256xf32> to vector<1x32x256xf32>
    tpu.vector_store %arg10[%swap3A_1372, %swap3A_1373, %swap3A_1374], %swap3A_1377 {strides = array<i32>} : memref<69x128x256xf32, #tpu.memory_space<vmem>>, vector<1x32x256xf32>,
    %get3A_1378 = arith.constant 2 : index
    %get3A_1379 = arith.constant 2 : index
    %get3A_1380 = arith.constant 0 : index
    %get3A_1381 = vector.load %arg6[%get3A_1378, %get3A_1379, %get3A_1380] : memref<4x8x256xf32, #tpu.memory_space<vmem>>, vector<1x1x256xf32>
    %get3A_1382 = vector.shape_cast %get3A_1381 : vector<1x1x256xf32> to vector<1x256xf32>
    %broadcast_in_dim3A_1383 = vector.shape_cast %get3A_1382 : vector<1x256xf32> to vector<1x256xf32>
    %broadcast_in_dim3A_1384 = vector.broadcast %broadcast_in_dim3A_1383 : vector<1x256xf32> to vector<32x256xf32>
    %swap3A_1385 = arith.constant 20 : index
    %swap3A_1386 = arith.constant 64 : index
    %swap3A_1387 = arith.constant 0 : index
    %swap3A_1388 = vector.load %arg10[%swap3A_1385, %swap3A_1386, %swap3A_1387] : memref<69x128x256xf32, #tpu.memory_space<vmem>>, vector<1x32x256xf32>
    %swap3A_1389 = vector.shape_cast %swap3A_1388 : vector<1x32x256xf32> to vector<32x256xf32>
    %swap3A_1390 = vector.shape_cast %broadcast_in_dim3A_1384 : vector<32x256xf32> to vector<1x32x256xf32>
    tpu.vector_store %arg10[%swap3A_1385, %swap3A_1386, %swap3A_1387], %swap3A_1390 {strides = array<i32>} : memref<69x128x256xf32, #tpu.memory_space<vmem>>, vector<1x32x256xf32>,
    %get3A_1391 = arith.constant 2 : index
    %get3A_1392 = arith.constant 2 : index
    %get3A_1393 = arith.constant 0 : index
    %get3A_1394 = vector.load %arg7[%get3A_1391, %get3A_1392, %get3A_1393] : memref<4x8x256xf32, #tpu.memory_space<vmem>>, vector<1x1x256xf32>
    %get3A_1395 = vector.shape_cast %get3A_1394 : vector<1x1x256xf32> to vector<1x256xf32>
    %broadcast_in_dim3A_1396 = vector.shape_cast %get3A_1395 : vector<1x256xf32> to vector<1x256xf32>
    %broadcast_in_dim3A_1397 = vector.broadcast %broadcast_in_dim3A_1396 : vector<1x256xf32> to vector<32x256xf32>
    %swap3A_1398 = arith.constant 28 : index
    %swap3A_1399 = arith.constant 64 : index
    %swap3A_1400 = arith.constant 0 : index
    %swap3A_1401 = vector.load %arg10[%swap3A_1398, %swap3A_1399, %swap3A_1400] : memref<69x128x256xf32, #tpu.memory_space<vmem>>, vector<1x32x256xf32>
    %swap3A_1402 = vector.shape_cast %swap3A_1401 : vector<1x32x256xf32> to vector<32x256xf32>
    %swap3A_1403 = vector.shape_cast %broadcast_in_dim3A_1397 : vector<32x256xf32> to vector<1x32x256xf32>
    tpu.vector_store %arg10[%swap3A_1398, %swap3A_1399, %swap3A_1400], %swap3A_1403 {strides = array<i32>} : memref<69x128x256xf32, #tpu.memory_space<vmem>>, vector<1x32x256xf32>,
    %get3A_1404 = arith.constant 2 : index
    %get3A_1405 = arith.constant 3 : index
    %get3A_1406 = arith.constant 0 : index
    %get3A_1407 = vector.load %arg6[%get3A_1404, %get3A_1405, %get3A_1406] : memref<4x8x256xf32, #tpu.memory_space<vmem>>, vector<1x1x256xf32>
    %get3A_1408 = vector.shape_cast %get3A_1407 : vector<1x1x256xf32> to vector<1x256xf32>
    %broadcast_in_dim3A_1409 = vector.shape_cast %get3A_1408 : vector<1x256xf32> to vector<1x256xf32>
    %broadcast_in_dim3A_1410 = vector.broadcast %broadcast_in_dim3A_1409 : vector<1x256xf32> to vector<32x256xf32>
    %swap3A_1411 = arith.constant 21 : index
    %swap3A_1412 = arith.constant 64 : index
    %swap3A_1413 = arith.constant 0 : index
    %swap3A_1414 = vector.load %arg10[%swap3A_1411, %swap3A_1412, %swap3A_1413] : memref<69x128x256xf32, #tpu.memory_space<vmem>>, vector<1x32x256xf32>
    %swap3A_1415 = vector.shape_cast %swap3A_1414 : vector<1x32x256xf32> to vector<32x256xf32>
    %swap3A_1416 = vector.shape_cast %broadcast_in_dim3A_1410 : vector<32x256xf32> to vector<1x32x256xf32>
    tpu.vector_store %arg10[%swap3A_1411, %swap3A_1412, %swap3A_1413], %swap3A_1416 {strides = array<i32>} : memref<69x128x256xf32, #tpu.memory_space<vmem>>, vector<1x32x256xf32>,
    %get3A_1417 = arith.constant 2 : index
    %get3A_1418 = arith.constant 3 : index
    %get3A_1419 = arith.constant 0 : index
    %get3A_1420 = vector.load %arg7[%get3A_1417, %get3A_1418, %get3A_1419] : memref<4x8x256xf32, #tpu.memory_space<vmem>>, vector<1x1x256xf32>
    %get3A_1421 = vector.shape_cast %get3A_1420 : vector<1x1x256xf32> to vector<1x256xf32>
    %broadcast_in_dim3A_1422 = vector.shape_cast %get3A_1421 : vector<1x256xf32> to vector<1x256xf32>
    %broadcast_in_dim3A_1423 = vector.broadcast %broadcast_in_dim3A_1422 : vector<1x256xf32> to vector<32x256xf32>
    %swap3A_1424 = arith.constant 29 : index
    %swap3A_1425 = arith.constant 64 : index
    %swap3A_1426 = arith.constant 0 : index
    %swap3A_1427 = vector.load %arg10[%swap3A_1424, %swap3A_1425, %swap3A_1426] : memref<69x128x256xf32, #tpu.memory_space<vmem>>, vector<1x32x256xf32>
    %swap3A_1428 = vector.shape_cast %swap3A_1427 : vector<1x32x256xf32> to vector<32x256xf32>
    %swap3A_1429 = vector.shape_cast %broadcast_in_dim3A_1423 : vector<32x256xf32> to vector<1x32x256xf32>
    tpu.vector_store %arg10[%swap3A_1424, %swap3A_1425, %swap3A_1426], %swap3A_1429 {strides = array<i32>} : memref<69x128x256xf32, #tpu.memory_space<vmem>>, vector<1x32x256xf32>,
    %get3A_1430 = arith.constant 2 : index
    %get3A_1431 = arith.constant 4 : index
    %get3A_1432 = arith.constant 0 : index
    %get3A_1433 = vector.load %arg6[%get3A_1430, %get3A_1431, %get3A_1432] : memref<4x8x256xf32, #tpu.memory_space<vmem>>, vector<1x1x256xf32>
    %get3A_1434 = vector.shape_cast %get3A_1433 : vector<1x1x256xf32> to vector<1x256xf32>
    %broadcast_in_dim3A_1435 = vector.shape_cast %get3A_1434 : vector<1x256xf32> to vector<1x256xf32>
    %broadcast_in_dim3A_1436 = vector.broadcast %broadcast_in_dim3A_1435 : vector<1x256xf32> to vector<32x256xf32>
    %swap3A_1437 = arith.constant 22 : index
    %swap3A_1438 = arith.constant 64 : index
    %swap3A_1439 = arith.constant 0 : index
    %swap3A_1440 = vector.load %arg10[%swap3A_1437, %swap3A_1438, %swap3A_1439] : memref<69x128x256xf32, #tpu.memory_space<vmem>>, vector<1x32x256xf32>
    %swap3A_1441 = vector.shape_cast %swap3A_1440 : vector<1x32x256xf32> to vector<32x256xf32>
    %swap3A_1442 = vector.shape_cast %broadcast_in_dim3A_1436 : vector<32x256xf32> to vector<1x32x256xf32>
    tpu.vector_store %arg10[%swap3A_1437, %swap3A_1438, %swap3A_1439], %swap3A_1442 {strides = array<i32>} : memref<69x128x256xf32, #tpu.memory_space<vmem>>, vector<1x32x256xf32>,
    %get3A_1443 = arith.constant 2 : index
    %get3A_1444 = arith.constant 4 : index
    %get3A_1445 = arith.constant 0 : index
    %get3A_1446 = vector.load %arg7[%get3A_1443, %get3A_1444, %get3A_1445] : memref<4x8x256xf32, #tpu.memory_space<vmem>>, vector<1x1x256xf32>
    %get3A_1447 = vector.shape_cast %get3A_1446 : vector<1x1x256xf32> to vector<1x256xf32>
    %broadcast_in_dim3A_1448 = vector.shape_cast %get3A_1447 : vector<1x256xf32> to vector<1x256xf32>
    %broadcast_in_dim3A_1449 = vector.broadcast %broadcast_in_dim3A_1448 : vector<1x256xf32> to vector<32x256xf32>
    %swap3A_1450 = arith.constant 30 : index
    %swap3A_1451 = arith.constant 64 : index
    %swap3A_1452 = arith.constant 0 : index
    %swap3A_1453 = vector.load %arg10[%swap3A_1450, %swap3A_1451, %swap3A_1452] : memref<69x128x256xf32, #tpu.memory_space<vmem>>, vector<1x32x256xf32>
    %swap3A_1454 = vector.shape_cast %swap3A_1453 : vector<1x32x256xf32> to vector<32x256xf32>
    %swap3A_1455 = vector.shape_cast %broadcast_in_dim3A_1449 : vector<32x256xf32> to vector<1x32x256xf32>
    tpu.vector_store %arg10[%swap3A_1450, %swap3A_1451, %swap3A_1452], %swap3A_1455 {strides = array<i32>} : memref<69x128x256xf32, #tpu.memory_space<vmem>>, vector<1x32x256xf32>,
    %get3A_1456 = arith.constant 2 : index
    %get3A_1457 = arith.constant 5 : index
    %get3A_1458 = arith.constant 0 : index
    %get3A_1459 = vector.load %arg6[%get3A_1456, %get3A_1457, %get3A_1458] : memref<4x8x256xf32, #tpu.memory_space<vmem>>, vector<1x1x256xf32>
    %get3A_1460 = vector.shape_cast %get3A_1459 : vector<1x1x256xf32> to vector<1x256xf32>
    %broadcast_in_dim3A_1461 = vector.shape_cast %get3A_1460 : vector<1x256xf32> to vector<1x256xf32>
    %broadcast_in_dim3A_1462 = vector.broadcast %broadcast_in_dim3A_1461 : vector<1x256xf32> to vector<32x256xf32>
    %swap3A_1463 = arith.constant 23 : index
    %swap3A_1464 = arith.constant 64 : index
    %swap3A_1465 = arith.constant 0 : index
    %swap3A_1466 = vector.load %arg10[%swap3A_1463, %swap3A_1464, %swap3A_1465] : memref<69x128x256xf32, #tpu.memory_space<vmem>>, vector<1x32x256xf32>
    %swap3A_1467 = vector.shape_cast %swap3A_1466 : vector<1x32x256xf32> to vector<32x256xf32>
    %swap3A_1468 = vector.shape_cast %broadcast_in_dim3A_1462 : vector<32x256xf32> to vector<1x32x256xf32>
    tpu.vector_store %arg10[%swap3A_1463, %swap3A_1464, %swap3A_1465], %swap3A_1468 {strides = array<i32>} : memref<69x128x256xf32, #tpu.memory_space<vmem>>, vector<1x32x256xf32>,
    %get3A_1469 = arith.constant 2 : index
    %get3A_1470 = arith.constant 5 : index
    %get3A_1471 = arith.constant 0 : index
    %get3A_1472 = vector.load %arg7[%get3A_1469, %get3A_1470, %get3A_1471] : memref<4x8x256xf32, #tpu.memory_space<vmem>>, vector<1x1x256xf32>
    %get3A_1473 = vector.shape_cast %get3A_1472 : vector<1x1x256xf32> to vector<1x256xf32>
    %broadcast_in_dim3A_1474 = vector.shape_cast %get3A_1473 : vector<1x256xf32> to vector<1x256xf32>
    %broadcast_in_dim3A_1475 = vector.broadcast %broadcast_in_dim3A_1474 : vector<1x256xf32> to vector<32x256xf32>
    %swap3A_1476 = arith.constant 31 : index
    %swap3A_1477 = arith.constant 64 : index
    %swap3A_1478 = arith.constant 0 : index
    %swap3A_1479 = vector.load %arg10[%swap3A_1476, %swap3A_1477, %swap3A_1478] : memref<69x128x256xf32, #tpu.memory_space<vmem>>, vector<1x32x256xf32>
    %swap3A_1480 = vector.shape_cast %swap3A_1479 : vector<1x32x256xf32> to vector<32x256xf32>
    %swap3A_1481 = vector.shape_cast %broadcast_in_dim3A_1475 : vector<32x256xf32> to vector<1x32x256xf32>
    tpu.vector_store %arg10[%swap3A_1476, %swap3A_1477, %swap3A_1478], %swap3A_1481 {strides = array<i32>} : memref<69x128x256xf32, #tpu.memory_space<vmem>>, vector<1x32x256xf32>,
    %get3A_1482 = arith.constant 2 : index
    %get3A_1483 = arith.constant 6 : index
    %get3A_1484 = arith.constant 0 : index
    %get3A_1485 = vector.load %arg6[%get3A_1482, %get3A_1483, %get3A_1484] : memref<4x8x256xf32, #tpu.memory_space<vmem>>, vector<1x1x256xf32>
    %get3A_1486 = vector.shape_cast %get3A_1485 : vector<1x1x256xf32> to vector<1x256xf32>
    %broadcast_in_dim3A_1487 = vector.shape_cast %get3A_1486 : vector<1x256xf32> to vector<1x256xf32>
    %broadcast_in_dim3A_1488 = vector.broadcast %broadcast_in_dim3A_1487 : vector<1x256xf32> to vector<32x256xf32>
    %swap3A_1489 = arith.constant 24 : index
    %swap3A_1490 = arith.constant 64 : index
    %swap3A_1491 = arith.constant 0 : index
    %swap3A_1492 = vector.load %arg10[%swap3A_1489, %swap3A_1490, %swap3A_1491] : memref<69x128x256xf32, #tpu.memory_space<vmem>>, vector<1x32x256xf32>
    %swap3A_1493 = vector.shape_cast %swap3A_1492 : vector<1x32x256xf32> to vector<32x256xf32>
    %swap3A_1494 = vector.shape_cast %broadcast_in_dim3A_1488 : vector<32x256xf32> to vector<1x32x256xf32>
    tpu.vector_store %arg10[%swap3A_1489, %swap3A_1490, %swap3A_1491], %swap3A_1494 {strides = array<i32>} : memref<69x128x256xf32, #tpu.memory_space<vmem>>, vector<1x32x256xf32>,
    %get3A_1495 = arith.constant 2 : index
    %get3A_1496 = arith.constant 6 : index
    %get3A_1497 = arith.constant 0 : index
    %get3A_1498 = vector.load %arg7[%get3A_1495, %get3A_1496, %get3A_1497] : memref<4x8x256xf32, #tpu.memory_space<vmem>>, vector<1x1x256xf32>
    %get3A_1499 = vector.shape_cast %get3A_1498 : vector<1x1x256xf32> to vector<1x256xf32>
    %broadcast_in_dim3A_1500 = vector.shape_cast %get3A_1499 : vector<1x256xf32> to vector<1x256xf32>
    %broadcast_in_dim3A_1501 = vector.broadcast %broadcast_in_dim3A_1500 : vector<1x256xf32> to vector<32x256xf32>
    %swap3A_1502 = arith.constant 32 : index
    %swap3A_1503 = arith.constant 64 : index
    %swap3A_1504 = arith.constant 0 : index
    %swap3A_1505 = vector.load %arg10[%swap3A_1502, %swap3A_1503, %swap3A_1504] : memref<69x128x256xf32, #tpu.memory_space<vmem>>, vector<1x32x256xf32>
    %swap3A_1506 = vector.shape_cast %swap3A_1505 : vector<1x32x256xf32> to vector<32x256xf32>
    %swap3A_1507 = vector.shape_cast %broadcast_in_dim3A_1501 : vector<32x256xf32> to vector<1x32x256xf32>
    tpu.vector_store %arg10[%swap3A_1502, %swap3A_1503, %swap3A_1504], %swap3A_1507 {strides = array<i32>} : memref<69x128x256xf32, #tpu.memory_space<vmem>>, vector<1x32x256xf32>,
    %get3A_1508 = arith.constant 2 : index
    %get3A_1509 = arith.constant 7 : index
    %get3A_1510 = arith.constant 0 : index
    %get3A_1511 = vector.load %arg6[%get3A_1508, %get3A_1509, %get3A_1510] : memref<4x8x256xf32, #tpu.memory_space<vmem>>, vector<1x1x256xf32>
    %get3A_1512 = vector.shape_cast %get3A_1511 : vector<1x1x256xf32> to vector<1x256xf32>
    %broadcast_in_dim3A_1513 = vector.shape_cast %get3A_1512 : vector<1x256xf32> to vector<1x256xf32>
    %broadcast_in_dim3A_1514 = vector.broadcast %broadcast_in_dim3A_1513 : vector<1x256xf32> to vector<32x256xf32>
    %swap3A_1515 = arith.constant 25 : index
    %swap3A_1516 = arith.constant 64 : index
    %swap3A_1517 = arith.constant 0 : index
    %swap3A_1518 = vector.load %arg10[%swap3A_1515, %swap3A_1516, %swap3A_1517] : memref<69x128x256xf32, #tpu.memory_space<vmem>>, vector<1x32x256xf32>
    %swap3A_1519 = vector.shape_cast %swap3A_1518 : vector<1x32x256xf32> to vector<32x256xf32>
    %swap3A_1520 = vector.shape_cast %broadcast_in_dim3A_1514 : vector<32x256xf32> to vector<1x32x256xf32>
    tpu.vector_store %arg10[%swap3A_1515, %swap3A_1516, %swap3A_1517], %swap3A_1520 {strides = array<i32>} : memref<69x128x256xf32, #tpu.memory_space<vmem>>, vector<1x32x256xf32>,
    %get3A_1521 = arith.constant 2 : index
    %get3A_1522 = arith.constant 7 : index
    %get3A_1523 = arith.constant 0 : index
    %get3A_1524 = vector.load %arg7[%get3A_1521, %get3A_1522, %get3A_1523] : memref<4x8x256xf32, #tpu.memory_space<vmem>>, vector<1x1x256xf32>
    %get3A_1525 = vector.shape_cast %get3A_1524 : vector<1x1x256xf32> to vector<1x256xf32>
    %broadcast_in_dim3A_1526 = vector.shape_cast %get3A_1525 : vector<1x256xf32> to vector<1x256xf32>
    %broadcast_in_dim3A_1527 = vector.broadcast %broadcast_in_dim3A_1526 : vector<1x256xf32> to vector<32x256xf32>
    %swap3A_1528 = arith.constant 33 : index
    %swap3A_1529 = arith.constant 64 : index
    %swap3A_1530 = arith.constant 0 : index
    %swap3A_1531 = vector.load %arg10[%swap3A_1528, %swap3A_1529, %swap3A_1530] : memref<69x128x256xf32, #tpu.memory_space<vmem>>, vector<1x32x256xf32>
    %swap3A_1532 = vector.shape_cast %swap3A_1531 : vector<1x32x256xf32> to vector<32x256xf32>
    %swap3A_1533 = vector.shape_cast %broadcast_in_dim3A_1527 : vector<32x256xf32> to vector<1x32x256xf32>
    tpu.vector_store %arg10[%swap3A_1528, %swap3A_1529, %swap3A_1530], %swap3A_1533 {strides = array<i32>} : memref<69x128x256xf32, #tpu.memory_space<vmem>>, vector<1x32x256xf32>,
    %get3A_1534 = arith.constant 2 : index
    %get3A_1535 = arith.constant 0 : index
    %get3A_1536 = arith.constant 0 : index
    %get3A_1537 = vector.load %arg8[%get3A_1534, %get3A_1535, %get3A_1536] : memref<4x256x128xf32, #tpu.memory_space<vmem>>, vector<1x256x128xf32>
    %get3A_1538 = vector.shape_cast %get3A_1537 : vector<1x256x128xf32> to vector<256x128xf32>
    %slice3A_1539 = vector.extract_strided_slice %get3A_1538 {offsets = [0, 0], sizes = [256, 16], strides = [1, 1]} : vector<256x128xf32> to vector<256x16xf32>
    %transpose3A_1540 = tpu.transpose %slice3A_1539, [1, 0] : vector<256x16xf32> -> vector<16x256xf32>
    %slice3A_1541 = vector.extract_strided_slice %transpose3A_1540 {offsets = [0, 0], sizes = [1, 256], strides = [1, 1]} : vector<16x256xf32> to vector<1x256xf32>
    %broadcast_in_dim3A_1542 = vector.shape_cast %slice3A_1541 : vector<1x256xf32> to vector<1x256xf32>
    %broadcast_in_dim3A_1543 = vector.broadcast %broadcast_in_dim3A_1542 : vector<1x256xf32> to vector<32x256xf32>
    %swap3A_1544 = arith.constant 52 : index
    %swap3A_1545 = arith.constant 64 : index
    %swap3A_1546 = arith.constant 0 : index
    %swap3A_1547 = vector.load %arg10[%swap3A_1544, %swap3A_1545, %swap3A_1546] : memref<69x128x256xf32, #tpu.memory_space<vmem>>, vector<1x32x256xf32>
    %swap3A_1548 = vector.shape_cast %swap3A_1547 : vector<1x32x256xf32> to vector<32x256xf32>
    %swap3A_1549 = vector.shape_cast %broadcast_in_dim3A_1543 : vector<32x256xf32> to vector<1x32x256xf32>
    tpu.vector_store %arg10[%swap3A_1544, %swap3A_1545, %swap3A_1546], %swap3A_1549 {strides = array<i32>} : memref<69x128x256xf32, #tpu.memory_space<vmem>>, vector<1x32x256xf32>,
    %slice3A_1550 = vector.extract_strided_slice %transpose3A_1540 {offsets = [1, 0], sizes = [1, 256], strides = [1, 1]} : vector<16x256xf32> to vector<1x256xf32>
    %broadcast_in_dim3A_1551 = vector.shape_cast %slice3A_1550 : vector<1x256xf32> to vector<1x256xf32>
    %broadcast_in_dim3A_1552 = vector.broadcast %broadcast_in_dim3A_1551 : vector<1x256xf32> to vector<32x256xf32>
    %swap3A_1553 = arith.constant 53 : index
    %swap3A_1554 = arith.constant 64 : index
    %swap3A_1555 = arith.constant 0 : index
    %swap3A_1556 = vector.load %arg10[%swap3A_1553, %swap3A_1554, %swap3A_1555] : memref<69x128x256xf32, #tpu.memory_space<vmem>>, vector<1x32x256xf32>
    %swap3A_1557 = vector.shape_cast %swap3A_1556 : vector<1x32x256xf32> to vector<32x256xf32>
    %swap3A_1558 = vector.shape_cast %broadcast_in_dim3A_1552 : vector<32x256xf32> to vector<1x32x256xf32>
    tpu.vector_store %arg10[%swap3A_1553, %swap3A_1554, %swap3A_1555], %swap3A_1558 {strides = array<i32>} : memref<69x128x256xf32, #tpu.memory_space<vmem>>, vector<1x32x256xf32>,
    %slice3A_1559 = vector.extract_strided_slice %transpose3A_1540 {offsets = [2, 0], sizes = [1, 256], strides = [1, 1]} : vector<16x256xf32> to vector<1x256xf32>
    %broadcast_in_dim3A_1560 = vector.shape_cast %slice3A_1559 : vector<1x256xf32> to vector<1x256xf32>
    %broadcast_in_dim3A_1561 = vector.broadcast %broadcast_in_dim3A_1560 : vector<1x256xf32> to vector<32x256xf32>
    %swap3A_1562 = arith.constant 54 : index
    %swap3A_1563 = arith.constant 64 : index
    %swap3A_1564 = arith.constant 0 : index
    %swap3A_1565 = vector.load %arg10[%swap3A_1562, %swap3A_1563, %swap3A_1564] : memref<69x128x256xf32, #tpu.memory_space<vmem>>, vector<1x32x256xf32>
    %swap3A_1566 = vector.shape_cast %swap3A_1565 : vector<1x32x256xf32> to vector<32x256xf32>
    %swap3A_1567 = vector.shape_cast %broadcast_in_dim3A_1561 : vector<32x256xf32> to vector<1x32x256xf32>
    tpu.vector_store %arg10[%swap3A_1562, %swap3A_1563, %swap3A_1564], %swap3A_1567 {strides = array<i32>} : memref<69x128x256xf32, #tpu.memory_space<vmem>>, vector<1x32x256xf32>,
    %slice3A_1568 = vector.extract_strided_slice %transpose3A_1540 {offsets = [3, 0], sizes = [1, 256], strides = [1, 1]} : vector<16x256xf32> to vector<1x256xf32>
    %broadcast_in_dim3A_1569 = vector.shape_cast %slice3A_1568 : vector<1x256xf32> to vector<1x256xf32>
    %broadcast_in_dim3A_1570 = vector.broadcast %broadcast_in_dim3A_1569 : vector<1x256xf32> to vector<32x256xf32>
    %swap3A_1571 = arith.constant 55 : index
    %swap3A_1572 = arith.constant 64 : index
    %swap3A_1573 = arith.constant 0 : index
    %swap3A_1574 = vector.load %arg10[%swap3A_1571, %swap3A_1572, %swap3A_1573] : memref<69x128x256xf32, #tpu.memory_space<vmem>>, vector<1x32x256xf32>
    %swap3A_1575 = vector.shape_cast %swap3A_1574 : vector<1x32x256xf32> to vector<32x256xf32>
    %swap3A_1576 = vector.shape_cast %broadcast_in_dim3A_1570 : vector<32x256xf32> to vector<1x32x256xf32>
    tpu.vector_store %arg10[%swap3A_1571, %swap3A_1572, %swap3A_1573], %swap3A_1576 {strides = array<i32>} : memref<69x128x256xf32, #tpu.memory_space<vmem>>, vector<1x32x256xf32>,
    %slice3A_1577 = vector.extract_strided_slice %transpose3A_1540 {offsets = [4, 0], sizes = [1, 256], strides = [1, 1]} : vector<16x256xf32> to vector<1x256xf32>
    %broadcast_in_dim3A_1578 = vector.shape_cast %slice3A_1577 : vector<1x256xf32> to vector<1x256xf32>
    %broadcast_in_dim3A_1579 = vector.broadcast %broadcast_in_dim3A_1578 : vector<1x256xf32> to vector<32x256xf32>
    %swap3A_1580 = arith.constant 56 : index
    %swap3A_1581 = arith.constant 64 : index
    %swap3A_1582 = arith.constant 0 : index
    %swap3A_1583 = vector.load %arg10[%swap3A_1580, %swap3A_1581, %swap3A_1582] : memref<69x128x256xf32, #tpu.memory_space<vmem>>, vector<1x32x256xf32>
    %swap3A_1584 = vector.shape_cast %swap3A_1583 : vector<1x32x256xf32> to vector<32x256xf32>
    %swap3A_1585 = vector.shape_cast %broadcast_in_dim3A_1579 : vector<32x256xf32> to vector<1x32x256xf32>
    tpu.vector_store %arg10[%swap3A_1580, %swap3A_1581, %swap3A_1582], %swap3A_1585 {strides = array<i32>} : memref<69x128x256xf32, #tpu.memory_space<vmem>>, vector<1x32x256xf32>,
    %slice3A_1586 = vector.extract_strided_slice %transpose3A_1540 {offsets = [5, 0], sizes = [1, 256], strides = [1, 1]} : vector<16x256xf32> to vector<1x256xf32>
    %broadcast_in_dim3A_1587 = vector.shape_cast %slice3A_1586 : vector<1x256xf32> to vector<1x256xf32>
    %broadcast_in_dim3A_1588 = vector.broadcast %broadcast_in_dim3A_1587 : vector<1x256xf32> to vector<32x256xf32>
    %swap3A_1589 = arith.constant 57 : index
    %swap3A_1590 = arith.constant 64 : index
    %swap3A_1591 = arith.constant 0 : index
    %swap3A_1592 = vector.load %arg10[%swap3A_1589, %swap3A_1590, %swap3A_1591] : memref<69x128x256xf32, #tpu.memory_space<vmem>>, vector<1x32x256xf32>
    %swap3A_1593 = vector.shape_cast %swap3A_1592 : vector<1x32x256xf32> to vector<32x256xf32>
    %swap3A_1594 = vector.shape_cast %broadcast_in_dim3A_1588 : vector<32x256xf32> to vector<1x32x256xf32>
    tpu.vector_store %arg10[%swap3A_1589, %swap3A_1590, %swap3A_1591], %swap3A_1594 {strides = array<i32>} : memref<69x128x256xf32, #tpu.memory_space<vmem>>, vector<1x32x256xf32>,
    %slice3A_1595 = vector.extract_strided_slice %transpose3A_1540 {offsets = [6, 0], sizes = [1, 256], strides = [1, 1]} : vector<16x256xf32> to vector<1x256xf32>
    %broadcast_in_dim3A_1596 = vector.shape_cast %slice3A_1595 : vector<1x256xf32> to vector<1x256xf32>
    %broadcast_in_dim3A_1597 = vector.broadcast %broadcast_in_dim3A_1596 : vector<1x256xf32> to vector<32x256xf32>
    %swap3A_1598 = arith.constant 58 : index
    %swap3A_1599 = arith.constant 64 : index
    %swap3A_1600 = arith.constant 0 : index
    %swap3A_1601 = vector.load %arg10[%swap3A_1598, %swap3A_1599, %swap3A_1600] : memref<69x128x256xf32, #tpu.memory_space<vmem>>, vector<1x32x256xf32>
    %swap3A_1602 = vector.shape_cast %swap3A_1601 : vector<1x32x256xf32> to vector<32x256xf32>
    %swap3A_1603 = vector.shape_cast %broadcast_in_dim3A_1597 : vector<32x256xf32> to vector<1x32x256xf32>
    tpu.vector_store %arg10[%swap3A_1598, %swap3A_1599, %swap3A_1600], %swap3A_1603 {strides = array<i32>} : memref<69x128x256xf32, #tpu.memory_space<vmem>>, vector<1x32x256xf32>,
    %slice3A_1604 = vector.extract_strided_slice %transpose3A_1540 {offsets = [7, 0], sizes = [1, 256], strides = [1, 1]} : vector<16x256xf32> to vector<1x256xf32>
    %broadcast_in_dim3A_1605 = vector.shape_cast %slice3A_1604 : vector<1x256xf32> to vector<1x256xf32>
    %broadcast_in_dim3A_1606 = vector.broadcast %broadcast_in_dim3A_1605 : vector<1x256xf32> to vector<32x256xf32>
    %swap3A_1607 = arith.constant 59 : index
    %swap3A_1608 = arith.constant 64 : index
    %swap3A_1609 = arith.constant 0 : index
    %swap3A_1610 = vector.load %arg10[%swap3A_1607, %swap3A_1608, %swap3A_1609] : memref<69x128x256xf32, #tpu.memory_space<vmem>>, vector<1x32x256xf32>
    %swap3A_1611 = vector.shape_cast %swap3A_1610 : vector<1x32x256xf32> to vector<32x256xf32>
    %swap3A_1612 = vector.shape_cast %broadcast_in_dim3A_1606 : vector<32x256xf32> to vector<1x32x256xf32>
    tpu.vector_store %arg10[%swap3A_1607, %swap3A_1608, %swap3A_1609], %swap3A_1612 {strides = array<i32>} : memref<69x128x256xf32, #tpu.memory_space<vmem>>, vector<1x32x256xf32>,
    %slice3A_1613 = vector.extract_strided_slice %transpose3A_1540 {offsets = [8, 0], sizes = [1, 256], strides = [1, 1]} : vector<16x256xf32> to vector<1x256xf32>
    %broadcast_in_dim3A_1614 = vector.shape_cast %slice3A_1613 : vector<1x256xf32> to vector<1x256xf32>
    %broadcast_in_dim3A_1615 = vector.broadcast %broadcast_in_dim3A_1614 : vector<1x256xf32> to vector<32x256xf32>
    %swap3A_1616 = arith.constant 60 : index
    %swap3A_1617 = arith.constant 64 : index
    %swap3A_1618 = arith.constant 0 : index
    %swap3A_1619 = vector.load %arg10[%swap3A_1616, %swap3A_1617, %swap3A_1618] : memref<69x128x256xf32, #tpu.memory_space<vmem>>, vector<1x32x256xf32>
    %swap3A_1620 = vector.shape_cast %swap3A_1619 : vector<1x32x256xf32> to vector<32x256xf32>
    %swap3A_1621 = vector.shape_cast %broadcast_in_dim3A_1615 : vector<32x256xf32> to vector<1x32x256xf32>
    tpu.vector_store %arg10[%swap3A_1616, %swap3A_1617, %swap3A_1618], %swap3A_1621 {strides = array<i32>} : memref<69x128x256xf32, #tpu.memory_space<vmem>>, vector<1x32x256xf32>,
    %slice3A_1622 = vector.extract_strided_slice %transpose3A_1540 {offsets = [9, 0], sizes = [1, 256], strides = [1, 1]} : vector<16x256xf32> to vector<1x256xf32>
    %broadcast_in_dim3A_1623 = vector.shape_cast %slice3A_1622 : vector<1x256xf32> to vector<1x256xf32>
    %broadcast_in_dim3A_1624 = vector.broadcast %broadcast_in_dim3A_1623 : vector<1x256xf32> to vector<32x256xf32>
    %swap3A_1625 = arith.constant 61 : index
    %swap3A_1626 = arith.constant 64 : index
    %swap3A_1627 = arith.constant 0 : index
    %swap3A_1628 = vector.load %arg10[%swap3A_1625, %swap3A_1626, %swap3A_1627] : memref<69x128x256xf32, #tpu.memory_space<vmem>>, vector<1x32x256xf32>
    %swap3A_1629 = vector.shape_cast %swap3A_1628 : vector<1x32x256xf32> to vector<32x256xf32>
    %swap3A_1630 = vector.shape_cast %broadcast_in_dim3A_1624 : vector<32x256xf32> to vector<1x32x256xf32>
    tpu.vector_store %arg10[%swap3A_1625, %swap3A_1626, %swap3A_1627], %swap3A_1630 {strides = array<i32>} : memref<69x128x256xf32, #tpu.memory_space<vmem>>, vector<1x32x256xf32>,
    %slice3A_1631 = vector.extract_strided_slice %transpose3A_1540 {offsets = [10, 0], sizes = [1, 256], strides = [1, 1]} : vector<16x256xf32> to vector<1x256xf32>
    %broadcast_in_dim3A_1632 = vector.shape_cast %slice3A_1631 : vector<1x256xf32> to vector<1x256xf32>
    %broadcast_in_dim3A_1633 = vector.broadcast %broadcast_in_dim3A_1632 : vector<1x256xf32> to vector<32x256xf32>
    %swap3A_1634 = arith.constant 62 : index
    %swap3A_1635 = arith.constant 64 : index
    %swap3A_1636 = arith.constant 0 : index
    %swap3A_1637 = vector.load %arg10[%swap3A_1634, %swap3A_1635, %swap3A_1636] : memref<69x128x256xf32, #tpu.memory_space<vmem>>, vector<1x32x256xf32>
    %swap3A_1638 = vector.shape_cast %swap3A_1637 : vector<1x32x256xf32> to vector<32x256xf32>
    %swap3A_1639 = vector.shape_cast %broadcast_in_dim3A_1633 : vector<32x256xf32> to vector<1x32x256xf32>
    tpu.vector_store %arg10[%swap3A_1634, %swap3A_1635, %swap3A_1636], %swap3A_1639 {strides = array<i32>} : memref<69x128x256xf32, #tpu.memory_space<vmem>>, vector<1x32x256xf32>,
    %slice3A_1640 = vector.extract_strided_slice %transpose3A_1540 {offsets = [11, 0], sizes = [1, 256], strides = [1, 1]} : vector<16x256xf32> to vector<1x256xf32>
    %broadcast_in_dim3A_1641 = vector.shape_cast %slice3A_1640 : vector<1x256xf32> to vector<1x256xf32>
    %broadcast_in_dim3A_1642 = vector.broadcast %broadcast_in_dim3A_1641 : vector<1x256xf32> to vector<32x256xf32>
    %swap3A_1643 = arith.constant 63 : index
    %swap3A_1644 = arith.constant 64 : index
    %swap3A_1645 = arith.constant 0 : index
    %swap3A_1646 = vector.load %arg10[%swap3A_1643, %swap3A_1644, %swap3A_1645] : memref<69x128x256xf32, #tpu.memory_space<vmem>>, vector<1x32x256xf32>
    %swap3A_1647 = vector.shape_cast %swap3A_1646 : vector<1x32x256xf32> to vector<32x256xf32>
    %swap3A_1648 = vector.shape_cast %broadcast_in_dim3A_1642 : vector<32x256xf32> to vector<1x32x256xf32>
    tpu.vector_store %arg10[%swap3A_1643, %swap3A_1644, %swap3A_1645], %swap3A_1648 {strides = array<i32>} : memref<69x128x256xf32, #tpu.memory_space<vmem>>, vector<1x32x256xf32>,
    %slice3A_1649 = vector.extract_strided_slice %transpose3A_1540 {offsets = [12, 0], sizes = [1, 256], strides = [1, 1]} : vector<16x256xf32> to vector<1x256xf32>
    %broadcast_in_dim3A_1650 = vector.shape_cast %slice3A_1649 : vector<1x256xf32> to vector<1x256xf32>
    %broadcast_in_dim3A_1651 = vector.broadcast %broadcast_in_dim3A_1650 : vector<1x256xf32> to vector<32x256xf32>
    %swap3A_1652 = arith.constant 64 : index
    %swap3A_1653 = arith.constant 64 : index
    %swap3A_1654 = arith.constant 0 : index
    %swap3A_1655 = vector.load %arg10[%swap3A_1652, %swap3A_1653, %swap3A_1654] : memref<69x128x256xf32, #tpu.memory_space<vmem>>, vector<1x32x256xf32>
    %swap3A_1656 = vector.shape_cast %swap3A_1655 : vector<1x32x256xf32> to vector<32x256xf32>
    %swap3A_1657 = vector.shape_cast %broadcast_in_dim3A_1651 : vector<32x256xf32> to vector<1x32x256xf32>
    tpu.vector_store %arg10[%swap3A_1652, %swap3A_1653, %swap3A_1654], %swap3A_1657 {strides = array<i32>} : memref<69x128x256xf32, #tpu.memory_space<vmem>>, vector<1x32x256xf32>,
    %slice3A_1658 = vector.extract_strided_slice %transpose3A_1540 {offsets = [13, 0], sizes = [1, 256], strides = [1, 1]} : vector<16x256xf32> to vector<1x256xf32>
    %broadcast_in_dim3A_1659 = vector.shape_cast %slice3A_1658 : vector<1x256xf32> to vector<1x256xf32>
    %broadcast_in_dim3A_1660 = vector.broadcast %broadcast_in_dim3A_1659 : vector<1x256xf32> to vector<32x256xf32>
    %swap3A_1661 = arith.constant 65 : index
    %swap3A_1662 = arith.constant 64 : index
    %swap3A_1663 = arith.constant 0 : index
    %swap3A_1664 = vector.load %arg10[%swap3A_1661, %swap3A_1662, %swap3A_1663] : memref<69x128x256xf32, #tpu.memory_space<vmem>>, vector<1x32x256xf32>
    %swap3A_1665 = vector.shape_cast %swap3A_1664 : vector<1x32x256xf32> to vector<32x256xf32>
    %swap3A_1666 = vector.shape_cast %broadcast_in_dim3A_1660 : vector<32x256xf32> to vector<1x32x256xf32>
    tpu.vector_store %arg10[%swap3A_1661, %swap3A_1662, %swap3A_1663], %swap3A_1666 {strides = array<i32>} : memref<69x128x256xf32, #tpu.memory_space<vmem>>, vector<1x32x256xf32>,
    %slice3A_1667 = vector.extract_strided_slice %transpose3A_1540 {offsets = [14, 0], sizes = [1, 256], strides = [1, 1]} : vector<16x256xf32> to vector<1x256xf32>
    %broadcast_in_dim3A_1668 = vector.shape_cast %slice3A_1667 : vector<1x256xf32> to vector<1x256xf32>
    %broadcast_in_dim3A_1669 = vector.broadcast %broadcast_in_dim3A_1668 : vector<1x256xf32> to vector<32x256xf32>
    %swap3A_1670 = arith.constant 66 : index
    %swap3A_1671 = arith.constant 64 : index
    %swap3A_1672 = arith.constant 0 : index
    %swap3A_1673 = vector.load %arg10[%swap3A_1670, %swap3A_1671, %swap3A_1672] : memref<69x128x256xf32, #tpu.memory_space<vmem>>, vector<1x32x256xf32>
    %swap3A_1674 = vector.shape_cast %swap3A_1673 : vector<1x32x256xf32> to vector<32x256xf32>
    %swap3A_1675 = vector.shape_cast %broadcast_in_dim3A_1669 : vector<32x256xf32> to vector<1x32x256xf32>
    tpu.vector_store %arg10[%swap3A_1670, %swap3A_1671, %swap3A_1672], %swap3A_1675 {strides = array<i32>} : memref<69x128x256xf32, #tpu.memory_space<vmem>>, vector<1x32x256xf32>,
    %slice3A_1676 = vector.extract_strided_slice %transpose3A_1540 {offsets = [15, 0], sizes = [1, 256], strides = [1, 1]} : vector<16x256xf32> to vector<1x256xf32>
    %broadcast_in_dim3A_1677 = vector.shape_cast %slice3A_1676 : vector<1x256xf32> to vector<1x256xf32>
    %broadcast_in_dim3A_1678 = vector.broadcast %broadcast_in_dim3A_1677 : vector<1x256xf32> to vector<32x256xf32>
    %swap3A_1679 = arith.constant 67 : index
    %swap3A_1680 = arith.constant 64 : index
    %swap3A_1681 = arith.constant 0 : index
    %swap3A_1682 = vector.load %arg10[%swap3A_1679, %swap3A_1680, %swap3A_1681] : memref<69x128x256xf32, #tpu.memory_space<vmem>>, vector<1x32x256xf32>
    %swap3A_1683 = vector.shape_cast %swap3A_1682 : vector<1x32x256xf32> to vector<32x256xf32>
    %swap3A_1684 = vector.shape_cast %broadcast_in_dim3A_1678 : vector<32x256xf32> to vector<1x32x256xf32>
    tpu.vector_store %arg10[%swap3A_1679, %swap3A_1680, %swap3A_1681], %swap3A_1684 {strides = array<i32>} : memref<69x128x256xf32, #tpu.memory_space<vmem>>, vector<1x32x256xf32>,
    %broadcast_in_dim3A_1685 = arith.constant 0.000000e+00 : f32
    %broadcast_in_dim3A_1686 = vector.broadcast %broadcast_in_dim3A_1685 : f32 to vector<18x32x256xf32>
    %swap3A_1687 = arith.constant 34 : index
    %swap3A_1688 = arith.constant 64 : index
    %swap3A_1689 = arith.constant 0 : index
    %swap3A_1690 = vector.load %arg10[%swap3A_1687, %swap3A_1688, %swap3A_1689] : memref<69x128x256xf32, #tpu.memory_space<vmem>>, vector<18x32x256xf32>
    tpu.vector_store %arg10[%swap3A_1687, %swap3A_1688, %swap3A_1689], %broadcast_in_dim3A_1686 {strides = array<i32>} : memref<69x128x256xf32, #tpu.memory_space<vmem>>, vector<18x32x256xf32>,
    %iota3A_1691 = tpu.iota {dimensions = array<i32: 0>} : vector<32x256xi32>
    %get3A_1692 = arith.constant 0 : index
    %get3A_1693 = memref.load %arg1[%get3A_1692] : memref<1xi32, #tpu.memory_space<smem>>
    %le3A_1694 = vector.broadcast %get3A_1693 : i32 to vector<32x256xi32>
    %le3A_1695 = arith.cmpi sle, %iota3A_1691, %le3A_1694 : vector<32x256xi32>
    %get3A_1696 = arith.constant 2 : index
    %get3A_1697 = arith.constant 0 : index
    %get3A_1698 = arith.constant 0 : index
    %get3A_1699 = vector.load %arg9[%get3A_1696, %get3A_1697, %get3A_1698] : memref<4x32x256xf32, #tpu.memory_space<vmem>>, vector<1x32x256xf32>
    %get3A_1700 = vector.shape_cast %get3A_1699 : vector<1x32x256xf32> to vector<32x256xf32>
    %jit3A_1701 = arith.constant 0.000000e+00 : f32
    %broadcast_in_dim3A_1702 = vector.broadcast %jit3A_1701 : f32 to vector<32x256xf32>
    %select_n3A_1703 = arith.select %le3A_1695, %get3A_1700, %broadcast_in_dim3A_1702 : vector<32x256xi1>, vector<32x256xf32>
    %swap3A_1704 = arith.constant 68 : index
    %swap3A_1705 = arith.constant 64 : index
    %swap3A_1706 = arith.constant 0 : index
    %swap3A_1707 = vector.load %arg10[%swap3A_1704, %swap3A_1705, %swap3A_1706] : memref<69x128x256xf32, #tpu.memory_space<vmem>>, vector<1x32x256xf32>
    %swap3A_1708 = vector.shape_cast %swap3A_1707 : vector<1x32x256xf32> to vector<32x256xf32>
    %swap3A_1709 = vector.shape_cast %select_n3A_1703 : vector<32x256xf32> to vector<1x32x256xf32>
    tpu.vector_store %arg10[%swap3A_1704, %swap3A_1705, %swap3A_1706], %swap3A_1709 {strides = array<i32>} : memref<69x128x256xf32, #tpu.memory_space<vmem>>, vector<1x32x256xf32>,
    %mul3A_1710 = arith.constant 4 : i32
    %mul3A_1711 = arith.muli %arg0, %mul3A_1710 : i32
    %add3A_1712 = arith.constant 3 : i32
    %add3A_1713 = arith.addi %mul3A_1711, %add3A_1712 : i32
    %get3A_1714 = arith.constant 3 : index
    %get3A_1715 = arith.constant 0 : index
    %get3A_1716 = arith.constant 0 : index
    %get3A_1717 = vector.load %arg2[%get3A_1714, %get3A_1715, %get3A_1716] : memref<4x8x32xf32, #tpu.memory_space<vmem>>, vector<1x8x32xf32>
    %get3A_1718 = vector.shape_cast %get3A_1717 : vector<1x8x32xf32> to vector<8x32xf32>
    %transpose3A_1719 = tpu.transpose %get3A_1718, [1, 0] : vector<8x32xf32> -> vector<32x8xf32>
    %get3A_1720 = arith.index_cast %add3A_1713 : i32 to index
    %get3A_1721 = arith.constant 0 : index
    %get3A_1722 = vector.load %arg3[%get3A_1720, %get3A_1721] : memref<32x8xf32, #tpu.memory_space<vmem>>, vector<1x8xf32>
    %get3A_1723 = vector.shape_cast %get3A_1722 : vector<1x8xf32> to vector<8xf32>
    %get3A_1724 = arith.index_cast %add3A_1713 : i32 to index
    %get3A_1725 = arith.constant 0 : index
    %get3A_1726 = vector.load %arg4[%get3A_1724, %get3A_1725] : memref<32x32xf32, #tpu.memory_space<vmem>>, vector<1x32xf32>
    %get3A_1727 = vector.shape_cast %get3A_1726 : vector<1x32xf32> to vector<32xf32>
    %get3A_1728 = arith.index_cast %add3A_1713 : i32 to index
    %get3A_1729 = arith.constant 0 : index
    %get3A_1730 = vector.load %arg5[%get3A_1728, %get3A_1729] : memref<32x32xf32, #tpu.memory_space<vmem>>, vector<1x32xf32>
    %get3A_1731 = vector.shape_cast %get3A_1730 : vector<1x32xf32> to vector<32xf32>
    %broadcast_in_dim3A_1732 = vector.shape_cast %get3A_1723 : vector<8xf32> to vector<1x8xf32>
    %broadcast_in_dim3A_1733 = vector.shape_cast %broadcast_in_dim3A_1732 : vector<1x8xf32> to vector<1x8xf32>
    %broadcast_in_dim3A_1734 = vector.broadcast %broadcast_in_dim3A_1733 : vector<1x8xf32> to vector<32x8xf32>
    %broadcast_in_dim3A_1735 = vector.shape_cast %get3A_1727 : vector<32xf32> to vector<32x1xf32>
    %broadcast_in_dim3A_1736 = vector.shape_cast %get3A_1731 : vector<32xf32> to vector<32x1xf32>
    %concatenate3A_1737 = tpu.concatenate %transpose3A_1719, %broadcast_in_dim3A_1734, %broadcast_in_dim3A_1735, %broadcast_in_dim3A_1736 in 1 : vector<32x8xf32>, vector<32x8xf32>, vector<32x1xf32>, vector<32x1xf32> -> vector<32x18xf32>
    %slice3A_1738 = vector.extract_strided_slice %concatenate3A_1737 {offsets = [0, 0], sizes = [32, 1], strides = [1, 1]} : vector<32x18xf32> to vector<32x1xf32>
    %broadcast_in_dim3A_1739 = vector.shape_cast %slice3A_1738 : vector<32x1xf32> to vector<32x1xf32>
    %broadcast_in_dim3A_1740 = vector.broadcast %broadcast_in_dim3A_1739 : vector<32x1xf32> to vector<32x256xf32>
    %swap3A_1741 = arith.constant 0 : index
    %swap3A_1742 = arith.constant 96 : index
    %swap3A_1743 = arith.constant 0 : index
    %swap3A_1744 = vector.load %arg10[%swap3A_1741, %swap3A_1742, %swap3A_1743] : memref<69x128x256xf32, #tpu.memory_space<vmem>>, vector<1x32x256xf32>
    %swap3A_1745 = vector.shape_cast %swap3A_1744 : vector<1x32x256xf32> to vector<32x256xf32>
    %swap3A_1746 = vector.shape_cast %broadcast_in_dim3A_1740 : vector<32x256xf32> to vector<1x32x256xf32>
    tpu.vector_store %arg10[%swap3A_1741, %swap3A_1742, %swap3A_1743], %swap3A_1746 {strides = array<i32>} : memref<69x128x256xf32, #tpu.memory_space<vmem>>, vector<1x32x256xf32>,
    %slice3A_1747 = vector.extract_strided_slice %concatenate3A_1737 {offsets = [0, 1], sizes = [32, 1], strides = [1, 1]} : vector<32x18xf32> to vector<32x1xf32>
    %broadcast_in_dim3A_1748 = vector.shape_cast %slice3A_1747 : vector<32x1xf32> to vector<32x1xf32>
    %broadcast_in_dim3A_1749 = vector.broadcast %broadcast_in_dim3A_1748 : vector<32x1xf32> to vector<32x256xf32>
    %swap3A_1750 = arith.constant 1 : index
    %swap3A_1751 = arith.constant 96 : index
    %swap3A_1752 = arith.constant 0 : index
    %swap3A_1753 = vector.load %arg10[%swap3A_1750, %swap3A_1751, %swap3A_1752] : memref<69x128x256xf32, #tpu.memory_space<vmem>>, vector<1x32x256xf32>
    %swap3A_1754 = vector.shape_cast %swap3A_1753 : vector<1x32x256xf32> to vector<32x256xf32>
    %swap3A_1755 = vector.shape_cast %broadcast_in_dim3A_1749 : vector<32x256xf32> to vector<1x32x256xf32>
    tpu.vector_store %arg10[%swap3A_1750, %swap3A_1751, %swap3A_1752], %swap3A_1755 {strides = array<i32>} : memref<69x128x256xf32, #tpu.memory_space<vmem>>, vector<1x32x256xf32>,
    %slice3A_1756 = vector.extract_strided_slice %concatenate3A_1737 {offsets = [0, 2], sizes = [32, 1], strides = [1, 1]} : vector<32x18xf32> to vector<32x1xf32>
    %broadcast_in_dim3A_1757 = vector.shape_cast %slice3A_1756 : vector<32x1xf32> to vector<32x1xf32>
    %broadcast_in_dim3A_1758 = vector.broadcast %broadcast_in_dim3A_1757 : vector<32x1xf32> to vector<32x256xf32>
    %swap3A_1759 = arith.constant 2 : index
    %swap3A_1760 = arith.constant 96 : index
    %swap3A_1761 = arith.constant 0 : index
    %swap3A_1762 = vector.load %arg10[%swap3A_1759, %swap3A_1760, %swap3A_1761] : memref<69x128x256xf32, #tpu.memory_space<vmem>>, vector<1x32x256xf32>
    %swap3A_1763 = vector.shape_cast %swap3A_1762 : vector<1x32x256xf32> to vector<32x256xf32>
    %swap3A_1764 = vector.shape_cast %broadcast_in_dim3A_1758 : vector<32x256xf32> to vector<1x32x256xf32>
    tpu.vector_store %arg10[%swap3A_1759, %swap3A_1760, %swap3A_1761], %swap3A_1764 {strides = array<i32>} : memref<69x128x256xf32, #tpu.memory_space<vmem>>, vector<1x32x256xf32>,
    %slice3A_1765 = vector.extract_strided_slice %concatenate3A_1737 {offsets = [0, 3], sizes = [32, 1], strides = [1, 1]} : vector<32x18xf32> to vector<32x1xf32>
    %broadcast_in_dim3A_1766 = vector.shape_cast %slice3A_1765 : vector<32x1xf32> to vector<32x1xf32>
    %broadcast_in_dim3A_1767 = vector.broadcast %broadcast_in_dim3A_1766 : vector<32x1xf32> to vector<32x256xf32>
    %swap3A_1768 = arith.constant 3 : index
    %swap3A_1769 = arith.constant 96 : index
    %swap3A_1770 = arith.constant 0 : index
    %swap3A_1771 = vector.load %arg10[%swap3A_1768, %swap3A_1769, %swap3A_1770] : memref<69x128x256xf32, #tpu.memory_space<vmem>>, vector<1x32x256xf32>
    %swap3A_1772 = vector.shape_cast %swap3A_1771 : vector<1x32x256xf32> to vector<32x256xf32>
    %swap3A_1773 = vector.shape_cast %broadcast_in_dim3A_1767 : vector<32x256xf32> to vector<1x32x256xf32>
    tpu.vector_store %arg10[%swap3A_1768, %swap3A_1769, %swap3A_1770], %swap3A_1773 {strides = array<i32>} : memref<69x128x256xf32, #tpu.memory_space<vmem>>, vector<1x32x256xf32>,
    %slice3A_1774 = vector.extract_strided_slice %concatenate3A_1737 {offsets = [0, 4], sizes = [32, 1], strides = [1, 1]} : vector<32x18xf32> to vector<32x1xf32>
    %broadcast_in_dim3A_1775 = vector.shape_cast %slice3A_1774 : vector<32x1xf32> to vector<32x1xf32>
    %broadcast_in_dim3A_1776 = vector.broadcast %broadcast_in_dim3A_1775 : vector<32x1xf32> to vector<32x256xf32>
    %swap3A_1777 = arith.constant 4 : index
    %swap3A_1778 = arith.constant 96 : index
    %swap3A_1779 = arith.constant 0 : index
    %swap3A_1780 = vector.load %arg10[%swap3A_1777, %swap3A_1778, %swap3A_1779] : memref<69x128x256xf32, #tpu.memory_space<vmem>>, vector<1x32x256xf32>
    %swap3A_1781 = vector.shape_cast %swap3A_1780 : vector<1x32x256xf32> to vector<32x256xf32>
    %swap3A_1782 = vector.shape_cast %broadcast_in_dim3A_1776 : vector<32x256xf32> to vector<1x32x256xf32>
    tpu.vector_store %arg10[%swap3A_1777, %swap3A_1778, %swap3A_1779], %swap3A_1782 {strides = array<i32>} : memref<69x128x256xf32, #tpu.memory_space<vmem>>, vector<1x32x256xf32>,
    %slice3A_1783 = vector.extract_strided_slice %concatenate3A_1737 {offsets = [0, 5], sizes = [32, 1], strides = [1, 1]} : vector<32x18xf32> to vector<32x1xf32>
    %broadcast_in_dim3A_1784 = vector.shape_cast %slice3A_1783 : vector<32x1xf32> to vector<32x1xf32>
    %broadcast_in_dim3A_1785 = vector.broadcast %broadcast_in_dim3A_1784 : vector<32x1xf32> to vector<32x256xf32>
    %swap3A_1786 = arith.constant 5 : index
    %swap3A_1787 = arith.constant 96 : index
    %swap3A_1788 = arith.constant 0 : index
    %swap3A_1789 = vector.load %arg10[%swap3A_1786, %swap3A_1787, %swap3A_1788] : memref<69x128x256xf32, #tpu.memory_space<vmem>>, vector<1x32x256xf32>
    %swap3A_1790 = vector.shape_cast %swap3A_1789 : vector<1x32x256xf32> to vector<32x256xf32>
    %swap3A_1791 = vector.shape_cast %broadcast_in_dim3A_1785 : vector<32x256xf32> to vector<1x32x256xf32>
    tpu.vector_store %arg10[%swap3A_1786, %swap3A_1787, %swap3A_1788], %swap3A_1791 {strides = array<i32>} : memref<69x128x256xf32, #tpu.memory_space<vmem>>, vector<1x32x256xf32>,
    %slice3A_1792 = vector.extract_strided_slice %concatenate3A_1737 {offsets = [0, 6], sizes = [32, 1], strides = [1, 1]} : vector<32x18xf32> to vector<32x1xf32>
    %broadcast_in_dim3A_1793 = vector.shape_cast %slice3A_1792 : vector<32x1xf32> to vector<32x1xf32>
    %broadcast_in_dim3A_1794 = vector.broadcast %broadcast_in_dim3A_1793 : vector<32x1xf32> to vector<32x256xf32>
    %swap3A_1795 = arith.constant 6 : index
    %swap3A_1796 = arith.constant 96 : index
    %swap3A_1797 = arith.constant 0 : index
    %swap3A_1798 = vector.load %arg10[%swap3A_1795, %swap3A_1796, %swap3A_1797] : memref<69x128x256xf32, #tpu.memory_space<vmem>>, vector<1x32x256xf32>
    %swap3A_1799 = vector.shape_cast %swap3A_1798 : vector<1x32x256xf32> to vector<32x256xf32>
    %swap3A_1800 = vector.shape_cast %broadcast_in_dim3A_1794 : vector<32x256xf32> to vector<1x32x256xf32>
    tpu.vector_store %arg10[%swap3A_1795, %swap3A_1796, %swap3A_1797], %swap3A_1800 {strides = array<i32>} : memref<69x128x256xf32, #tpu.memory_space<vmem>>, vector<1x32x256xf32>,
    %slice3A_1801 = vector.extract_strided_slice %concatenate3A_1737 {offsets = [0, 7], sizes = [32, 1], strides = [1, 1]} : vector<32x18xf32> to vector<32x1xf32>
    %broadcast_in_dim3A_1802 = vector.shape_cast %slice3A_1801 : vector<32x1xf32> to vector<32x1xf32>
    %broadcast_in_dim3A_1803 = vector.broadcast %broadcast_in_dim3A_1802 : vector<32x1xf32> to vector<32x256xf32>
    %swap3A_1804 = arith.constant 7 : index
    %swap3A_1805 = arith.constant 96 : index
    %swap3A_1806 = arith.constant 0 : index
    %swap3A_1807 = vector.load %arg10[%swap3A_1804, %swap3A_1805, %swap3A_1806] : memref<69x128x256xf32, #tpu.memory_space<vmem>>, vector<1x32x256xf32>
    %swap3A_1808 = vector.shape_cast %swap3A_1807 : vector<1x32x256xf32> to vector<32x256xf32>
    %swap3A_1809 = vector.shape_cast %broadcast_in_dim3A_1803 : vector<32x256xf32> to vector<1x32x256xf32>
    tpu.vector_store %arg10[%swap3A_1804, %swap3A_1805, %swap3A_1806], %swap3A_1809 {strides = array<i32>} : memref<69x128x256xf32, #tpu.memory_space<vmem>>, vector<1x32x256xf32>,
    %slice3A_1810 = vector.extract_strided_slice %concatenate3A_1737 {offsets = [0, 8], sizes = [32, 1], strides = [1, 1]} : vector<32x18xf32> to vector<32x1xf32>
    %broadcast_in_dim3A_1811 = vector.shape_cast %slice3A_1810 : vector<32x1xf32> to vector<32x1xf32>
    %broadcast_in_dim3A_1812 = vector.broadcast %broadcast_in_dim3A_1811 : vector<32x1xf32> to vector<32x256xf32>
    %swap3A_1813 = arith.constant 8 : index
    %swap3A_1814 = arith.constant 96 : index
    %swap3A_1815 = arith.constant 0 : index
    %swap3A_1816 = vector.load %arg10[%swap3A_1813, %swap3A_1814, %swap3A_1815] : memref<69x128x256xf32, #tpu.memory_space<vmem>>, vector<1x32x256xf32>
    %swap3A_1817 = vector.shape_cast %swap3A_1816 : vector<1x32x256xf32> to vector<32x256xf32>
    %swap3A_1818 = vector.shape_cast %broadcast_in_dim3A_1812 : vector<32x256xf32> to vector<1x32x256xf32>
    tpu.vector_store %arg10[%swap3A_1813, %swap3A_1814, %swap3A_1815], %swap3A_1818 {strides = array<i32>} : memref<69x128x256xf32, #tpu.memory_space<vmem>>, vector<1x32x256xf32>,
    %slice3A_1819 = vector.extract_strided_slice %concatenate3A_1737 {offsets = [0, 9], sizes = [32, 1], strides = [1, 1]} : vector<32x18xf32> to vector<32x1xf32>
    %broadcast_in_dim3A_1820 = vector.shape_cast %slice3A_1819 : vector<32x1xf32> to vector<32x1xf32>
    %broadcast_in_dim3A_1821 = vector.broadcast %broadcast_in_dim3A_1820 : vector<32x1xf32> to vector<32x256xf32>
    %swap3A_1822 = arith.constant 9 : index
    %swap3A_1823 = arith.constant 96 : index
    %swap3A_1824 = arith.constant 0 : index
    %swap3A_1825 = vector.load %arg10[%swap3A_1822, %swap3A_1823, %swap3A_1824] : memref<69x128x256xf32, #tpu.memory_space<vmem>>, vector<1x32x256xf32>
    %swap3A_1826 = vector.shape_cast %swap3A_1825 : vector<1x32x256xf32> to vector<32x256xf32>
    %swap3A_1827 = vector.shape_cast %broadcast_in_dim3A_1821 : vector<32x256xf32> to vector<1x32x256xf32>
    tpu.vector_store %arg10[%swap3A_1822, %swap3A_1823, %swap3A_1824], %swap3A_1827 {strides = array<i32>} : memref<69x128x256xf32, #tpu.memory_space<vmem>>, vector<1x32x256xf32>,
    %slice3A_1828 = vector.extract_strided_slice %concatenate3A_1737 {offsets = [0, 10], sizes = [32, 1], strides = [1, 1]} : vector<32x18xf32> to vector<32x1xf32>
    %broadcast_in_dim3A_1829 = vector.shape_cast %slice3A_1828 : vector<32x1xf32> to vector<32x1xf32>
    %broadcast_in_dim3A_1830 = vector.broadcast %broadcast_in_dim3A_1829 : vector<32x1xf32> to vector<32x256xf32>
    %swap3A_1831 = arith.constant 10 : index
    %swap3A_1832 = arith.constant 96 : index
    %swap3A_1833 = arith.constant 0 : index
    %swap3A_1834 = vector.load %arg10[%swap3A_1831, %swap3A_1832, %swap3A_1833] : memref<69x128x256xf32, #tpu.memory_space<vmem>>, vector<1x32x256xf32>
    %swap3A_1835 = vector.shape_cast %swap3A_1834 : vector<1x32x256xf32> to vector<32x256xf32>
    %swap3A_1836 = vector.shape_cast %broadcast_in_dim3A_1830 : vector<32x256xf32> to vector<1x32x256xf32>
    tpu.vector_store %arg10[%swap3A_1831, %swap3A_1832, %swap3A_1833], %swap3A_1836 {strides = array<i32>} : memref<69x128x256xf32, #tpu.memory_space<vmem>>, vector<1x32x256xf32>,
    %slice3A_1837 = vector.extract_strided_slice %concatenate3A_1737 {offsets = [0, 11], sizes = [32, 1], strides = [1, 1]} : vector<32x18xf32> to vector<32x1xf32>
    %broadcast_in_dim3A_1838 = vector.shape_cast %slice3A_1837 : vector<32x1xf32> to vector<32x1xf32>
    %broadcast_in_dim3A_1839 = vector.broadcast %broadcast_in_dim3A_1838 : vector<32x1xf32> to vector<32x256xf32>
    %swap3A_1840 = arith.constant 11 : index
    %swap3A_1841 = arith.constant 96 : index
    %swap3A_1842 = arith.constant 0 : index
    %swap3A_1843 = vector.load %arg10[%swap3A_1840, %swap3A_1841, %swap3A_1842] : memref<69x128x256xf32, #tpu.memory_space<vmem>>, vector<1x32x256xf32>
    %swap3A_1844 = vector.shape_cast %swap3A_1843 : vector<1x32x256xf32> to vector<32x256xf32>
    %swap3A_1845 = vector.shape_cast %broadcast_in_dim3A_1839 : vector<32x256xf32> to vector<1x32x256xf32>
    tpu.vector_store %arg10[%swap3A_1840, %swap3A_1841, %swap3A_1842], %swap3A_1845 {strides = array<i32>} : memref<69x128x256xf32, #tpu.memory_space<vmem>>, vector<1x32x256xf32>,
    %slice3A_1846 = vector.extract_strided_slice %concatenate3A_1737 {offsets = [0, 12], sizes = [32, 1], strides = [1, 1]} : vector<32x18xf32> to vector<32x1xf32>
    %broadcast_in_dim3A_1847 = vector.shape_cast %slice3A_1846 : vector<32x1xf32> to vector<32x1xf32>
    %broadcast_in_dim3A_1848 = vector.broadcast %broadcast_in_dim3A_1847 : vector<32x1xf32> to vector<32x256xf32>
    %swap3A_1849 = arith.constant 12 : index
    %swap3A_1850 = arith.constant 96 : index
    %swap3A_1851 = arith.constant 0 : index
    %swap3A_1852 = vector.load %arg10[%swap3A_1849, %swap3A_1850, %swap3A_1851] : memref<69x128x256xf32, #tpu.memory_space<vmem>>, vector<1x32x256xf32>
    %swap3A_1853 = vector.shape_cast %swap3A_1852 : vector<1x32x256xf32> to vector<32x256xf32>
    %swap3A_1854 = vector.shape_cast %broadcast_in_dim3A_1848 : vector<32x256xf32> to vector<1x32x256xf32>
    tpu.vector_store %arg10[%swap3A_1849, %swap3A_1850, %swap3A_1851], %swap3A_1854 {strides = array<i32>} : memref<69x128x256xf32, #tpu.memory_space<vmem>>, vector<1x32x256xf32>,
    %slice3A_1855 = vector.extract_strided_slice %concatenate3A_1737 {offsets = [0, 13], sizes = [32, 1], strides = [1, 1]} : vector<32x18xf32> to vector<32x1xf32>
    %broadcast_in_dim3A_1856 = vector.shape_cast %slice3A_1855 : vector<32x1xf32> to vector<32x1xf32>
    %broadcast_in_dim3A_1857 = vector.broadcast %broadcast_in_dim3A_1856 : vector<32x1xf32> to vector<32x256xf32>
    %swap3A_1858 = arith.constant 13 : index
    %swap3A_1859 = arith.constant 96 : index
    %swap3A_1860 = arith.constant 0 : index
    %swap3A_1861 = vector.load %arg10[%swap3A_1858, %swap3A_1859, %swap3A_1860] : memref<69x128x256xf32, #tpu.memory_space<vmem>>, vector<1x32x256xf32>
    %swap3A_1862 = vector.shape_cast %swap3A_1861 : vector<1x32x256xf32> to vector<32x256xf32>
    %swap3A_1863 = vector.shape_cast %broadcast_in_dim3A_1857 : vector<32x256xf32> to vector<1x32x256xf32>
    tpu.vector_store %arg10[%swap3A_1858, %swap3A_1859, %swap3A_1860], %swap3A_1863 {strides = array<i32>} : memref<69x128x256xf32, #tpu.memory_space<vmem>>, vector<1x32x256xf32>,
    %slice3A_1864 = vector.extract_strided_slice %concatenate3A_1737 {offsets = [0, 14], sizes = [32, 1], strides = [1, 1]} : vector<32x18xf32> to vector<32x1xf32>
    %broadcast_in_dim3A_1865 = vector.shape_cast %slice3A_1864 : vector<32x1xf32> to vector<32x1xf32>
    %broadcast_in_dim3A_1866 = vector.broadcast %broadcast_in_dim3A_1865 : vector<32x1xf32> to vector<32x256xf32>
    %swap3A_1867 = arith.constant 14 : index
    %swap3A_1868 = arith.constant 96 : index
    %swap3A_1869 = arith.constant 0 : index
    %swap3A_1870 = vector.load %arg10[%swap3A_1867, %swap3A_1868, %swap3A_1869] : memref<69x128x256xf32, #tpu.memory_space<vmem>>, vector<1x32x256xf32>
    %swap3A_1871 = vector.shape_cast %swap3A_1870 : vector<1x32x256xf32> to vector<32x256xf32>
    %swap3A_1872 = vector.shape_cast %broadcast_in_dim3A_1866 : vector<32x256xf32> to vector<1x32x256xf32>
    tpu.vector_store %arg10[%swap3A_1867, %swap3A_1868, %swap3A_1869], %swap3A_1872 {strides = array<i32>} : memref<69x128x256xf32, #tpu.memory_space<vmem>>, vector<1x32x256xf32>,
    %slice3A_1873 = vector.extract_strided_slice %concatenate3A_1737 {offsets = [0, 15], sizes = [32, 1], strides = [1, 1]} : vector<32x18xf32> to vector<32x1xf32>
    %broadcast_in_dim3A_1874 = vector.shape_cast %slice3A_1873 : vector<32x1xf32> to vector<32x1xf32>
    %broadcast_in_dim3A_1875 = vector.broadcast %broadcast_in_dim3A_1874 : vector<32x1xf32> to vector<32x256xf32>
    %swap3A_1876 = arith.constant 15 : index
    %swap3A_1877 = arith.constant 96 : index
    %swap3A_1878 = arith.constant 0 : index
    %swap3A_1879 = vector.load %arg10[%swap3A_1876, %swap3A_1877, %swap3A_1878] : memref<69x128x256xf32, #tpu.memory_space<vmem>>, vector<1x32x256xf32>
    %swap3A_1880 = vector.shape_cast %swap3A_1879 : vector<1x32x256xf32> to vector<32x256xf32>
    %swap3A_1881 = vector.shape_cast %broadcast_in_dim3A_1875 : vector<32x256xf32> to vector<1x32x256xf32>
    tpu.vector_store %arg10[%swap3A_1876, %swap3A_1877, %swap3A_1878], %swap3A_1881 {strides = array<i32>} : memref<69x128x256xf32, #tpu.memory_space<vmem>>, vector<1x32x256xf32>,
    %slice3A_1882 = vector.extract_strided_slice %concatenate3A_1737 {offsets = [0, 16], sizes = [32, 1], strides = [1, 1]} : vector<32x18xf32> to vector<32x1xf32>
    %broadcast_in_dim3A_1883 = vector.shape_cast %slice3A_1882 : vector<32x1xf32> to vector<32x1xf32>
    %broadcast_in_dim3A_1884 = vector.broadcast %broadcast_in_dim3A_1883 : vector<32x1xf32> to vector<32x256xf32>
    %swap3A_1885 = arith.constant 16 : index
    %swap3A_1886 = arith.constant 96 : index
    %swap3A_1887 = arith.constant 0 : index
    %swap3A_1888 = vector.load %arg10[%swap3A_1885, %swap3A_1886, %swap3A_1887] : memref<69x128x256xf32, #tpu.memory_space<vmem>>, vector<1x32x256xf32>
    %swap3A_1889 = vector.shape_cast %swap3A_1888 : vector<1x32x256xf32> to vector<32x256xf32>
    %swap3A_1890 = vector.shape_cast %broadcast_in_dim3A_1884 : vector<32x256xf32> to vector<1x32x256xf32>
    tpu.vector_store %arg10[%swap3A_1885, %swap3A_1886, %swap3A_1887], %swap3A_1890 {strides = array<i32>} : memref<69x128x256xf32, #tpu.memory_space<vmem>>, vector<1x32x256xf32>,
    %slice3A_1891 = vector.extract_strided_slice %concatenate3A_1737 {offsets = [0, 17], sizes = [32, 1], strides = [1, 1]} : vector<32x18xf32> to vector<32x1xf32>
    %broadcast_in_dim3A_1892 = vector.shape_cast %slice3A_1891 : vector<32x1xf32> to vector<32x1xf32>
    %broadcast_in_dim3A_1893 = vector.broadcast %broadcast_in_dim3A_1892 : vector<32x1xf32> to vector<32x256xf32>
    %swap3A_1894 = arith.constant 17 : index
    %swap3A_1895 = arith.constant 96 : index
    %swap3A_1896 = arith.constant 0 : index
    %swap3A_1897 = vector.load %arg10[%swap3A_1894, %swap3A_1895, %swap3A_1896] : memref<69x128x256xf32, #tpu.memory_space<vmem>>, vector<1x32x256xf32>
    %swap3A_1898 = vector.shape_cast %swap3A_1897 : vector<1x32x256xf32> to vector<32x256xf32>
    %swap3A_1899 = vector.shape_cast %broadcast_in_dim3A_1893 : vector<32x256xf32> to vector<1x32x256xf32>
    tpu.vector_store %arg10[%swap3A_1894, %swap3A_1895, %swap3A_1896], %swap3A_1899 {strides = array<i32>} : memref<69x128x256xf32, #tpu.memory_space<vmem>>, vector<1x32x256xf32>,
    %get3A_1900 = arith.constant 3 : index
    %get3A_1901 = arith.constant 0 : index
    %get3A_1902 = arith.constant 0 : index
    %get3A_1903 = vector.load %arg6[%get3A_1900, %get3A_1901, %get3A_1902] : memref<4x8x256xf32, #tpu.memory_space<vmem>>, vector<1x1x256xf32>
    %get3A_1904 = vector.shape_cast %get3A_1903 : vector<1x1x256xf32> to vector<1x256xf32>
    %broadcast_in_dim3A_1905 = vector.shape_cast %get3A_1904 : vector<1x256xf32> to vector<1x256xf32>
    %broadcast_in_dim3A_1906 = vector.broadcast %broadcast_in_dim3A_1905 : vector<1x256xf32> to vector<32x256xf32>
    %swap3A_1907 = arith.constant 18 : index
    %swap3A_1908 = arith.constant 96 : index
    %swap3A_1909 = arith.constant 0 : index
    %swap3A_1910 = vector.load %arg10[%swap3A_1907, %swap3A_1908, %swap3A_1909] : memref<69x128x256xf32, #tpu.memory_space<vmem>>, vector<1x32x256xf32>
    %swap3A_1911 = vector.shape_cast %swap3A_1910 : vector<1x32x256xf32> to vector<32x256xf32>
    %swap3A_1912 = vector.shape_cast %broadcast_in_dim3A_1906 : vector<32x256xf32> to vector<1x32x256xf32>
    tpu.vector_store %arg10[%swap3A_1907, %swap3A_1908, %swap3A_1909], %swap3A_1912 {strides = array<i32>} : memref<69x128x256xf32, #tpu.memory_space<vmem>>, vector<1x32x256xf32>,
    %get3A_1913 = arith.constant 3 : index
    %get3A_1914 = arith.constant 0 : index
    %get3A_1915 = arith.constant 0 : index
    %get3A_1916 = vector.load %arg7[%get3A_1913, %get3A_1914, %get3A_1915] : memref<4x8x256xf32, #tpu.memory_space<vmem>>, vector<1x1x256xf32>
    %get3A_1917 = vector.shape_cast %get3A_1916 : vector<1x1x256xf32> to vector<1x256xf32>
    %broadcast_in_dim3A_1918 = vector.shape_cast %get3A_1917 : vector<1x256xf32> to vector<1x256xf32>
    %broadcast_in_dim3A_1919 = vector.broadcast %broadcast_in_dim3A_1918 : vector<1x256xf32> to vector<32x256xf32>
    %swap3A_1920 = arith.constant 26 : index
    %swap3A_1921 = arith.constant 96 : index
    %swap3A_1922 = arith.constant 0 : index
    %swap3A_1923 = vector.load %arg10[%swap3A_1920, %swap3A_1921, %swap3A_1922] : memref<69x128x256xf32, #tpu.memory_space<vmem>>, vector<1x32x256xf32>
    %swap3A_1924 = vector.shape_cast %swap3A_1923 : vector<1x32x256xf32> to vector<32x256xf32>
    %swap3A_1925 = vector.shape_cast %broadcast_in_dim3A_1919 : vector<32x256xf32> to vector<1x32x256xf32>
    tpu.vector_store %arg10[%swap3A_1920, %swap3A_1921, %swap3A_1922], %swap3A_1925 {strides = array<i32>} : memref<69x128x256xf32, #tpu.memory_space<vmem>>, vector<1x32x256xf32>,
    %get3A_1926 = arith.constant 3 : index
    %get3A_1927 = arith.constant 1 : index
    %get3A_1928 = arith.constant 0 : index
    %get3A_1929 = vector.load %arg6[%get3A_1926, %get3A_1927, %get3A_1928] : memref<4x8x256xf32, #tpu.memory_space<vmem>>, vector<1x1x256xf32>
    %get3A_1930 = vector.shape_cast %get3A_1929 : vector<1x1x256xf32> to vector<1x256xf32>
    %broadcast_in_dim3A_1931 = vector.shape_cast %get3A_1930 : vector<1x256xf32> to vector<1x256xf32>
    %broadcast_in_dim3A_1932 = vector.broadcast %broadcast_in_dim3A_1931 : vector<1x256xf32> to vector<32x256xf32>
    %swap3A_1933 = arith.constant 19 : index
    %swap3A_1934 = arith.constant 96 : index
    %swap3A_1935 = arith.constant 0 : index
    %swap3A_1936 = vector.load %arg10[%swap3A_1933, %swap3A_1934, %swap3A_1935] : memref<69x128x256xf32, #tpu.memory_space<vmem>>, vector<1x32x256xf32>
    %swap3A_1937 = vector.shape_cast %swap3A_1936 : vector<1x32x256xf32> to vector<32x256xf32>
    %swap3A_1938 = vector.shape_cast %broadcast_in_dim3A_1932 : vector<32x256xf32> to vector<1x32x256xf32>
    tpu.vector_store %arg10[%swap3A_1933, %swap3A_1934, %swap3A_1935], %swap3A_1938 {strides = array<i32>} : memref<69x128x256xf32, #tpu.memory_space<vmem>>, vector<1x32x256xf32>,
    %get3A_1939 = arith.constant 3 : index
    %get3A_1940 = arith.constant 1 : index
    %get3A_1941 = arith.constant 0 : index
    %get3A_1942 = vector.load %arg7[%get3A_1939, %get3A_1940, %get3A_1941] : memref<4x8x256xf32, #tpu.memory_space<vmem>>, vector<1x1x256xf32>
    %get3A_1943 = vector.shape_cast %get3A_1942 : vector<1x1x256xf32> to vector<1x256xf32>
    %broadcast_in_dim3A_1944 = vector.shape_cast %get3A_1943 : vector<1x256xf32> to vector<1x256xf32>
    %broadcast_in_dim3A_1945 = vector.broadcast %broadcast_in_dim3A_1944 : vector<1x256xf32> to vector<32x256xf32>
    %swap3A_1946 = arith.constant 27 : index
    %swap3A_1947 = arith.constant 96 : index
    %swap3A_1948 = arith.constant 0 : index
    %swap3A_1949 = vector.load %arg10[%swap3A_1946, %swap3A_1947, %swap3A_1948] : memref<69x128x256xf32, #tpu.memory_space<vmem>>, vector<1x32x256xf32>
    %swap3A_1950 = vector.shape_cast %swap3A_1949 : vector<1x32x256xf32> to vector<32x256xf32>
    %swap3A_1951 = vector.shape_cast %broadcast_in_dim3A_1945 : vector<32x256xf32> to vector<1x32x256xf32>
    tpu.vector_store %arg10[%swap3A_1946, %swap3A_1947, %swap3A_1948], %swap3A_1951 {strides = array<i32>} : memref<69x128x256xf32, #tpu.memory_space<vmem>>, vector<1x32x256xf32>,
    %get3A_1952 = arith.constant 3 : index
    %get3A_1953 = arith.constant 2 : index
    %get3A_1954 = arith.constant 0 : index
    %get3A_1955 = vector.load %arg6[%get3A_1952, %get3A_1953, %get3A_1954] : memref<4x8x256xf32, #tpu.memory_space<vmem>>, vector<1x1x256xf32>
    %get3A_1956 = vector.shape_cast %get3A_1955 : vector<1x1x256xf32> to vector<1x256xf32>
    %broadcast_in_dim3A_1957 = vector.shape_cast %get3A_1956 : vector<1x256xf32> to vector<1x256xf32>
    %broadcast_in_dim3A_1958 = vector.broadcast %broadcast_in_dim3A_1957 : vector<1x256xf32> to vector<32x256xf32>
    %swap3A_1959 = arith.constant 20 : index
    %swap3A_1960 = arith.constant 96 : index
    %swap3A_1961 = arith.constant 0 : index
    %swap3A_1962 = vector.load %arg10[%swap3A_1959, %swap3A_1960, %swap3A_1961] : memref<69x128x256xf32, #tpu.memory_space<vmem>>, vector<1x32x256xf32>
    %swap3A_1963 = vector.shape_cast %swap3A_1962 : vector<1x32x256xf32> to vector<32x256xf32>
    %swap3A_1964 = vector.shape_cast %broadcast_in_dim3A_1958 : vector<32x256xf32> to vector<1x32x256xf32>
    tpu.vector_store %arg10[%swap3A_1959, %swap3A_1960, %swap3A_1961], %swap3A_1964 {strides = array<i32>} : memref<69x128x256xf32, #tpu.memory_space<vmem>>, vector<1x32x256xf32>,
    %get3A_1965 = arith.constant 3 : index
    %get3A_1966 = arith.constant 2 : index
    %get3A_1967 = arith.constant 0 : index
    %get3A_1968 = vector.load %arg7[%get3A_1965, %get3A_1966, %get3A_1967] : memref<4x8x256xf32, #tpu.memory_space<vmem>>, vector<1x1x256xf32>
    %get3A_1969 = vector.shape_cast %get3A_1968 : vector<1x1x256xf32> to vector<1x256xf32>
    %broadcast_in_dim3A_1970 = vector.shape_cast %get3A_1969 : vector<1x256xf32> to vector<1x256xf32>
    %broadcast_in_dim3A_1971 = vector.broadcast %broadcast_in_dim3A_1970 : vector<1x256xf32> to vector<32x256xf32>
    %swap3A_1972 = arith.constant 28 : index
    %swap3A_1973 = arith.constant 96 : index
    %swap3A_1974 = arith.constant 0 : index
    %swap3A_1975 = vector.load %arg10[%swap3A_1972, %swap3A_1973, %swap3A_1974] : memref<69x128x256xf32, #tpu.memory_space<vmem>>, vector<1x32x256xf32>
    %swap3A_1976 = vector.shape_cast %swap3A_1975 : vector<1x32x256xf32> to vector<32x256xf32>
    %swap3A_1977 = vector.shape_cast %broadcast_in_dim3A_1971 : vector<32x256xf32> to vector<1x32x256xf32>
    tpu.vector_store %arg10[%swap3A_1972, %swap3A_1973, %swap3A_1974], %swap3A_1977 {strides = array<i32>} : memref<69x128x256xf32, #tpu.memory_space<vmem>>, vector<1x32x256xf32>,
    %get3A_1978 = arith.constant 3 : index
    %get3A_1979 = arith.constant 3 : index
    %get3A_1980 = arith.constant 0 : index
    %get3A_1981 = vector.load %arg6[%get3A_1978, %get3A_1979, %get3A_1980] : memref<4x8x256xf32, #tpu.memory_space<vmem>>, vector<1x1x256xf32>
    %get3A_1982 = vector.shape_cast %get3A_1981 : vector<1x1x256xf32> to vector<1x256xf32>
    %broadcast_in_dim3A_1983 = vector.shape_cast %get3A_1982 : vector<1x256xf32> to vector<1x256xf32>
    %broadcast_in_dim3A_1984 = vector.broadcast %broadcast_in_dim3A_1983 : vector<1x256xf32> to vector<32x256xf32>
    %swap3A_1985 = arith.constant 21 : index
    %swap3A_1986 = arith.constant 96 : index
    %swap3A_1987 = arith.constant 0 : index
    %swap3A_1988 = vector.load %arg10[%swap3A_1985, %swap3A_1986, %swap3A_1987] : memref<69x128x256xf32, #tpu.memory_space<vmem>>, vector<1x32x256xf32>
    %swap3A_1989 = vector.shape_cast %swap3A_1988 : vector<1x32x256xf32> to vector<32x256xf32>
    %swap3A_1990 = vector.shape_cast %broadcast_in_dim3A_1984 : vector<32x256xf32> to vector<1x32x256xf32>
    tpu.vector_store %arg10[%swap3A_1985, %swap3A_1986, %swap3A_1987], %swap3A_1990 {strides = array<i32>} : memref<69x128x256xf32, #tpu.memory_space<vmem>>, vector<1x32x256xf32>,
    %get3A_1991 = arith.constant 3 : index
    %get3A_1992 = arith.constant 3 : index
    %get3A_1993 = arith.constant 0 : index
    %get3A_1994 = vector.load %arg7[%get3A_1991, %get3A_1992, %get3A_1993] : memref<4x8x256xf32, #tpu.memory_space<vmem>>, vector<1x1x256xf32>
    %get3A_1995 = vector.shape_cast %get3A_1994 : vector<1x1x256xf32> to vector<1x256xf32>
    %broadcast_in_dim3A_1996 = vector.shape_cast %get3A_1995 : vector<1x256xf32> to vector<1x256xf32>
    %broadcast_in_dim3A_1997 = vector.broadcast %broadcast_in_dim3A_1996 : vector<1x256xf32> to vector<32x256xf32>
    %swap3A_1998 = arith.constant 29 : index
    %swap3A_1999 = arith.constant 96 : index
    %swap3A_2000 = arith.constant 0 : index
    %swap3A_2001 = vector.load %arg10[%swap3A_1998, %swap3A_1999, %swap3A_2000] : memref<69x128x256xf32, #tpu.memory_space<vmem>>, vector<1x32x256xf32>
    %swap3A_2002 = vector.shape_cast %swap3A_2001 : vector<1x32x256xf32> to vector<32x256xf32>
    %swap3A_2003 = vector.shape_cast %broadcast_in_dim3A_1997 : vector<32x256xf32> to vector<1x32x256xf32>
    tpu.vector_store %arg10[%swap3A_1998, %swap3A_1999, %swap3A_2000], %swap3A_2003 {strides = array<i32>} : memref<69x128x256xf32, #tpu.memory_space<vmem>>, vector<1x32x256xf32>,
    %get3A_2004 = arith.constant 3 : index
    %get3A_2005 = arith.constant 4 : index
    %get3A_2006 = arith.constant 0 : index
    %get3A_2007 = vector.load %arg6[%get3A_2004, %get3A_2005, %get3A_2006] : memref<4x8x256xf32, #tpu.memory_space<vmem>>, vector<1x1x256xf32>
    %get3A_2008 = vector.shape_cast %get3A_2007 : vector<1x1x256xf32> to vector<1x256xf32>
    %broadcast_in_dim3A_2009 = vector.shape_cast %get3A_2008 : vector<1x256xf32> to vector<1x256xf32>
    %broadcast_in_dim3A_2010 = vector.broadcast %broadcast_in_dim3A_2009 : vector<1x256xf32> to vector<32x256xf32>
    %swap3A_2011 = arith.constant 22 : index
    %swap3A_2012 = arith.constant 96 : index
    %swap3A_2013 = arith.constant 0 : index
    %swap3A_2014 = vector.load %arg10[%swap3A_2011, %swap3A_2012, %swap3A_2013] : memref<69x128x256xf32, #tpu.memory_space<vmem>>, vector<1x32x256xf32>
    %swap3A_2015 = vector.shape_cast %swap3A_2014 : vector<1x32x256xf32> to vector<32x256xf32>
    %swap3A_2016 = vector.shape_cast %broadcast_in_dim3A_2010 : vector<32x256xf32> to vector<1x32x256xf32>
    tpu.vector_store %arg10[%swap3A_2011, %swap3A_2012, %swap3A_2013], %swap3A_2016 {strides = array<i32>} : memref<69x128x256xf32, #tpu.memory_space<vmem>>, vector<1x32x256xf32>,
    %get3A_2017 = arith.constant 3 : index
    %get3A_2018 = arith.constant 4 : index
    %get3A_2019 = arith.constant 0 : index
    %get3A_2020 = vector.load %arg7[%get3A_2017, %get3A_2018, %get3A_2019] : memref<4x8x256xf32, #tpu.memory_space<vmem>>, vector<1x1x256xf32>
    %get3A_2021 = vector.shape_cast %get3A_2020 : vector<1x1x256xf32> to vector<1x256xf32>
    %broadcast_in_dim3A_2022 = vector.shape_cast %get3A_2021 : vector<1x256xf32> to vector<1x256xf32>
    %broadcast_in_dim3A_2023 = vector.broadcast %broadcast_in_dim3A_2022 : vector<1x256xf32> to vector<32x256xf32>
    %swap3A_2024 = arith.constant 30 : index
    %swap3A_2025 = arith.constant 96 : index
    %swap3A_2026 = arith.constant 0 : index
    %swap3A_2027 = vector.load %arg10[%swap3A_2024, %swap3A_2025, %swap3A_2026] : memref<69x128x256xf32, #tpu.memory_space<vmem>>, vector<1x32x256xf32>
    %swap3A_2028 = vector.shape_cast %swap3A_2027 : vector<1x32x256xf32> to vector<32x256xf32>
    %swap3A_2029 = vector.shape_cast %broadcast_in_dim3A_2023 : vector<32x256xf32> to vector<1x32x256xf32>
    tpu.vector_store %arg10[%swap3A_2024, %swap3A_2025, %swap3A_2026], %swap3A_2029 {strides = array<i32>} : memref<69x128x256xf32, #tpu.memory_space<vmem>>, vector<1x32x256xf32>,
    %get3A_2030 = arith.constant 3 : index
    %get3A_2031 = arith.constant 5 : index
    %get3A_2032 = arith.constant 0 : index
    %get3A_2033 = vector.load %arg6[%get3A_2030, %get3A_2031, %get3A_2032] : memref<4x8x256xf32, #tpu.memory_space<vmem>>, vector<1x1x256xf32>
    %get3A_2034 = vector.shape_cast %get3A_2033 : vector<1x1x256xf32> to vector<1x256xf32>
    %broadcast_in_dim3A_2035 = vector.shape_cast %get3A_2034 : vector<1x256xf32> to vector<1x256xf32>
    %broadcast_in_dim3A_2036 = vector.broadcast %broadcast_in_dim3A_2035 : vector<1x256xf32> to vector<32x256xf32>
    %swap3A_2037 = arith.constant 23 : index
    %swap3A_2038 = arith.constant 96 : index
    %swap3A_2039 = arith.constant 0 : index
    %swap3A_2040 = vector.load %arg10[%swap3A_2037, %swap3A_2038, %swap3A_2039] : memref<69x128x256xf32, #tpu.memory_space<vmem>>, vector<1x32x256xf32>
    %swap3A_2041 = vector.shape_cast %swap3A_2040 : vector<1x32x256xf32> to vector<32x256xf32>
    %swap3A_2042 = vector.shape_cast %broadcast_in_dim3A_2036 : vector<32x256xf32> to vector<1x32x256xf32>
    tpu.vector_store %arg10[%swap3A_2037, %swap3A_2038, %swap3A_2039], %swap3A_2042 {strides = array<i32>} : memref<69x128x256xf32, #tpu.memory_space<vmem>>, vector<1x32x256xf32>,
    %get3A_2043 = arith.constant 3 : index
    %get3A_2044 = arith.constant 5 : index
    %get3A_2045 = arith.constant 0 : index
    %get3A_2046 = vector.load %arg7[%get3A_2043, %get3A_2044, %get3A_2045] : memref<4x8x256xf32, #tpu.memory_space<vmem>>, vector<1x1x256xf32>
    %get3A_2047 = vector.shape_cast %get3A_2046 : vector<1x1x256xf32> to vector<1x256xf32>
    %broadcast_in_dim3A_2048 = vector.shape_cast %get3A_2047 : vector<1x256xf32> to vector<1x256xf32>
    %broadcast_in_dim3A_2049 = vector.broadcast %broadcast_in_dim3A_2048 : vector<1x256xf32> to vector<32x256xf32>
    %swap3A_2050 = arith.constant 31 : index
    %swap3A_2051 = arith.constant 96 : index
    %swap3A_2052 = arith.constant 0 : index
    %swap3A_2053 = vector.load %arg10[%swap3A_2050, %swap3A_2051, %swap3A_2052] : memref<69x128x256xf32, #tpu.memory_space<vmem>>, vector<1x32x256xf32>
    %swap3A_2054 = vector.shape_cast %swap3A_2053 : vector<1x32x256xf32> to vector<32x256xf32>
    %swap3A_2055 = vector.shape_cast %broadcast_in_dim3A_2049 : vector<32x256xf32> to vector<1x32x256xf32>
    tpu.vector_store %arg10[%swap3A_2050, %swap3A_2051, %swap3A_2052], %swap3A_2055 {strides = array<i32>} : memref<69x128x256xf32, #tpu.memory_space<vmem>>, vector<1x32x256xf32>,
    %get3A_2056 = arith.constant 3 : index
    %get3A_2057 = arith.constant 6 : index
    %get3A_2058 = arith.constant 0 : index
    %get3A_2059 = vector.load %arg6[%get3A_2056, %get3A_2057, %get3A_2058] : memref<4x8x256xf32, #tpu.memory_space<vmem>>, vector<1x1x256xf32>
    %get3A_2060 = vector.shape_cast %get3A_2059 : vector<1x1x256xf32> to vector<1x256xf32>
    %broadcast_in_dim3A_2061 = vector.shape_cast %get3A_2060 : vector<1x256xf32> to vector<1x256xf32>
    %broadcast_in_dim3A_2062 = vector.broadcast %broadcast_in_dim3A_2061 : vector<1x256xf32> to vector<32x256xf32>
    %swap3A_2063 = arith.constant 24 : index
    %swap3A_2064 = arith.constant 96 : index
    %swap3A_2065 = arith.constant 0 : index
    %swap3A_2066 = vector.load %arg10[%swap3A_2063, %swap3A_2064, %swap3A_2065] : memref<69x128x256xf32, #tpu.memory_space<vmem>>, vector<1x32x256xf32>
    %swap3A_2067 = vector.shape_cast %swap3A_2066 : vector<1x32x256xf32> to vector<32x256xf32>
    %swap3A_2068 = vector.shape_cast %broadcast_in_dim3A_2062 : vector<32x256xf32> to vector<1x32x256xf32>
    tpu.vector_store %arg10[%swap3A_2063, %swap3A_2064, %swap3A_2065], %swap3A_2068 {strides = array<i32>} : memref<69x128x256xf32, #tpu.memory_space<vmem>>, vector<1x32x256xf32>,
    %get3A_2069 = arith.constant 3 : index
    %get3A_2070 = arith.constant 6 : index
    %get3A_2071 = arith.constant 0 : index
    %get3A_2072 = vector.load %arg7[%get3A_2069, %get3A_2070, %get3A_2071] : memref<4x8x256xf32, #tpu.memory_space<vmem>>, vector<1x1x256xf32>
    %get3A_2073 = vector.shape_cast %get3A_2072 : vector<1x1x256xf32> to vector<1x256xf32>
    %broadcast_in_dim3A_2074 = vector.shape_cast %get3A_2073 : vector<1x256xf32> to vector<1x256xf32>
    %broadcast_in_dim3A_2075 = vector.broadcast %broadcast_in_dim3A_2074 : vector<1x256xf32> to vector<32x256xf32>
    %swap3A_2076 = arith.constant 32 : index
    %swap3A_2077 = arith.constant 96 : index
    %swap3A_2078 = arith.constant 0 : index
    %swap3A_2079 = vector.load %arg10[%swap3A_2076, %swap3A_2077, %swap3A_2078] : memref<69x128x256xf32, #tpu.memory_space<vmem>>, vector<1x32x256xf32>
    %swap3A_2080 = vector.shape_cast %swap3A_2079 : vector<1x32x256xf32> to vector<32x256xf32>
    %swap3A_2081 = vector.shape_cast %broadcast_in_dim3A_2075 : vector<32x256xf32> to vector<1x32x256xf32>
    tpu.vector_store %arg10[%swap3A_2076, %swap3A_2077, %swap3A_2078], %swap3A_2081 {strides = array<i32>} : memref<69x128x256xf32, #tpu.memory_space<vmem>>, vector<1x32x256xf32>,
    %get3A_2082 = arith.constant 3 : index
    %get3A_2083 = arith.constant 7 : index
    %get3A_2084 = arith.constant 0 : index
    %get3A_2085 = vector.load %arg6[%get3A_2082, %get3A_2083, %get3A_2084] : memref<4x8x256xf32, #tpu.memory_space<vmem>>, vector<1x1x256xf32>
    %get3A_2086 = vector.shape_cast %get3A_2085 : vector<1x1x256xf32> to vector<1x256xf32>
    %broadcast_in_dim3A_2087 = vector.shape_cast %get3A_2086 : vector<1x256xf32> to vector<1x256xf32>
    %broadcast_in_dim3A_2088 = vector.broadcast %broadcast_in_dim3A_2087 : vector<1x256xf32> to vector<32x256xf32>
    %swap3A_2089 = arith.constant 25 : index
    %swap3A_2090 = arith.constant 96 : index
    %swap3A_2091 = arith.constant 0 : index
    %swap3A_2092 = vector.load %arg10[%swap3A_2089, %swap3A_2090, %swap3A_2091] : memref<69x128x256xf32, #tpu.memory_space<vmem>>, vector<1x32x256xf32>
    %swap3A_2093 = vector.shape_cast %swap3A_2092 : vector<1x32x256xf32> to vector<32x256xf32>
    %swap3A_2094 = vector.shape_cast %broadcast_in_dim3A_2088 : vector<32x256xf32> to vector<1x32x256xf32>
    tpu.vector_store %arg10[%swap3A_2089, %swap3A_2090, %swap3A_2091], %swap3A_2094 {strides = array<i32>} : memref<69x128x256xf32, #tpu.memory_space<vmem>>, vector<1x32x256xf32>,
    %get3A_2095 = arith.constant 3 : index
    %get3A_2096 = arith.constant 7 : index
    %get3A_2097 = arith.constant 0 : index
    %get3A_2098 = vector.load %arg7[%get3A_2095, %get3A_2096, %get3A_2097] : memref<4x8x256xf32, #tpu.memory_space<vmem>>, vector<1x1x256xf32>
    %get3A_2099 = vector.shape_cast %get3A_2098 : vector<1x1x256xf32> to vector<1x256xf32>
    %broadcast_in_dim3A_2100 = vector.shape_cast %get3A_2099 : vector<1x256xf32> to vector<1x256xf32>
    %broadcast_in_dim3A_2101 = vector.broadcast %broadcast_in_dim3A_2100 : vector<1x256xf32> to vector<32x256xf32>
    %swap3A_2102 = arith.constant 33 : index
    %swap3A_2103 = arith.constant 96 : index
    %swap3A_2104 = arith.constant 0 : index
    %swap3A_2105 = vector.load %arg10[%swap3A_2102, %swap3A_2103, %swap3A_2104] : memref<69x128x256xf32, #tpu.memory_space<vmem>>, vector<1x32x256xf32>
    %swap3A_2106 = vector.shape_cast %swap3A_2105 : vector<1x32x256xf32> to vector<32x256xf32>
    %swap3A_2107 = vector.shape_cast %broadcast_in_dim3A_2101 : vector<32x256xf32> to vector<1x32x256xf32>
    tpu.vector_store %arg10[%swap3A_2102, %swap3A_2103, %swap3A_2104], %swap3A_2107 {strides = array<i32>} : memref<69x128x256xf32, #tpu.memory_space<vmem>>, vector<1x32x256xf32>,
    %get3A_2108 = arith.constant 3 : index
    %get3A_2109 = arith.constant 0 : index
    %get3A_2110 = arith.constant 0 : index
    %get3A_2111 = vector.load %arg8[%get3A_2108, %get3A_2109, %get3A_2110] : memref<4x256x128xf32, #tpu.memory_space<vmem>>, vector<1x256x128xf32>
    %get3A_2112 = vector.shape_cast %get3A_2111 : vector<1x256x128xf32> to vector<256x128xf32>
    %slice3A_2113 = vector.extract_strided_slice %get3A_2112 {offsets = [0, 0], sizes = [256, 16], strides = [1, 1]} : vector<256x128xf32> to vector<256x16xf32>
    %transpose3A_2114 = tpu.transpose %slice3A_2113, [1, 0] : vector<256x16xf32> -> vector<16x256xf32>
    %slice3A_2115 = vector.extract_strided_slice %transpose3A_2114 {offsets = [0, 0], sizes = [1, 256], strides = [1, 1]} : vector<16x256xf32> to vector<1x256xf32>
    %broadcast_in_dim3A_2116 = vector.shape_cast %slice3A_2115 : vector<1x256xf32> to vector<1x256xf32>
    %broadcast_in_dim3A_2117 = vector.broadcast %broadcast_in_dim3A_2116 : vector<1x256xf32> to vector<32x256xf32>
    %swap3A_2118 = arith.constant 52 : index
    %swap3A_2119 = arith.constant 96 : index
    %swap3A_2120 = arith.constant 0 : index
    %swap3A_2121 = vector.load %arg10[%swap3A_2118, %swap3A_2119, %swap3A_2120] : memref<69x128x256xf32, #tpu.memory_space<vmem>>, vector<1x32x256xf32>
    %swap3A_2122 = vector.shape_cast %swap3A_2121 : vector<1x32x256xf32> to vector<32x256xf32>
    %swap3A_2123 = vector.shape_cast %broadcast_in_dim3A_2117 : vector<32x256xf32> to vector<1x32x256xf32>
    tpu.vector_store %arg10[%swap3A_2118, %swap3A_2119, %swap3A_2120], %swap3A_2123 {strides = array<i32>} : memref<69x128x256xf32, #tpu.memory_space<vmem>>, vector<1x32x256xf32>,
    %slice3A_2124 = vector.extract_strided_slice %transpose3A_2114 {offsets = [1, 0], sizes = [1, 256], strides = [1, 1]} : vector<16x256xf32> to vector<1x256xf32>
    %broadcast_in_dim3A_2125 = vector.shape_cast %slice3A_2124 : vector<1x256xf32> to vector<1x256xf32>
    %broadcast_in_dim3A_2126 = vector.broadcast %broadcast_in_dim3A_2125 : vector<1x256xf32> to vector<32x256xf32>
    %swap3A_2127 = arith.constant 53 : index
    %swap3A_2128 = arith.constant 96 : index
    %swap3A_2129 = arith.constant 0 : index
    %swap3A_2130 = vector.load %arg10[%swap3A_2127, %swap3A_2128, %swap3A_2129] : memref<69x128x256xf32, #tpu.memory_space<vmem>>, vector<1x32x256xf32>
    %swap3A_2131 = vector.shape_cast %swap3A_2130 : vector<1x32x256xf32> to vector<32x256xf32>
    %swap3A_2132 = vector.shape_cast %broadcast_in_dim3A_2126 : vector<32x256xf32> to vector<1x32x256xf32>
    tpu.vector_store %arg10[%swap3A_2127, %swap3A_2128, %swap3A_2129], %swap3A_2132 {strides = array<i32>} : memref<69x128x256xf32, #tpu.memory_space<vmem>>, vector<1x32x256xf32>,
    %slice3A_2133 = vector.extract_strided_slice %transpose3A_2114 {offsets = [2, 0], sizes = [1, 256], strides = [1, 1]} : vector<16x256xf32> to vector<1x256xf32>
    %broadcast_in_dim3A_2134 = vector.shape_cast %slice3A_2133 : vector<1x256xf32> to vector<1x256xf32>
    %broadcast_in_dim3A_2135 = vector.broadcast %broadcast_in_dim3A_2134 : vector<1x256xf32> to vector<32x256xf32>
    %swap3A_2136 = arith.constant 54 : index
    %swap3A_2137 = arith.constant 96 : index
    %swap3A_2138 = arith.constant 0 : index
    %swap3A_2139 = vector.load %arg10[%swap3A_2136, %swap3A_2137, %swap3A_2138] : memref<69x128x256xf32, #tpu.memory_space<vmem>>, vector<1x32x256xf32>
    %swap3A_2140 = vector.shape_cast %swap3A_2139 : vector<1x32x256xf32> to vector<32x256xf32>
    %swap3A_2141 = vector.shape_cast %broadcast_in_dim3A_2135 : vector<32x256xf32> to vector<1x32x256xf32>
    tpu.vector_store %arg10[%swap3A_2136, %swap3A_2137, %swap3A_2138], %swap3A_2141 {strides = array<i32>} : memref<69x128x256xf32, #tpu.memory_space<vmem>>, vector<1x32x256xf32>,
    %slice3A_2142 = vector.extract_strided_slice %transpose3A_2114 {offsets = [3, 0], sizes = [1, 256], strides = [1, 1]} : vector<16x256xf32> to vector<1x256xf32>
    %broadcast_in_dim3A_2143 = vector.shape_cast %slice3A_2142 : vector<1x256xf32> to vector<1x256xf32>
    %broadcast_in_dim3A_2144 = vector.broadcast %broadcast_in_dim3A_2143 : vector<1x256xf32> to vector<32x256xf32>
    %swap3A_2145 = arith.constant 55 : index
    %swap3A_2146 = arith.constant 96 : index
    %swap3A_2147 = arith.constant 0 : index
    %swap3A_2148 = vector.load %arg10[%swap3A_2145, %swap3A_2146, %swap3A_2147] : memref<69x128x256xf32, #tpu.memory_space<vmem>>, vector<1x32x256xf32>
    %swap3A_2149 = vector.shape_cast %swap3A_2148 : vector<1x32x256xf32> to vector<32x256xf32>
    %swap3A_2150 = vector.shape_cast %broadcast_in_dim3A_2144 : vector<32x256xf32> to vector<1x32x256xf32>
    tpu.vector_store %arg10[%swap3A_2145, %swap3A_2146, %swap3A_2147], %swap3A_2150 {strides = array<i32>} : memref<69x128x256xf32, #tpu.memory_space<vmem>>, vector<1x32x256xf32>,
    %slice3A_2151 = vector.extract_strided_slice %transpose3A_2114 {offsets = [4, 0], sizes = [1, 256], strides = [1, 1]} : vector<16x256xf32> to vector<1x256xf32>
    %broadcast_in_dim3A_2152 = vector.shape_cast %slice3A_2151 : vector<1x256xf32> to vector<1x256xf32>
    %broadcast_in_dim3A_2153 = vector.broadcast %broadcast_in_dim3A_2152 : vector<1x256xf32> to vector<32x256xf32>
    %swap3A_2154 = arith.constant 56 : index
    %swap3A_2155 = arith.constant 96 : index
    %swap3A_2156 = arith.constant 0 : index
    %swap3A_2157 = vector.load %arg10[%swap3A_2154, %swap3A_2155, %swap3A_2156] : memref<69x128x256xf32, #tpu.memory_space<vmem>>, vector<1x32x256xf32>
    %swap3A_2158 = vector.shape_cast %swap3A_2157 : vector<1x32x256xf32> to vector<32x256xf32>
    %swap3A_2159 = vector.shape_cast %broadcast_in_dim3A_2153 : vector<32x256xf32> to vector<1x32x256xf32>
    tpu.vector_store %arg10[%swap3A_2154, %swap3A_2155, %swap3A_2156], %swap3A_2159 {strides = array<i32>} : memref<69x128x256xf32, #tpu.memory_space<vmem>>, vector<1x32x256xf32>,
    %slice3A_2160 = vector.extract_strided_slice %transpose3A_2114 {offsets = [5, 0], sizes = [1, 256], strides = [1, 1]} : vector<16x256xf32> to vector<1x256xf32>
    %broadcast_in_dim3A_2161 = vector.shape_cast %slice3A_2160 : vector<1x256xf32> to vector<1x256xf32>
    %broadcast_in_dim3A_2162 = vector.broadcast %broadcast_in_dim3A_2161 : vector<1x256xf32> to vector<32x256xf32>
    %swap3A_2163 = arith.constant 57 : index
    %swap3A_2164 = arith.constant 96 : index
    %swap3A_2165 = arith.constant 0 : index
    %swap3A_2166 = vector.load %arg10[%swap3A_2163, %swap3A_2164, %swap3A_2165] : memref<69x128x256xf32, #tpu.memory_space<vmem>>, vector<1x32x256xf32>
    %swap3A_2167 = vector.shape_cast %swap3A_2166 : vector<1x32x256xf32> to vector<32x256xf32>
    %swap3A_2168 = vector.shape_cast %broadcast_in_dim3A_2162 : vector<32x256xf32> to vector<1x32x256xf32>
    tpu.vector_store %arg10[%swap3A_2163, %swap3A_2164, %swap3A_2165], %swap3A_2168 {strides = array<i32>} : memref<69x128x256xf32, #tpu.memory_space<vmem>>, vector<1x32x256xf32>,
    %slice3A_2169 = vector.extract_strided_slice %transpose3A_2114 {offsets = [6, 0], sizes = [1, 256], strides = [1, 1]} : vector<16x256xf32> to vector<1x256xf32>
    %broadcast_in_dim3A_2170 = vector.shape_cast %slice3A_2169 : vector<1x256xf32> to vector<1x256xf32>
    %broadcast_in_dim3A_2171 = vector.broadcast %broadcast_in_dim3A_2170 : vector<1x256xf32> to vector<32x256xf32>
    %swap3A_2172 = arith.constant 58 : index
    %swap3A_2173 = arith.constant 96 : index
    %swap3A_2174 = arith.constant 0 : index
    %swap3A_2175 = vector.load %arg10[%swap3A_2172, %swap3A_2173, %swap3A_2174] : memref<69x128x256xf32, #tpu.memory_space<vmem>>, vector<1x32x256xf32>
    %swap3A_2176 = vector.shape_cast %swap3A_2175 : vector<1x32x256xf32> to vector<32x256xf32>
    %swap3A_2177 = vector.shape_cast %broadcast_in_dim3A_2171 : vector<32x256xf32> to vector<1x32x256xf32>
    tpu.vector_store %arg10[%swap3A_2172, %swap3A_2173, %swap3A_2174], %swap3A_2177 {strides = array<i32>} : memref<69x128x256xf32, #tpu.memory_space<vmem>>, vector<1x32x256xf32>,
    %slice3A_2178 = vector.extract_strided_slice %transpose3A_2114 {offsets = [7, 0], sizes = [1, 256], strides = [1, 1]} : vector<16x256xf32> to vector<1x256xf32>
    %broadcast_in_dim3A_2179 = vector.shape_cast %slice3A_2178 : vector<1x256xf32> to vector<1x256xf32>
    %broadcast_in_dim3A_2180 = vector.broadcast %broadcast_in_dim3A_2179 : vector<1x256xf32> to vector<32x256xf32>
    %swap3A_2181 = arith.constant 59 : index
    %swap3A_2182 = arith.constant 96 : index
    %swap3A_2183 = arith.constant 0 : index
    %swap3A_2184 = vector.load %arg10[%swap3A_2181, %swap3A_2182, %swap3A_2183] : memref<69x128x256xf32, #tpu.memory_space<vmem>>, vector<1x32x256xf32>
    %swap3A_2185 = vector.shape_cast %swap3A_2184 : vector<1x32x256xf32> to vector<32x256xf32>
    %swap3A_2186 = vector.shape_cast %broadcast_in_dim3A_2180 : vector<32x256xf32> to vector<1x32x256xf32>
    tpu.vector_store %arg10[%swap3A_2181, %swap3A_2182, %swap3A_2183], %swap3A_2186 {strides = array<i32>} : memref<69x128x256xf32, #tpu.memory_space<vmem>>, vector<1x32x256xf32>,
    %slice3A_2187 = vector.extract_strided_slice %transpose3A_2114 {offsets = [8, 0], sizes = [1, 256], strides = [1, 1]} : vector<16x256xf32> to vector<1x256xf32>
    %broadcast_in_dim3A_2188 = vector.shape_cast %slice3A_2187 : vector<1x256xf32> to vector<1x256xf32>
    %broadcast_in_dim3A_2189 = vector.broadcast %broadcast_in_dim3A_2188 : vector<1x256xf32> to vector<32x256xf32>
    %swap3A_2190 = arith.constant 60 : index
    %swap3A_2191 = arith.constant 96 : index
    %swap3A_2192 = arith.constant 0 : index
    %swap3A_2193 = vector.load %arg10[%swap3A_2190, %swap3A_2191, %swap3A_2192] : memref<69x128x256xf32, #tpu.memory_space<vmem>>, vector<1x32x256xf32>
    %swap3A_2194 = vector.shape_cast %swap3A_2193 : vector<1x32x256xf32> to vector<32x256xf32>
    %swap3A_2195 = vector.shape_cast %broadcast_in_dim3A_2189 : vector<32x256xf32> to vector<1x32x256xf32>
    tpu.vector_store %arg10[%swap3A_2190, %swap3A_2191, %swap3A_2192], %swap3A_2195 {strides = array<i32>} : memref<69x128x256xf32, #tpu.memory_space<vmem>>, vector<1x32x256xf32>,
    %slice3A_2196 = vector.extract_strided_slice %transpose3A_2114 {offsets = [9, 0], sizes = [1, 256], strides = [1, 1]} : vector<16x256xf32> to vector<1x256xf32>
    %broadcast_in_dim3A_2197 = vector.shape_cast %slice3A_2196 : vector<1x256xf32> to vector<1x256xf32>
    %broadcast_in_dim3A_2198 = vector.broadcast %broadcast_in_dim3A_2197 : vector<1x256xf32> to vector<32x256xf32>
    %swap3A_2199 = arith.constant 61 : index
    %swap3A_2200 = arith.constant 96 : index
    %swap3A_2201 = arith.constant 0 : index
    %swap3A_2202 = vector.load %arg10[%swap3A_2199, %swap3A_2200, %swap3A_2201] : memref<69x128x256xf32, #tpu.memory_space<vmem>>, vector<1x32x256xf32>
    %swap3A_2203 = vector.shape_cast %swap3A_2202 : vector<1x32x256xf32> to vector<32x256xf32>
    %swap3A_2204 = vector.shape_cast %broadcast_in_dim3A_2198 : vector<32x256xf32> to vector<1x32x256xf32>
    tpu.vector_store %arg10[%swap3A_2199, %swap3A_2200, %swap3A_2201], %swap3A_2204 {strides = array<i32>} : memref<69x128x256xf32, #tpu.memory_space<vmem>>, vector<1x32x256xf32>,
    %slice3A_2205 = vector.extract_strided_slice %transpose3A_2114 {offsets = [10, 0], sizes = [1, 256], strides = [1, 1]} : vector<16x256xf32> to vector<1x256xf32>
    %broadcast_in_dim3A_2206 = vector.shape_cast %slice3A_2205 : vector<1x256xf32> to vector<1x256xf32>
    %broadcast_in_dim3A_2207 = vector.broadcast %broadcast_in_dim3A_2206 : vector<1x256xf32> to vector<32x256xf32>
    %swap3A_2208 = arith.constant 62 : index
    %swap3A_2209 = arith.constant 96 : index
    %swap3A_2210 = arith.constant 0 : index
    %swap3A_2211 = vector.load %arg10[%swap3A_2208, %swap3A_2209, %swap3A_2210] : memref<69x128x256xf32, #tpu.memory_space<vmem>>, vector<1x32x256xf32>
    %swap3A_2212 = vector.shape_cast %swap3A_2211 : vector<1x32x256xf32> to vector<32x256xf32>
    %swap3A_2213 = vector.shape_cast %broadcast_in_dim3A_2207 : vector<32x256xf32> to vector<1x32x256xf32>
    tpu.vector_store %arg10[%swap3A_2208, %swap3A_2209, %swap3A_2210], %swap3A_2213 {strides = array<i32>} : memref<69x128x256xf32, #tpu.memory_space<vmem>>, vector<1x32x256xf32>,
    %slice3A_2214 = vector.extract_strided_slice %transpose3A_2114 {offsets = [11, 0], sizes = [1, 256], strides = [1, 1]} : vector<16x256xf32> to vector<1x256xf32>
    %broadcast_in_dim3A_2215 = vector.shape_cast %slice3A_2214 : vector<1x256xf32> to vector<1x256xf32>
    %broadcast_in_dim3A_2216 = vector.broadcast %broadcast_in_dim3A_2215 : vector<1x256xf32> to vector<32x256xf32>
    %swap3A_2217 = arith.constant 63 : index
    %swap3A_2218 = arith.constant 96 : index
    %swap3A_2219 = arith.constant 0 : index
    %swap3A_2220 = vector.load %arg10[%swap3A_2217, %swap3A_2218, %swap3A_2219] : memref<69x128x256xf32, #tpu.memory_space<vmem>>, vector<1x32x256xf32>
    %swap3A_2221 = vector.shape_cast %swap3A_2220 : vector<1x32x256xf32> to vector<32x256xf32>
    %swap3A_2222 = vector.shape_cast %broadcast_in_dim3A_2216 : vector<32x256xf32> to vector<1x32x256xf32>
    tpu.vector_store %arg10[%swap3A_2217, %swap3A_2218, %swap3A_2219], %swap3A_2222 {strides = array<i32>} : memref<69x128x256xf32, #tpu.memory_space<vmem>>, vector<1x32x256xf32>,
    %slice3A_2223 = vector.extract_strided_slice %transpose3A_2114 {offsets = [12, 0], sizes = [1, 256], strides = [1, 1]} : vector<16x256xf32> to vector<1x256xf32>
    %broadcast_in_dim3A_2224 = vector.shape_cast %slice3A_2223 : vector<1x256xf32> to vector<1x256xf32>
    %broadcast_in_dim3A_2225 = vector.broadcast %broadcast_in_dim3A_2224 : vector<1x256xf32> to vector<32x256xf32>
    %swap3A_2226 = arith.constant 64 : index
    %swap3A_2227 = arith.constant 96 : index
    %swap3A_2228 = arith.constant 0 : index
    %swap3A_2229 = vector.load %arg10[%swap3A_2226, %swap3A_2227, %swap3A_2228] : memref<69x128x256xf32, #tpu.memory_space<vmem>>, vector<1x32x256xf32>
    %swap3A_2230 = vector.shape_cast %swap3A_2229 : vector<1x32x256xf32> to vector<32x256xf32>
    %swap3A_2231 = vector.shape_cast %broadcast_in_dim3A_2225 : vector<32x256xf32> to vector<1x32x256xf32>
    tpu.vector_store %arg10[%swap3A_2226, %swap3A_2227, %swap3A_2228], %swap3A_2231 {strides = array<i32>} : memref<69x128x256xf32, #tpu.memory_space<vmem>>, vector<1x32x256xf32>,
    %slice3A_2232 = vector.extract_strided_slice %transpose3A_2114 {offsets = [13, 0], sizes = [1, 256], strides = [1, 1]} : vector<16x256xf32> to vector<1x256xf32>
    %broadcast_in_dim3A_2233 = vector.shape_cast %slice3A_2232 : vector<1x256xf32> to vector<1x256xf32>
    %broadcast_in_dim3A_2234 = vector.broadcast %broadcast_in_dim3A_2233 : vector<1x256xf32> to vector<32x256xf32>
    %swap3A_2235 = arith.constant 65 : index
    %swap3A_2236 = arith.constant 96 : index
    %swap3A_2237 = arith.constant 0 : index
    %swap3A_2238 = vector.load %arg10[%swap3A_2235, %swap3A_2236, %swap3A_2237] : memref<69x128x256xf32, #tpu.memory_space<vmem>>, vector<1x32x256xf32>
    %swap3A_2239 = vector.shape_cast %swap3A_2238 : vector<1x32x256xf32> to vector<32x256xf32>
    %swap3A_2240 = vector.shape_cast %broadcast_in_dim3A_2234 : vector<32x256xf32> to vector<1x32x256xf32>
    tpu.vector_store %arg10[%swap3A_2235, %swap3A_2236, %swap3A_2237], %swap3A_2240 {strides = array<i32>} : memref<69x128x256xf32, #tpu.memory_space<vmem>>, vector<1x32x256xf32>,
    %slice3A_2241 = vector.extract_strided_slice %transpose3A_2114 {offsets = [14, 0], sizes = [1, 256], strides = [1, 1]} : vector<16x256xf32> to vector<1x256xf32>
    %broadcast_in_dim3A_2242 = vector.shape_cast %slice3A_2241 : vector<1x256xf32> to vector<1x256xf32>
    %broadcast_in_dim3A_2243 = vector.broadcast %broadcast_in_dim3A_2242 : vector<1x256xf32> to vector<32x256xf32>
    %swap3A_2244 = arith.constant 66 : index
    %swap3A_2245 = arith.constant 96 : index
    %swap3A_2246 = arith.constant 0 : index
    %swap3A_2247 = vector.load %arg10[%swap3A_2244, %swap3A_2245, %swap3A_2246] : memref<69x128x256xf32, #tpu.memory_space<vmem>>, vector<1x32x256xf32>
    %swap3A_2248 = vector.shape_cast %swap3A_2247 : vector<1x32x256xf32> to vector<32x256xf32>
    %swap3A_2249 = vector.shape_cast %broadcast_in_dim3A_2243 : vector<32x256xf32> to vector<1x32x256xf32>
    tpu.vector_store %arg10[%swap3A_2244, %swap3A_2245, %swap3A_2246], %swap3A_2249 {strides = array<i32>} : memref<69x128x256xf32, #tpu.memory_space<vmem>>, vector<1x32x256xf32>,
    %slice3A_2250 = vector.extract_strided_slice %transpose3A_2114 {offsets = [15, 0], sizes = [1, 256], strides = [1, 1]} : vector<16x256xf32> to vector<1x256xf32>
    %broadcast_in_dim3A_2251 = vector.shape_cast %slice3A_2250 : vector<1x256xf32> to vector<1x256xf32>
    %broadcast_in_dim3A_2252 = vector.broadcast %broadcast_in_dim3A_2251 : vector<1x256xf32> to vector<32x256xf32>
    %swap3A_2253 = arith.constant 67 : index
    %swap3A_2254 = arith.constant 96 : index
    %swap3A_2255 = arith.constant 0 : index
    %swap3A_2256 = vector.load %arg10[%swap3A_2253, %swap3A_2254, %swap3A_2255] : memref<69x128x256xf32, #tpu.memory_space<vmem>>, vector<1x32x256xf32>
    %swap3A_2257 = vector.shape_cast %swap3A_2256 : vector<1x32x256xf32> to vector<32x256xf32>
    %swap3A_2258 = vector.shape_cast %broadcast_in_dim3A_2252 : vector<32x256xf32> to vector<1x32x256xf32>
    tpu.vector_store %arg10[%swap3A_2253, %swap3A_2254, %swap3A_2255], %swap3A_2258 {strides = array<i32>} : memref<69x128x256xf32, #tpu.memory_space<vmem>>, vector<1x32x256xf32>,
    %broadcast_in_dim3A_2259 = arith.constant 0.000000e+00 : f32
    %broadcast_in_dim3A_2260 = vector.broadcast %broadcast_in_dim3A_2259 : f32 to vector<18x32x256xf32>
    %swap3A_2261 = arith.constant 34 : index
    %swap3A_2262 = arith.constant 96 : index
    %swap3A_2263 = arith.constant 0 : index
    %swap3A_2264 = vector.load %arg10[%swap3A_2261, %swap3A_2262, %swap3A_2263] : memref<69x128x256xf32, #tpu.memory_space<vmem>>, vector<18x32x256xf32>
    tpu.vector_store %arg10[%swap3A_2261, %swap3A_2262, %swap3A_2263], %broadcast_in_dim3A_2260 {strides = array<i32>} : memref<69x128x256xf32, #tpu.memory_space<vmem>>, vector<18x32x256xf32>,
    %iota3A_2265 = tpu.iota {dimensions = array<i32: 0>} : vector<32x256xi32>
    %get3A_2266 = arith.constant 0 : index
    %get3A_2267 = memref.load %arg1[%get3A_2266] : memref<1xi32, #tpu.memory_space<smem>>
    %le3A_2268 = vector.broadcast %get3A_2267 : i32 to vector<32x256xi32>
    %le3A_2269 = arith.cmpi sle, %iota3A_2265, %le3A_2268 : vector<32x256xi32>
    %get3A_2270 = arith.constant 3 : index
    %get3A_2271 = arith.constant 0 : index
    %get3A_2272 = arith.constant 0 : index
    %get3A_2273 = vector.load %arg9[%get3A_2270, %get3A_2271, %get3A_2272] : memref<4x32x256xf32, #tpu.memory_space<vmem>>, vector<1x32x256xf32>
    %get3A_2274 = vector.shape_cast %get3A_2273 : vector<1x32x256xf32> to vector<32x256xf32>
    %jit3A_2275 = arith.constant 0.000000e+00 : f32
    %broadcast_in_dim3A_2276 = vector.broadcast %jit3A_2275 : f32 to vector<32x256xf32>
    %select_n3A_2277 = arith.select %le3A_2269, %get3A_2274, %broadcast_in_dim3A_2276 : vector<32x256xi1>, vector<32x256xf32>
    %swap3A_2278 = arith.constant 68 : index
    %swap3A_2279 = arith.constant 96 : index
    %swap3A_2280 = arith.constant 0 : index
    %swap3A_2281 = vector.load %arg10[%swap3A_2278, %swap3A_2279, %swap3A_2280] : memref<69x128x256xf32, #tpu.memory_space<vmem>>, vector<1x32x256xf32>
    %swap3A_2282 = vector.shape_cast %swap3A_2281 : vector<1x32x256xf32> to vector<32x256xf32>
    %swap3A_2283 = vector.shape_cast %select_n3A_2277 : vector<32x256xf32> to vector<1x32x256xf32>
    tpu.vector_store %arg10[%swap3A_2278, %swap3A_2279, %swap3A_2280], %swap3A_2283 {strides = array<i32>} : memref<69x128x256xf32, #tpu.memory_space<vmem>>, vector<1x32x256xf32>,
    return
  }
  func.func @transform_0(%arg0: i32) -> i32 {
    %c0_i32 = arith.constant 0 : i32
    %c0_i32_0 = arith.constant 0 : i32
    return %c0_i32 : i32
  }
  func.func @transform_1(%arg0: i32) -> (i32, i32, i32) {
    %c0_i32 = arith.constant 0 : i32
    %c0_i32_0 = arith.constant 0 : i32
    %c0_i32_1 = arith.constant 0 : i32
    return %arg0, %c0_i32, %c0_i32_0 : i32, i32, i32
  }
  func.func @transform_2(%arg0: i32) -> (i32, i32) {
    %c0_i32 = arith.constant 0 : i32
    %c0_i32_0 = arith.constant 0 : i32
    %c0_i32_1 = arith.constant 0 : i32
    return %c0_i32, %c0_i32_0 : i32, i32
  }
  func.func @transform_3(%arg0: i32) -> (i32, i32) {
    %c0_i32 = arith.constant 0 : i32
    %c0_i32_0 = arith.constant 0 : i32
    %c0_i32_1 = arith.constant 0 : i32
    return %c0_i32, %c0_i32_0 : i32, i32
  }
  func.func @transform_4(%arg0: i32) -> (i32, i32) {
    %c0_i32 = arith.constant 0 : i32
    %c0_i32_0 = arith.constant 0 : i32
    %c0_i32_1 = arith.constant 0 : i32
    return %c0_i32, %c0_i32_0 : i32, i32
  }
  func.func @transform_5(%arg0: i32) -> (i32, i32, i32) {
    %c0_i32 = arith.constant 0 : i32
    %c0_i32_0 = arith.constant 0 : i32
    %c0_i32_1 = arith.constant 0 : i32
    return %arg0, %c0_i32, %c0_i32_0 : i32, i32, i32
  }
  func.func @transform_6(%arg0: i32) -> (i32, i32, i32) {
    %c0_i32 = arith.constant 0 : i32
    %c0_i32_0 = arith.constant 0 : i32
    %c0_i32_1 = arith.constant 0 : i32
    return %arg0, %c0_i32, %c0_i32_0 : i32, i32, i32
  }
  func.func @transform_7(%arg0: i32) -> (i32, i32, i32) {
    %c0_i32 = arith.constant 0 : i32
    %c0_i32_0 = arith.constant 0 : i32
    %c0_i32_1 = arith.constant 0 : i32
    return %arg0, %c0_i32, %c0_i32_0 : i32, i32, i32
  }
  func.func @transform_8(%arg0: i32) -> (i32, i32, i32) {
    %c0_i32 = arith.constant 0 : i32
    %c0_i32_0 = arith.constant 0 : i32
    %c0_i32_1 = arith.constant 0 : i32
    return %arg0, %c0_i32, %c0_i32_0 : i32, i32, i32
  }
  func.func @transform_9(%arg0: i32) -> (i32, i32, i32) {
    %c0_i32 = arith.constant 0 : i32
    %c0_i32_0 = arith.constant 0 : i32
    %c0_i32_1 = arith.constant 0 : i32
    return %c0_i32, %arg0, %c0_i32_0 : i32, i32, i32
  }
}

</mosaic_0001>

<sc_bundles>
// kernel: kernel.5.cloned.1.call-start
scs
__scs_entry_jumppad:
0x0: {  	(pc) =	sbr.rel $0x88, $3  }
0x1: {  	(tag) =	ssettag $0x0;
	lr =	simm.s32 $0x1  }
0x2: {  	[smem:$0x3F97] =	sst lr;
	_ =	strace $0xD0000000  }
0x3: {  	_ = 	snop  }
0x4: {  	_ = 	snop  }
0x5: {  	_ = 	snop  }
0x6: {  	_ = 	snop  }
0x7: {  	_ = 	snop  }
__scs_overlays_trampoline_lowered:
0x8: {  	[smem:$0x3FA6] =	sst s0  }
0x9: {  	[smem:$0x3FA7] =	sst s1  }
0xa: {  	[smem:$0x3FA8] =	sst s2  }
0xb: {  	[smem:$0x3FA9] =	sst s3  }
0xc: {  	[smem:$0x3FAA] =	sst s4  }
0xd: {  	[smem:$0x3FAB] =	sst s5  }
0xe: {  	[smem:$0x3FAC] =	sst s6  }
0xf: {  	[smem:$0x3FAD] =	sst s7  }
0x10: {  	[smem:$0x3FAE] =	sst s8  }
0x11: {  	[smem:$0x3FAF] =	sst s9;
	s0 =	simm.s32 @!p0 $0x0  }
0x12: {  	s1 =	sld [smem:$0x3F95];
	s0 =	simm.s32 @p0 $0x1  }
0x13: {  	[smem:$0x3FB0] =	sst s0;
	s0 =	simm.s32 @!p1 $0x0  }
0x14: {  	s2 =	sld [smem:$0x3F94];
	s0 =	simm.s32 @p1 $0x1  }
0x15: {  	[smem:$0x3FB1] =	sst s0;
	s0 =	simm.s32 @!p2 $0x0  }
0x16: {  	s3 =	sld [smem:$0x3FDB];
	s0 =	simm.s32 @p2 $0x1  }
0x17: {  	s4 =	simm.s32 $0x1BF5;
	[smem:$0x3FB3] =	sst s0  }
0x18: {  	s0 =	sld [smem:$0x3F96];
	_ =	swait.ge [sflag:s4], $0x0  }
0x19: {  	s7 =	sld [smem:$0x3F97]  }
0x1a: {  	s8 =	sadd.s32 $0xFFFFE003, lr  }
0x1b: {  	s9 =	sadd.s32 $0xFFFFFEF7, lr;
	s5 =	simm.s32 $0xFFFFFFFF;
	p2 =	slt.u32 s8, $0xFFFFF086  }
0x1c: {  	p1 =	slt.u32 s9, $0xF7A;
	s5 =	simm.s32 @!p2 $0x0  }
0x1d: {  	s5 =	simm.s32 @p1 $0x1;
	p0 =	seq.s32 s7, s2  }
0x1e: {  	s7 =	smul.u32 @!p0 $0xF7A, s2;
	p2 =	seq.s32 @!p0 s5, $0x0  }
0x1f: {  	s9 =	smul.u32 $0xF7A, s1;
	s8 =	simm.s32 @!p0 $0x1BF5;
	p2 =	por !p2, p0  }
0x20: {  	[sflag:s8] =	ssyncset.s32 @!p0 $0xFFFFF086;
	s6 =	sadd.s32 @!p0 s3, s7;
	s7 =	simm.s32 @!p0 $0x108  }
0x21: {  	s3 =	sadd.s32 s3, s9;
	s6 =	sadd.s32 @!p0 $0x88, s6;
	s7 =	simm.s32 @p2 $0x1082  }
0x22: {  	[simem:s7], [sflag:s8] =	dma.local @!p0 [hbm:s6], $0xF7A  }
0x23: {  	s9 =	sor.u32 $0xD0000000, s2;
	s6 =	simm.s32 $0x108;
	_ =	swait.ge @!p0 [sflag:s8], $0x0  }
0x24: {  	s3 =	sadd.s32 $0x88, s3;
	s6 =	simm.s32 @!p1 $0x1082;
	[sflag:s4] =	ssyncset.s32 $0xFFFFF086  }
0x25: {  	[simem:s6], [sflag:s4] =	dma.local [hbm:s3], $0xF7A  }
0x26: {  	[smem:$0x3F97] =	sst s1;
	(tag) =	ssettag s2;
	_ =	strace s9  }
0x27: {  	s1 =	sld [smem:$0x3FA7]  }
0x28: {  	s2 =	sld [smem:$0x3FA8]  }
0x29: {  	s4 =	sld [smem:$0x3FAA]  }
0x2a: {  	p0 =	seq.s32 s5, $0x0;
	s5 =	sld [smem:$0x3FAB]  }
0x2b: {  	s6 =	sld [smem:$0x3FAC]  }
0x2c: {  	s7 =	sld [smem:$0x3FAD]  }
0x2d: {  	s3 =	simm.s32 $0x108;
	s8 =	sld [smem:$0x3FAE]  }
0x2e: {  	s3 =	simm.s32 @!p0 $0x1082;
	s9 =	sld [smem:$0x3FAF]  }
0x2f: {  	lr =	sadd.s32 s0, s3;
	s0 =	sld [smem:$0x3FA6]  }
0x30: {  	s3 =	sld [smem:$0x3FA9]  }
0x31: {  	[smem:$0x3FB2] =	sst s10  }
0x32: {  	s10 =	sld [smem:$0x3FB0];
	_ =	sdelay $0x3  }
0x33: {  	p0 =	seq.s32 s10, $0x1;
	s10 =	sld [smem:$0x3FB2];
	_ =	sdelay $0x3  }
0x34: {  	[smem:$0x3FB2] =	sst s10  }
0x35: {  	s10 =	sld [smem:$0x3FB1];
	_ =	sdelay $0x3  }
0x36: {  	p1 =	seq.s32 s10, $0x1;
	s10 =	sld [smem:$0x3FB2];
	_ =	sdelay $0x3  }
0x37: {  	[smem:$0x3FB2] =	sst s10  }
0x38: {  	s10 =	sld [smem:$0x3FB3]  }
0x39: {  	_ = 	snop;
	(pc) =	sbr.ind lr, $3  }
0x3a: {  	_ = 	snop  }
0x3b: {  	_ = 	snop  }
0x3c: {  	p2 =	seq.s32 s10, $0x1;
	s10 =	sld [smem:$0x3FB2]  }
0x3d: {  	_ =	shalt  }
0x3e: {  	_ =	shalt  }
0x3f: {  	_ =	shalt  }
0x40: {  	_ =	shalt  }
0x41: {  	_ =	shalt  }
0x42: {  	_ =	shalt  }
0x43: {  	_ =	shalt  }
0x44: {  	_ =	shalt  }
0x45: {  	_ =	shalt  }
0x46: {  	_ =	shalt  }
0x47: {  	_ =	shalt  }
0x48: {  	_ =	shalt  }
0x49: {  	_ =	shalt  }
0x4a: {  	_ =	shalt  }
0x4b: {  	_ =	shalt  }
0x4c: {  	_ =	shalt  }
0x4d: {  	_ =	shalt  }
0x4e: {  	_ =	shalt  }
0x4f: {  	_ =	shalt  }
0x50: {  	_ =	shalt  }
0x51: {  	_ =	shalt  }
0x52: {  	_ =	shalt  }
0x53: {  	_ =	shalt  }
0x54: {  	_ =	shalt  }
0x55: {  	_ =	shalt  }
0x56: {  	_ =	shalt  }
0x57: {  	_ =	shalt  }
0x58: {  	_ =	shalt  }
0x59: {  	_ =	shalt  }
0x5a: {  	_ =	shalt  }
0x5b: {  	_ =	shalt  }
0x5c: {  	_ =	shalt  }
0x5d: {  	_ =	shalt  }
0x5e: {  	_ =	shalt  }
0x5f: {  	_ =	shalt  }
0x60: {  	_ =	shalt  }
0x61: {  	_ =	shalt  }
0x62: {  	_ =	shalt  }
0x63: {  	_ =	shalt  }
0x64: {  	_ =	shalt  }
0x65: {  	_ =	shalt  }
0x66: {  	_ =	shalt  }
0x67: {  	_ =	shalt  }
0x68: {  	_ =	shalt  }
0x69: {  	_ =	shalt  }
0x6a: {  	_ =	shalt  }
0x6b: {  	_ =	shalt  }
0x6c: {  	_ =	shalt  }
0x6d: {  	_ =	shalt  }
0x6e: {  	_ =	shalt  }
0x6f: {  	_ =	shalt  }
0x70: {  	_ =	shalt  }
0x71: {  	_ =	shalt  }
0x72: {  	_ =	shalt  }
0x73: {  	_ =	shalt  }
0x74: {  	_ =	shalt  }
0x75: {  	_ =	shalt  }
0x76: {  	_ =	shalt  }
0x77: {  	_ =	shalt  }
0x78: {  	_ =	shalt  }
0x79: {  	_ =	shalt  }
0x7a: {  	_ =	shalt  }
0x7b: {  	_ =	shalt  }
0x7c: {  	_ =	shalt  }
0x7d: {  	_ =	shalt  }
0x7e: {  	_ =	shalt  }
0x7f: {  	_ =	shalt  }
0x80: {  	_ =	shalt  }
0x81: {  	_ =	shalt  }
0x82: {  	_ =	shalt  }
0x83: {  	_ =	shalt  }
0x84: {  	_ =	shalt  }
0x85: {  	_ =	shalt  }
0x86: {  	_ =	shalt  }
0x87: {  	_ =	shalt  }
.Lfunc_end0:
.L_simem_size_0:
called_computation_lowered:
.L_overlay_start_0:
0x88: {  	s2 =	sld [smem:$0x3FD9]  }
0x89: {  	s3 =	sld [smem:$0x3FFE];
	_ =	sdelay $0x1  }
0x8a: {  	s1 =	srdreg.scid  }
0x8b: {  	s0 =	sand.u32 $0x1, s1  }
0x8c: {  	s17 =	sshll.u32 s0, $0xA;
	s2 =	sadd.s32 s3, s2  }
0x8d: {  	s2 =	sadd.s32 s2, s17  }
0x8e: {  	[smem:$0x3FBE] =	sst s2  }
0x8f: {  	_ = 	snop  }
0x90: {  	s2 =	sld [smem:$0x3FC2]  }
0x91: {  	s18 =	sld [smem:$0x3FD0];
	(tm) =	ssettm $0x1  }
0x92: {  	s4 =	sld [smem:$0x3FFB];
	_ =	sdelay $0x3  }
0x93: {  	_ =	strace s4  }
0x94: {  	s4 =	sld [smem:$0x3FFC];
	_ =	sdelay $0x3  }
0x95: {  	_ =	strace s4  }
0x96: {  	s4 =	sld [smem:$0x3FFD];
	_ =	sdelay $0x3  }
0x97: {  	_ =	strace s4  }
0x98: {  	_ =	strace $0x8FFFFFFF  }
0x99: {  	s19 =	sld [smem:$0x3FDB];
	_ =	sdelay $0x1  }
0x9a: {  	s5 =	simm.s32 $_scs_section_size  }
0x9b: {  	s6 =	simm.s32 $_size__tile_overlayer_lowered;
	s7 =	simm.s32 $_tile_overlayer_lowered  }
0x9c: {  	s22 =	simm.s32 $0x1BFF;
	s21 =	sshll.u32 s7, $0x1;
	s4 =	sadd.s32 s5, s19  }
0x9d: {  	s8 =	simm.s32 $0x0;
	s20 =	sshll.u32 s6, $0x1;
	s6 =	sadd.s32 s21, s4  }
0x9e: {  	[timem:s8], [sflag:s22] =	dma.local [hbm:s6], s20  }
0x9f: {  	_ =	swait.ge [sflag:s22], s20  }
0xa0: {  	s5 =	ssub.s32 $0x0, s20;
	[sflag:s22] =	ssyncset.done $0x0  }
0xa1: {  	[sflag:s22] =	ssyncadd.s32 s5;
	_ =	sdelay $0x1  }
0xa2: {  	s23 =	simm.s32 $0x1B8B  }
0xa3: {  	_ =	swait.ge [sflag:s23], $0x1  }
0xa4: {  	[sflag:s23] =	ssyncset.done $0x0  }
0xa5: {  	s25 =	simm.s32 $0x1B8E;
	s24 =	sld [smem:$0x3FFE];
	[sflag:s23] =	ssyncadd.s32 $0xFFFFFFFF  }
0xa6: {  	s26 =	simm.s32 $execute0_lowered;
	[smem:$0x3FD2] =	sst s25  }
0xa7: {  	s6 =	sshll.u32 s26, $0x1;
	_ =	strace $0x80000046;
	[dreg:$0x1] =	wrdreg $0xFFFFFFFF  }
0xa8: {  	s28 =	simm.s32 $_size_execute0_lowered;
	s4 =	sadd.s32 s4, s6;
	[dreg:$0x0] =	wrdreg $0x0  }
0xa9: {  	s6 =	sshll.u32 s28, $0x1;
	[dreg:$0x2] =	wrdreg s4  }
0xaa: {  	[dreg:$0x3] =	wrdreg s6  }
0xab: {  	[dreg:$0x4] =	wrdreg $0xC0  }
0xac: {  	_ =	task [dreg:s8], $0x5FFFF  }
0xad: {  	[dreg:$0x1] =	wrdreg $0xFFFFFFFF  }
0xae: {  	[dreg:$0x0] =	wrdreg $0x60  }
0xaf: {  	[dreg:$0x2] =	wrdreg s24  }
0xb0: {  	[dreg:$0x3] =	wrdreg s2  }
0xb1: {  	[dreg:$0x4] =	wrdreg s18  }
0xb2: {  	[dreg:$0x5] =	wrdreg $0x9  }
0xb3: {  	_ =	task.clear_ibuf [dreg:s8], $0x6FFFF;
	_ =	strace $0x90000046  }
0xb4: {  	s29 =	simm.s32 $0x9;
	_ =	strace $0x80000048  }
0xb5: {  	_ =	swait.ge [sflag:s29], $0x1  }
0xb6: {  	[sflag:s29] =	ssyncadd.s32 $0xFFFFFFFF  }
0xb7: {  	_ =	strace $0x90000048  }
0xb8: {  	_ =	sfence  }
0xb9: {  	s30 =	sld [smem:$0x0];
	_ =	sdelay $0x2  }
0xba: {  	s31 =	sshll.u32 s1, $0xD;
	s1 =	sshrl.u32 s1, $0x2  }
0xbb: {  	s3 =	sand.u32 $0x4000, s31;
	s1 =	sadd.s32 s1, s30  }
0xbc: {  	s0 =	sor.u32 s3, s0;
	s1 =	sshll.u32 s1, $0x11  }
0xbd: {  	s0 =	sor.u32 s1, s0  }
0xbe: {  	s0 =	sadd.s32 $0x8F2B, s0  }
0xbf: {  	[sflag:s0] =	ssyncadd.remote.s32 $0x1  }
0xc0: {  	_ =	sfence.sel $0xFFFF  }
0xc1: {  	[dreg:$0x0] =	wrdreg $0xFFFFFFFF;
	(pc) =	sbr.abs _section_cstart, $3  }
0xc2: {  	[dreg:$0x1] =	wrdreg $0xFFFFFFFF  }
0xc3: {  	_ =	task.clear_ibuf [dreg:s8], $0x2FFFF;
	_ =	strace $0x9FFFFFFF  }
0xc4: {  	(tm) =	ssettm $0x7FFFFFFF  }
0xc5: {  	_ =	shalt  }
tec
execute0_lowered:
.L_overlay_start_1:
0x0: {  	(tag) =	ssettag $0x1  }
0x1: {  	s7 =	rddreg [dreg:$0x0]  }
0x2: {  	s3 =	rddreg [dreg:$0x1]  }
0x3: {  	s1 =	srdreg.scid;
	s0 =	stileid.u32  }
0x4: {  	s10 =	rddreg [dreg:$0x2];
	s6 =	simm.s32 $0x400;
	s8 =	sand.u32 $0x1, s1  }
0x5: {  	s2 =	sshll.u32 s0, $0x1;
	s1 =	rddreg [dreg:$0x3];
	s4 =	sshll.u32 s0, $0x6  }
0x6: {  	s11 =	sor.u32 s8, s2;
	s2 =	simm.s32 $0x0;
	s4 =	sand.u32 $0x300, s4  }
0x7: {  	s12 =	ssub.s32 $0x2, s8;
	s5 =	sshll.u32 s11, $0x4;
	[smem:$0x7FF] =	sst s2  }
0x8: {  	s3 =	sadd.s32 s3, s4;
	s4 =	simm.s32 $0x80;
	s5 =	sand.u32 $0x70, s5  }
0x9: {  	_ =	strace $0x80000047;
	s3 =	sadd.s32 s5, s3;
	s5 =	simm.s32 $0x2  }
0xa: {  	[tilespmem:s2], [sflag:$0x2] =	stream.strided.gather [hbm4b:s3+s4], $0x100, s6, s4, $0x38;
	[tilespmem:$0x8100] =	vst v63  }
0xb: {  	s9 =	simm.s32 $0x1;
	s13 =	sshrl.u32 s12, $0x1;
	_ =	swait.ge [sflag:s5], $0x100  }
0xc: {  	s7 =	sadd.s32 $0x1600, s7;
	s12 =	ssub.s32 s12, s13;
	[sflag:s5] =	ssyncset.done $0x0  }
0xd: {  	s8 =	simm.s32 $0x100;
	s31 =	smax.u32 s12, $0x1;
	[sflag:s5] =	ssyncadd.s32 $0xFFFFFF00  }
0xe: {  	[tilespmem:s8], [sflag:$0x1] =	stream.indirect.gather [hbm4b:s7+s8], $0x80, s2, s8, $0xb8;
	[tilespmem:$0x8100] =	vst v63  }
0xf: {  	p0 =	sne.s32 s31, $0x1;
	_ =	swait.ge [sflag:s9], $0x8000  }
.Ltmp0:
0x10: {  	s11 =	sshll.u32 s11, $0xC;
	[sflag:s9] =	ssyncset.done $0x0;
	(pc) =	sbr.rel @!p0 .LBB2_2-.Ltmp0, $4  }
0x11: {  	s10 =	sadd.s32 s10, s11;
	[sflag:s9] =	ssyncadd.s32 $0xFFFF8000  }
0x12: {  	[hbm4b:s10+s2] =	stream.linear.scatter [tilespmem:s8], [sflag:$0x2], $0x8000, $0x38;
	[tilespmem:$0x8100] =	vst v63  }
0x13: {  	_ =	swait.ge [sflag:s5], $0x8000  }
0x14: {  	s11 =	sadd.s32 $0xFFFFFFFF, s31;
	[sflag:s5] =	ssyncset.done $0x0  }
.LBB2_1:
0x15: {  	p0 =	sne.s32 s11, $0x1;
	s11 =	sadd.s32 $0xFFFFFFFF, s11;
	[sflag:s5] =	ssyncadd.s32 $0xFFFF8000  }
0x16: {  	[tilespmem:s2], [sflag:$0x2] =	stream.strided.gather [hbm4b:s3+s4], $0x100, s6, s4, $0x38;
	[tilespmem:$0x8100] =	vst v63  }
0x17: {  	_ =	swait.ge [sflag:s5], $0x100  }
0x18: {  	[sflag:s5] =	ssyncset.done $0x0  }
0x19: {  	[sflag:s5] =	ssyncadd.s32 $0xFFFFFF00  }
0x1a: {  	[tilespmem:s8], [sflag:$0x1] =	stream.indirect.gather [hbm4b:s7+s8], $0x80, s2, s8, $0xb8;
	[tilespmem:$0x8100] =	vst v63  }
0x1b: {  	_ =	swait.ge [sflag:s9], $0x8000  }
.Ltmp1:
0x1c: {  	[sflag:s9] =	ssyncset.done $0x0;
	(pc) =	sbr.rel @p0 .LBB2_1-.Ltmp1, $4  }
0x1d: {  	[sflag:s9] =	ssyncadd.s32 $0xFFFF8000  }
0x1e: {  	[hbm4b:s10+s2] =	stream.linear.scatter [tilespmem:s8], [sflag:$0x2], $0x8000, $0x38;
	[tilespmem:$0x8100] =	vst v63  }
0x1f: {  	_ =	swait.ge [sflag:s5], $0x8000  }
0x20: {  	[sflag:s5] =	ssyncset.done $0x0  }
.LBB2_2:
0x21: {  	[sflag:s5] =	ssyncadd.s32 $0xFFFF8000  }
0x22: {  	_ =	sfence.sel $0x180000  }
0x23: {  	[bflag:$0x0] =	sbarrier.arrive $0xFFFF  }
0x24: {  	p0 =	sne.s32 s0, $0x0;
	_ =	strace $0x90000047  }
0x25: {  	s0 =	sadd.s32 @!p0 $0x100000, s1;
	[bflag:$0x2] =	sbarrier.arrive $0xFFFF  }
0x26: {  	[sflag:s0] =	ssyncadd.tile.s32 @!p0 $0x1;
	_ =	shalt  }
.Lfunc_end2:
_tile_overlayer_lowered:
.L_overlay_start_2:
0x27: {  	(tag) =	ssettag $0x2  }
0x28: {  	s0 =	rddreg [dreg:$0x0];
	s2 =	stileid.u32  }
0x29: {  	s1 =	rddreg [dreg:$0x1];
	p0 =	sne.s32 s2, $0x0  }
0x2a: {  	s3 =	rddreg [dreg:$0x2];
	[bflag:$0x3] =	sbarrier.arrive $0xFFFF;
	s2 =	simm.s32 @!p0 $0x1C02  }
0x2b: {  	[timem:s3], [sflag:s2] =	dma.local @!p0 [hbm:s0], s1  }
0x2c: {  	s0 =	simm.s32 @!p0 $0x2  }
0x2d: {  	_ =	swait.ge @!p0 [sflag:s0], s1  }
0x2e: {  	s1 =	ssub.s32 @!p0 $0x0, s1;
	[sflag:s0] =	ssyncset.done @!p0 $0x0  }
0x2f: {  	[sflag:s0] =	ssyncadd.s32 @!p0 s1  }
0x30: {  	[bflag:$0x3] =	sbarrier.arrive $0xFFFF  }
0x31: {  	_ =	shalt  }

</sc_bundles>
